<compile_context>
chip_gen: v7x
topology: tpu7x:2x2x1
jax: 0.10.2.dev20260603
libtpu: 0.0.44.dev20260713+nightly
codegen_flags: <defaults>
</compile_context>

<pallas_src>
import jax
import jax.numpy as jnp
from jax import lax
from jax.experimental import pallas as pl
from jax.experimental.pallas import tpu as pltpu
from jax.experimental.pallas import tpu_sc as plsc

B = 16384
D = 16
NC = 2
NS = 16
NW = NC * NS
CHUNK = B // NW
GROUP = 16
NGROUP = CHUNK // GROUP
ROWSTRIDE = 17

LOG_MIN = -13.815511
LN2 = 0.6931472
SQRT2 = 1.4142135


def _vlog(x):
    bits = lax.bitcast_convert_type(x, jnp.int32)
    e = lax.shift_right_arithmetic(bits, 23) - 127
    m = lax.bitcast_convert_type(
        (bits & 0x7FFFFF) | 0x3F800000, jnp.float32)
    big = m > SQRT2
    m = jnp.where(big, m * 0.5, m)
    e = e + jnp.where(big, 1, 0)
    s = (m - 1.0) / (m + 1.0)
    z = s * s
    p = 2.0 * s * (1.0 + z * (0.33333334 + z * (0.2 + z * 0.14285715)))
    return e.astype(jnp.float32) * LN2 + p


def _sc_body(mus_hbm, ann_hbm, vals_hbm, conf_hbm, tabT_hbm,
             out_w, out_t,
             idx_v, rows_v, xbuf, vals_v, conf_v, wout_v, mus_v,
             totbuf_v, tot8_v, big_v, shared, *bufs_and_sems):
    bufs = bufs_and_sems[:GROUP]
    sems = bufs_and_sems[GROUP:]
    cid = lax.axis_index("c")
    sid = lax.axis_index("s")
    gid = cid * NS + sid
    base = gid * CHUNK

    pltpu.sync_copy(ann_hbm.at[pl.ds(base, CHUNK)], idx_v.at[pl.ds(0, CHUNK)])
    pltpu.sync_copy(vals_hbm.at[pl.ds(base, CHUNK)], vals_v)
    pltpu.sync_copy(conf_hbm.at[pl.ds(base, CHUNK)], conf_v)
    pltpu.sync_copy(mus_hbm, mus_v)
    idx_v[pl.ds(CHUNK, GROUP)] = jnp.zeros((16,), jnp.int32)

    emus = jnp.exp(mus_v[...])
    lane = lax.iota(jnp.int32, 16)

    def fire(ids_vec, k):
        r = ids_vec[k]
        blk = pl.multiple_of((r // 128) * 128, 128)
        pltpu.async_copy(tabT_hbm.at[:, pl.ds(blk, 128)], bufs[k], sems[k])

    ids0 = idx_v[pl.ds(0, GROUP)]
    for k in range(GROUP):
        fire(ids0, k)

    def stage_group(g, carry):
        ids_g, acc = carry
        ids_next = idx_v[pl.ds((g + 1) * GROUP, GROUP)]
        cols = ids_g % 128
        rid = lane + g * D
        maxv = jnp.full((16,), -1e30, jnp.float32)
        for k in range(GROUP):
            pltpu.make_async_copy(
                tabT_hbm.at[:, pl.ds(0, 128)], bufs[k], sems[k]).wait()
            v = plsc.load_gather(bufs[k], [lane, jnp.full((16,), cols[k],
                                                          jnp.int32)])
            plsc.store_scatter(
                rows_v, [jnp.full((16,), (g * GROUP + k) * ROWSTRIDE,
                                  jnp.int32) + lane], v)
            fire(ids_next, k)
        for j in range(D):
            xj = plsc.load_gather(rows_v, [rid * ROWSTRIDE + j]) + emus[j]
            xbuf[pl.ds(j * 16, 16)] = xj
            maxv = jnp.maximum(maxv, xj)
        sumv = jnp.zeros((16,), jnp.float32)
        for j in range(D):
            sumv = sumv + jnp.exp(xbuf[pl.ds(j * 16, 16)] - maxv)
        vals_g = vals_v[pl.ds(g * D, D)]
        logit_v = plsc.load_gather(xbuf, [vals_g * 16 + lane])
        ll = logit_v - maxv - _vlog(sumv)
        ll = jnp.maximum(ll, LOG_MIN)
        w = conf_v[pl.ds(g * D, D)] * ll
        wout_v[pl.ds(g * D, D)] = w
        return ids_next, acc + w

    _, acc = lax.fori_loop(0, NGROUP, stage_group,
                           (ids0, jnp.zeros((16,), jnp.float32)))
    for k in range(GROUP):
        pltpu.make_async_copy(
            tabT_hbm.at[:, pl.ds(0, 128)], bufs[k], sems[k]).wait()

    pltpu.sync_copy(wout_v, out_w.at[pl.ds(base, CHUNK)])

    totbuf_v[...] = acc
    pltpu.sync_copy(totbuf_v, shared.at[pl.ds(sid * 16, 16)])
    plsc.subcore_barrier()

    @pl.when(sid == 0)
    def _():
        pltpu.sync_copy(shared, big_v)
        svec = jnp.zeros((16,), jnp.float32)
        for r in range(NS):
            svec = svec + big_v[pl.ds(r * 16, 16)]
        t = jnp.sum(svec)
        tvec = jnp.full((16,), t, jnp.float32)
        for p in range(8):
            tot8_v[p, :] = tvec
        pltpu.sync_copy(tot8_v, out_t.at[cid])


@jax.jit
def _run(mus, table, annotators, values, confidences):
    mesh = plsc.VectorSubcoreMesh(core_axis_name="c", subcore_axis_name="s")
    f = pl.kernel(
        _sc_body,
        out_type=(
            jax.ShapeDtypeStruct((B,), jnp.float32),
            jax.ShapeDtypeStruct((NC, 8, 16), jnp.float32),
        ),
        mesh=mesh,
        compiler_params=pltpu.CompilerParams(
            needs_layout_passes=False,
            use_tc_tiling_on_sc=True,
        ),
        scratch_types=[
            pltpu.VMEM((CHUNK + GROUP,), jnp.int32),
            pltpu.VMEM((CHUNK * ROWSTRIDE,), jnp.float32),
            pltpu.VMEM((D * 16,), jnp.float32),
            pltpu.VMEM((CHUNK,), jnp.int32),
            pltpu.VMEM((CHUNK,), jnp.float32),
            pltpu.VMEM((CHUNK,), jnp.float32),
            pltpu.VMEM((16,), jnp.float32),
            pltpu.VMEM((16,), jnp.float32),
            pltpu.VMEM((8, 16), jnp.float32),
            pltpu.VMEM((NS * 16,), jnp.float32),
            pltpu.VMEM_SHARED((NS * 16,), jnp.float32),
        ] + [pltpu.VMEM((16, 128), jnp.float32)] * GROUP
          + [pltpu.SemaphoreType.DMA] * GROUP,
    )
    out_w, out_t = f(mus, annotators.astype(jnp.int32),
                     values.astype(jnp.int32), confidences, table.T)
    return out_w, out_t


def kernel(mus, table, annotators, values, confidences):
    out_w, out_t = _run(mus, table, annotators, values, confidences)
    total = out_t[0, 0, 0] + out_t[1, 0, 0]
    return (out_w, total)

# --- scband reference (transcript-rebuilt; emitter-appended) ---
"""Pipeline reference for scband-document-edge-annotation-likelihood-1726576853579 (READ-ONLY COPY).

The authoritative reference and input builder live on the scoring server;
editing this copy changes nothing except your own understanding.
"""

import jax, jax.numpy as jnp
import numpy as np

MIN_LIKELIHOOD = 1e-6


def setup_inputs(seed: int = 0) -> dict:
    key = jax.random.key(seed)
    k1, k2, k3, k4, k5 = jax.random.split(key, 5)
    # per-property mean parameter (prop_dim = 16 categories)
    mus = jax.random.normal(k1, (16,), dtype=jnp.float32)
    # annotator random-effects table: one prop_dim vector per annotator
    table = jax.random.normal(k2, (1000000, 16), dtype=jnp.float32)
    # annotator index for each annotation (embedding lookup indices)
    annotators = jax.random.randint(k3, (16384,), 0, 1000000)
    # observed categorical annotation value per annotation
    values = jax.random.randint(k4, (16384,), 0, 16)
    # ridit-scored confidence per annotation
    confidences = jax.random.uniform(k5, (16384,), dtype=jnp.float32)
    return {"mus": mus, "table": table, "annotators": annotators,
            "values": values, "confidences": confidences}


def reference(mus, table, annotators, values, confidences):
    # gather annotator random effects (embedding lookup)
    random = jnp.take(table, annotators, axis=0)            # [B, D]
    # Categorical(softmax(exp(mu) + random)) as in _get_distribution
    logits = jnp.exp(mus)[None, :] + random                 # [B, D]
    log_probs = jax.nn.log_softmax(logits, axis=-1)         # [B, D]
    # Categorical.log_prob(value)
    ll = jnp.take_along_axis(log_probs, values[:, None], axis=1).squeeze(-1)
    # clamp at log(MIN_LIKELIHOOD)
    min_ll = jnp.log(jnp.full(ll.shape, MIN_LIKELIHOOD, dtype=ll.dtype))
    ll = jnp.where(ll > min_ll, ll, min_ll)
    # confidence-weighted per-annotation likelihood and running total
    weighted = confidences * ll                              # [B]
    total_ll = jnp.sum(weighted)                             # scalar
    return (weighted, total_ll)

if __name__ == "__main__":
    import jax
    _d = setup_inputs()
    print(jax.jit(kernel)(*tuple(_d.values())))

</pallas_src>

<mosaic_0001>
#map = affine_map<(d0, d1) -> (0)>
#map1 = affine_map<(d0, d1) -> (0, 0)>
#map2 = affine_map<(d0, d1) -> (0, 0, 0)>
module attributes {stable_mosaic.version = 14 : i64} {
  func.func @_sc_body(%arg0: i32, %arg1: i32, %arg2: memref<16xf32, #tpu.memory_space<hbm>>, %arg3: memref<16384xi32, #tpu.memory_space<hbm>>, %arg4: memref<16384xi32, #tpu.memory_space<hbm>>, %arg5: memref<16384xf32, #tpu.memory_space<hbm>>, %arg6: memref<16x1000000xf32, #tpu.memory_space<hbm>>, %arg7: memref<16384xf32, #tpu.memory_space<hbm>>, %arg8: memref<2x8x16xf32, #tpu.memory_space<hbm>>, %arg9: memref<528xi32, #tpu.memory_space<vmem>>, %arg10: memref<8704xf32, #tpu.memory_space<vmem>>, %arg11: memref<256xf32, #tpu.memory_space<vmem>>, %arg12: memref<512xi32, #tpu.memory_space<vmem>>, %arg13: memref<512xf32, #tpu.memory_space<vmem>>, %arg14: memref<512xf32, #tpu.memory_space<vmem>>, %arg15: memref<16xf32, #tpu.memory_space<vmem>>, %arg16: memref<16xf32, #tpu.memory_space<vmem>>, %arg17: memref<8x16xf32, #tpu.memory_space<vmem>>, %arg18: memref<256xf32, #tpu.memory_space<vmem>>, %arg19: memref<256xf32, #tpu.memory_space<vmem_shared>>, %arg20: memref<16x128xf32, #tpu.memory_space<vmem>>, %arg21: memref<16x128xf32, #tpu.memory_space<vmem>>, %arg22: memref<16x128xf32, #tpu.memory_space<vmem>>, %arg23: memref<16x128xf32, #tpu.memory_space<vmem>>, %arg24: memref<16x128xf32, #tpu.memory_space<vmem>>, %arg25: memref<16x128xf32, #tpu.memory_space<vmem>>, %arg26: memref<16x128xf32, #tpu.memory_space<vmem>>, %arg27: memref<16x128xf32, #tpu.memory_space<vmem>>, %arg28: memref<16x128xf32, #tpu.memory_space<vmem>>, %arg29: memref<16x128xf32, #tpu.memory_space<vmem>>, %arg30: memref<16x128xf32, #tpu.memory_space<vmem>>, %arg31: memref<16x128xf32, #tpu.memory_space<vmem>>, %arg32: memref<16x128xf32, #tpu.memory_space<vmem>>, %arg33: memref<16x128xf32, #tpu.memory_space<vmem>>, %arg34: memref<16x128xf32, #tpu.memory_space<vmem>>, %arg35: memref<16x128xf32, #tpu.memory_space<vmem>>, %arg36: memref<!tpu.dma_semaphore, #tpu.memory_space<semaphore_mem>>, %arg37: memref<!tpu.dma_semaphore, #tpu.memory_space<semaphore_mem>>, %arg38: memref<!tpu.dma_semaphore, #tpu.memory_space<semaphore_mem>>, %arg39: memref<!tpu.dma_semaphore, #tpu.memory_space<semaphore_mem>>, %arg40: memref<!tpu.dma_semaphore, #tpu.memory_space<semaphore_mem>>, %arg41: memref<!tpu.dma_semaphore, #tpu.memory_space<semaphore_mem>>, %arg42: memref<!tpu.dma_semaphore, #tpu.memory_space<semaphore_mem>>, %arg43: memref<!tpu.dma_semaphore, #tpu.memory_space<semaphore_mem>>, %arg44: memref<!tpu.dma_semaphore, #tpu.memory_space<semaphore_mem>>, %arg45: memref<!tpu.dma_semaphore, #tpu.memory_space<semaphore_mem>>, %arg46: memref<!tpu.dma_semaphore, #tpu.memory_space<semaphore_mem>>, %arg47: memref<!tpu.dma_semaphore, #tpu.memory_space<semaphore_mem>>, %arg48: memref<!tpu.dma_semaphore, #tpu.memory_space<semaphore_mem>>, %arg49: memref<!tpu.dma_semaphore, #tpu.memory_space<semaphore_mem>>, %arg50: memref<!tpu.dma_semaphore, #tpu.memory_space<semaphore_mem>>, %arg51: memref<!tpu.dma_semaphore, #tpu.memory_space<semaphore_mem>>) attributes {dimension_semantics = [#tpu.dimension_semantics<core_parallel>, #tpu.dimension_semantics<subcore_parallel>], iteration_bounds = array<i64: 2, 16>, scalar_prefetch = 0 : i64, scratch_operands = 43 : i64, tpu.core_type = #tpu.core_type<sc_vector_subcore>, window_params = [{transform_indices = #map}, {transform_indices = #map}, {transform_indices = #map}, {transform_indices = #map}, {transform_indices = #map1}, {transform_indices = #map}, {transform_indices = #map2}]} {
    %mul3A = arith.constant 16 : i32
    %mul3A_0 = arith.muli %arg0, %mul3A : i32
    %add3A = arith.addi %mul3A_0, %arg1 : i32
    %mul3A_1 = arith.constant 512 : i32
    %mul3A_2 = arith.muli %add3A, %mul3A_1 : i32
    "tpu.region"() ({
      %run_scoped3A = tpu.sem_alloc : memref<!tpu.dma_semaphore, #tpu.memory_space<semaphore_mem>>
      %dma_start3A_632 = arith.constant 0 : i32
      %dma_start3A_633 = tpu.memref_slice %arg9[%dma_start3A_632] : memref<528xi32, #tpu.memory_space<vmem>> -> memref<512xi32, #tpu.memory_space<vmem>>
      %dma_start3A_634 = tpu.memref_slice %arg3[%mul3A_2] : memref<16384xi32, #tpu.memory_space<hbm>> -> memref<512xi32, #tpu.memory_space<hbm>>
      %dma_start3A_635 = arith.constant 0 : i32
      %dma_start3A_636 = tpu.memref_slice %arg9[%dma_start3A_635] : memref<528xi32, #tpu.memory_space<vmem>> -> memref<512xi32, #tpu.memory_space<vmem>>
      %dma_start3A_637 = tpu.memref_slice %arg3[%mul3A_2] : memref<16384xi32, #tpu.memory_space<hbm>> -> memref<512xi32, #tpu.memory_space<hbm>>
      tpu.enqueue_dma source(%dma_start3A_637 : memref<512xi32, #tpu.memory_space<hbm>>) target(%dma_start3A_636 : memref<512xi32, #tpu.memory_space<vmem>>) target_semaphore(%run_scoped3A : memref<!tpu.dma_semaphore, #tpu.memory_space<semaphore_mem>>)
      %dma_wait3A_638 = arith.constant 0 : i32
      %dma_wait3A_639 = tpu.memref_slice %arg9[%dma_wait3A_638] : memref<528xi32, #tpu.memory_space<vmem>> -> memref<512xi32, #tpu.memory_space<vmem>>
      %dma_wait3A_640 = tpu.memref_slice %arg3[%mul3A_2] : memref<16384xi32, #tpu.memory_space<hbm>> -> memref<512xi32, #tpu.memory_space<hbm>>
      %dma_wait3A_641 = arith.constant 0 : i32
      %dma_wait3A_642 = tpu.memref_slice %arg9[%dma_wait3A_641] : memref<528xi32, #tpu.memory_space<vmem>> -> memref<512xi32, #tpu.memory_space<vmem>>
      %dma_wait3A_643 = tpu.memref_slice %arg3[%mul3A_2] : memref<16384xi32, #tpu.memory_space<hbm>> -> memref<512xi32, #tpu.memory_space<hbm>>
      tpu.wait_dma2 semaphore(%run_scoped3A : memref<!tpu.dma_semaphore, #tpu.memory_space<semaphore_mem>>) src(%dma_wait3A_643 : memref<512xi32, #tpu.memory_space<hbm>>) dst(%dma_wait3A_642 : memref<512xi32, #tpu.memory_space<vmem>>)
      tpu.yield
    }) : () -> ()
    "tpu.region"() ({
      %run_scoped3A = tpu.sem_alloc : memref<!tpu.dma_semaphore, #tpu.memory_space<semaphore_mem>>
      %dma_start3A_632 = tpu.memref_slice %arg4[%mul3A_2] : memref<16384xi32, #tpu.memory_space<hbm>> -> memref<512xi32, #tpu.memory_space<hbm>>
      %dma_start3A_633 = tpu.memref_slice %arg4[%mul3A_2] : memref<16384xi32, #tpu.memory_space<hbm>> -> memref<512xi32, #tpu.memory_space<hbm>>
      tpu.enqueue_dma source(%dma_start3A_633 : memref<512xi32, #tpu.memory_space<hbm>>) target(%arg12 : memref<512xi32, #tpu.memory_space<vmem>>) target_semaphore(%run_scoped3A : memref<!tpu.dma_semaphore, #tpu.memory_space<semaphore_mem>>)
      %dma_wait3A_634 = tpu.memref_slice %arg4[%mul3A_2] : memref<16384xi32, #tpu.memory_space<hbm>> -> memref<512xi32, #tpu.memory_space<hbm>>
      %dma_wait3A_635 = tpu.memref_slice %arg4[%mul3A_2] : memref<16384xi32, #tpu.memory_space<hbm>> -> memref<512xi32, #tpu.memory_space<hbm>>
      tpu.wait_dma2 semaphore(%run_scoped3A : memref<!tpu.dma_semaphore, #tpu.memory_space<semaphore_mem>>) src(%dma_wait3A_635 : memref<512xi32, #tpu.memory_space<hbm>>) dst(%arg12 : memref<512xi32, #tpu.memory_space<vmem>>)
      tpu.yield
    }) : () -> ()
    "tpu.region"() ({
      %run_scoped3A = tpu.sem_alloc : memref<!tpu.dma_semaphore, #tpu.memory_space<semaphore_mem>>
      %dma_start3A_632 = tpu.memref_slice %arg5[%mul3A_2] : memref<16384xf32, #tpu.memory_space<hbm>> -> memref<512xf32, #tpu.memory_space<hbm>>
      %dma_start3A_633 = tpu.memref_slice %arg5[%mul3A_2] : memref<16384xf32, #tpu.memory_space<hbm>> -> memref<512xf32, #tpu.memory_space<hbm>>
      tpu.enqueue_dma source(%dma_start3A_633 : memref<512xf32, #tpu.memory_space<hbm>>) target(%arg13 : memref<512xf32, #tpu.memory_space<vmem>>) target_semaphore(%run_scoped3A : memref<!tpu.dma_semaphore, #tpu.memory_space<semaphore_mem>>)
      %dma_wait3A_634 = tpu.memref_slice %arg5[%mul3A_2] : memref<16384xf32, #tpu.memory_space<hbm>> -> memref<512xf32, #tpu.memory_space<hbm>>
      %dma_wait3A_635 = tpu.memref_slice %arg5[%mul3A_2] : memref<16384xf32, #tpu.memory_space<hbm>> -> memref<512xf32, #tpu.memory_space<hbm>>
      tpu.wait_dma2 semaphore(%run_scoped3A : memref<!tpu.dma_semaphore, #tpu.memory_space<semaphore_mem>>) src(%dma_wait3A_635 : memref<512xf32, #tpu.memory_space<hbm>>) dst(%arg13 : memref<512xf32, #tpu.memory_space<vmem>>)
      tpu.yield
    }) : () -> ()
    "tpu.region"() ({
      %run_scoped3A = tpu.sem_alloc : memref<!tpu.dma_semaphore, #tpu.memory_space<semaphore_mem>>
      tpu.enqueue_dma source(%arg2 : memref<16xf32, #tpu.memory_space<hbm>>) target(%arg15 : memref<16xf32, #tpu.memory_space<vmem>>) target_semaphore(%run_scoped3A : memref<!tpu.dma_semaphore, #tpu.memory_space<semaphore_mem>>)
      tpu.wait_dma2 semaphore(%run_scoped3A : memref<!tpu.dma_semaphore, #tpu.memory_space<semaphore_mem>>) src(%arg2 : memref<16xf32, #tpu.memory_space<hbm>>) dst(%arg15 : memref<16xf32, #tpu.memory_space<vmem>>)
      tpu.yield
    }) : () -> ()
    %broadcast_in_dim3A = arith.constant 0 : i32
    %broadcast_in_dim3A_3 = vector.broadcast %broadcast_in_dim3A : i32 to vector<16xi32>
    %swap3A = arith.constant 512 : index
    %swap3A_4 = tpu.vector_load %arg9[%swap3A] {strides = array<i32>} : memref<528xi32, #tpu.memory_space<vmem>>, vector<16xi32>,
    tpu.vector_store %arg9[%swap3A], %broadcast_in_dim3A_3 {strides = array<i32>} : memref<528xi32, #tpu.memory_space<vmem>>, vector<16xi32>,
    %get3A = arith.constant 0 : index
    %get3A_5 = tpu.vector_load %arg15[%get3A] {strides = array<i32>} : memref<16xf32, #tpu.memory_space<vmem>>, vector<16xf32>,
    %exp3A = math.exp %get3A_5 : vector<16xf32>
    %iota3A = tpu.iota {dimensions = array<i32: 0>} : vector<16xi32>
    %get3A_6 = arith.constant 0 : index
    %get3A_7 = tpu.vector_load %arg9[%get3A_6] {strides = array<i32>} : memref<528xi32, #tpu.memory_space<vmem>>, vector<16xi32>,
    %slice3A = vector.extract_strided_slice %get3A_7 {offsets = [0], sizes = [1], strides = [1]} : vector<16xi32> to vector<1xi32>
    %squeeze3A = vector.extract %slice3A[0] : i32 from vector<1xi32>
    %jit3A = arith.constant 128 : i32
    %div3A = arith.divsi %squeeze3A, %jit3A : i32
    %sign3A = arith.constant 0 : i32
    %sign3A_8 = arith.cmpi sgt, %squeeze3A, %sign3A : i32
    %sign3A_9 = arith.extui %sign3A_8 : i1 to i32
    %sign3A_10 = arith.constant 0 : i32
    %sign3A_11 = arith.cmpi slt, %squeeze3A, %sign3A_10 : i32
    %sign3A_12 = arith.extui %sign3A_11 : i1 to i32
    %sign3A_13 = arith.subi %sign3A_9, %sign3A_12 : i32
    %sign3A_14 = arith.constant 0 : i32
    %sign3A_15 = arith.cmpi sgt, %jit3A, %sign3A_14 : i32
    %sign3A_16 = arith.extui %sign3A_15 : i1 to i32
    %sign3A_17 = arith.constant 0 : i32
    %sign3A_18 = arith.cmpi slt, %jit3A, %sign3A_17 : i32
    %sign3A_19 = arith.extui %sign3A_18 : i1 to i32
    %sign3A_20 = arith.subi %sign3A_16, %sign3A_19 : i32
    %ne3A = arith.cmpi ne, %sign3A_13, %sign3A_20 : i32
    %rem3A = arith.remsi %squeeze3A, %jit3A : i32
    %ne3A_21 = arith.constant 0 : i32
    %ne3A_22 = arith.cmpi ne, %rem3A, %ne3A_21 : i32
    %and3A = arith.andi %ne3A, %ne3A_22 : i1
    %sub3A = arith.constant 1 : i32
    %sub3A_23 = arith.subi %div3A, %sub3A : i32
    %select_n3A = arith.select %and3A, %sub3A_23, %div3A : i32
    %mul3A_24 = arith.constant 128 : i32
    %mul3A_25 = arith.muli %select_n3A, %mul3A_24 : i32
    %multiple_of3A = tpu.assume_multiple %mul3A_25, 128 : i32
    %dma_start3A = arith.constant 0 : i32
    %dma_start3A_26 = tpu.memref_slice %arg6[%dma_start3A, %multiple_of3A] : memref<16x1000000xf32, #tpu.memory_space<hbm>> -> memref<16x128xf32, #tpu.memory_space<hbm>>
    %dma_start3A_27 = arith.constant 0 : i32
    %dma_start3A_28 = tpu.memref_slice %arg6[%dma_start3A_27, %multiple_of3A] : memref<16x1000000xf32, #tpu.memory_space<hbm>> -> memref<16x128xf32, #tpu.memory_space<hbm>>
    tpu.enqueue_dma source(%dma_start3A_28 : memref<16x128xf32, #tpu.memory_space<hbm>>) target(%arg20 : memref<16x128xf32, #tpu.memory_space<vmem>>) target_semaphore(%arg36 : memref<!tpu.dma_semaphore, #tpu.memory_space<semaphore_mem>>)
    %slice3A_29 = vector.extract_strided_slice %get3A_7 {offsets = [1], sizes = [1], strides = [1]} : vector<16xi32> to vector<1xi32>
    %squeeze3A_30 = vector.extract %slice3A_29[0] : i32 from vector<1xi32>
    %jit3A_31 = arith.constant 128 : i32
    %div3A_32 = arith.divsi %squeeze3A_30, %jit3A_31 : i32
    %sign3A_33 = arith.constant 0 : i32
    %sign3A_34 = arith.cmpi sgt, %squeeze3A_30, %sign3A_33 : i32
    %sign3A_35 = arith.extui %sign3A_34 : i1 to i32
    %sign3A_36 = arith.constant 0 : i32
    %sign3A_37 = arith.cmpi slt, %squeeze3A_30, %sign3A_36 : i32
    %sign3A_38 = arith.extui %sign3A_37 : i1 to i32
    %sign3A_39 = arith.subi %sign3A_35, %sign3A_38 : i32
    %sign3A_40 = arith.constant 0 : i32
    %sign3A_41 = arith.cmpi sgt, %jit3A_31, %sign3A_40 : i32
    %sign3A_42 = arith.extui %sign3A_41 : i1 to i32
    %sign3A_43 = arith.constant 0 : i32
    %sign3A_44 = arith.cmpi slt, %jit3A_31, %sign3A_43 : i32
    %sign3A_45 = arith.extui %sign3A_44 : i1 to i32
    %sign3A_46 = arith.subi %sign3A_42, %sign3A_45 : i32
    %ne3A_47 = arith.cmpi ne, %sign3A_39, %sign3A_46 : i32
    %rem3A_48 = arith.remsi %squeeze3A_30, %jit3A_31 : i32
    %ne3A_49 = arith.constant 0 : i32
    %ne3A_50 = arith.cmpi ne, %rem3A_48, %ne3A_49 : i32
    %and3A_51 = arith.andi %ne3A_47, %ne3A_50 : i1
    %sub3A_52 = arith.constant 1 : i32
    %sub3A_53 = arith.subi %div3A_32, %sub3A_52 : i32
    %select_n3A_54 = arith.select %and3A_51, %sub3A_53, %div3A_32 : i32
    %mul3A_55 = arith.constant 128 : i32
    %mul3A_56 = arith.muli %select_n3A_54, %mul3A_55 : i32
    %multiple_of3A_57 = tpu.assume_multiple %mul3A_56, 128 : i32
    %dma_start3A_58 = arith.constant 0 : i32
    %dma_start3A_59 = tpu.memref_slice %arg6[%dma_start3A_58, %multiple_of3A_57] : memref<16x1000000xf32, #tpu.memory_space<hbm>> -> memref<16x128xf32, #tpu.memory_space<hbm>>
    %dma_start3A_60 = arith.constant 0 : i32
    %dma_start3A_61 = tpu.memref_slice %arg6[%dma_start3A_60, %multiple_of3A_57] : memref<16x1000000xf32, #tpu.memory_space<hbm>> -> memref<16x128xf32, #tpu.memory_space<hbm>>
    tpu.enqueue_dma source(%dma_start3A_61 : memref<16x128xf32, #tpu.memory_space<hbm>>) target(%arg21 : memref<16x128xf32, #tpu.memory_space<vmem>>) target_semaphore(%arg37 : memref<!tpu.dma_semaphore, #tpu.memory_space<semaphore_mem>>)
    %slice3A_62 = vector.extract_strided_slice %get3A_7 {offsets = [2], sizes = [1], strides = [1]} : vector<16xi32> to vector<1xi32>
    %squeeze3A_63 = vector.extract %slice3A_62[0] : i32 from vector<1xi32>
    %jit3A_64 = arith.constant 128 : i32
    %div3A_65 = arith.divsi %squeeze3A_63, %jit3A_64 : i32
    %sign3A_66 = arith.constant 0 : i32
    %sign3A_67 = arith.cmpi sgt, %squeeze3A_63, %sign3A_66 : i32
    %sign3A_68 = arith.extui %sign3A_67 : i1 to i32
    %sign3A_69 = arith.constant 0 : i32
    %sign3A_70 = arith.cmpi slt, %squeeze3A_63, %sign3A_69 : i32
    %sign3A_71 = arith.extui %sign3A_70 : i1 to i32
    %sign3A_72 = arith.subi %sign3A_68, %sign3A_71 : i32
    %sign3A_73 = arith.constant 0 : i32
    %sign3A_74 = arith.cmpi sgt, %jit3A_64, %sign3A_73 : i32
    %sign3A_75 = arith.extui %sign3A_74 : i1 to i32
    %sign3A_76 = arith.constant 0 : i32
    %sign3A_77 = arith.cmpi slt, %jit3A_64, %sign3A_76 : i32
    %sign3A_78 = arith.extui %sign3A_77 : i1 to i32
    %sign3A_79 = arith.subi %sign3A_75, %sign3A_78 : i32
    %ne3A_80 = arith.cmpi ne, %sign3A_72, %sign3A_79 : i32
    %rem3A_81 = arith.remsi %squeeze3A_63, %jit3A_64 : i32
    %ne3A_82 = arith.constant 0 : i32
    %ne3A_83 = arith.cmpi ne, %rem3A_81, %ne3A_82 : i32
    %and3A_84 = arith.andi %ne3A_80, %ne3A_83 : i1
    %sub3A_85 = arith.constant 1 : i32
    %sub3A_86 = arith.subi %div3A_65, %sub3A_85 : i32
    %select_n3A_87 = arith.select %and3A_84, %sub3A_86, %div3A_65 : i32
    %mul3A_88 = arith.constant 128 : i32
    %mul3A_89 = arith.muli %select_n3A_87, %mul3A_88 : i32
    %multiple_of3A_90 = tpu.assume_multiple %mul3A_89, 128 : i32
    %dma_start3A_91 = arith.constant 0 : i32
    %dma_start3A_92 = tpu.memref_slice %arg6[%dma_start3A_91, %multiple_of3A_90] : memref<16x1000000xf32, #tpu.memory_space<hbm>> -> memref<16x128xf32, #tpu.memory_space<hbm>>
    %dma_start3A_93 = arith.constant 0 : i32
    %dma_start3A_94 = tpu.memref_slice %arg6[%dma_start3A_93, %multiple_of3A_90] : memref<16x1000000xf32, #tpu.memory_space<hbm>> -> memref<16x128xf32, #tpu.memory_space<hbm>>
    tpu.enqueue_dma source(%dma_start3A_94 : memref<16x128xf32, #tpu.memory_space<hbm>>) target(%arg22 : memref<16x128xf32, #tpu.memory_space<vmem>>) target_semaphore(%arg38 : memref<!tpu.dma_semaphore, #tpu.memory_space<semaphore_mem>>)
    %slice3A_95 = vector.extract_strided_slice %get3A_7 {offsets = [3], sizes = [1], strides = [1]} : vector<16xi32> to vector<1xi32>
    %squeeze3A_96 = vector.extract %slice3A_95[0] : i32 from vector<1xi32>
    %jit3A_97 = arith.constant 128 : i32
    %div3A_98 = arith.divsi %squeeze3A_96, %jit3A_97 : i32
    %sign3A_99 = arith.constant 0 : i32
    %sign3A_100 = arith.cmpi sgt, %squeeze3A_96, %sign3A_99 : i32
    %sign3A_101 = arith.extui %sign3A_100 : i1 to i32
    %sign3A_102 = arith.constant 0 : i32
    %sign3A_103 = arith.cmpi slt, %squeeze3A_96, %sign3A_102 : i32
    %sign3A_104 = arith.extui %sign3A_103 : i1 to i32
    %sign3A_105 = arith.subi %sign3A_101, %sign3A_104 : i32
    %sign3A_106 = arith.constant 0 : i32
    %sign3A_107 = arith.cmpi sgt, %jit3A_97, %sign3A_106 : i32
    %sign3A_108 = arith.extui %sign3A_107 : i1 to i32
    %sign3A_109 = arith.constant 0 : i32
    %sign3A_110 = arith.cmpi slt, %jit3A_97, %sign3A_109 : i32
    %sign3A_111 = arith.extui %sign3A_110 : i1 to i32
    %sign3A_112 = arith.subi %sign3A_108, %sign3A_111 : i32
    %ne3A_113 = arith.cmpi ne, %sign3A_105, %sign3A_112 : i32
    %rem3A_114 = arith.remsi %squeeze3A_96, %jit3A_97 : i32
    %ne3A_115 = arith.constant 0 : i32
    %ne3A_116 = arith.cmpi ne, %rem3A_114, %ne3A_115 : i32
    %and3A_117 = arith.andi %ne3A_113, %ne3A_116 : i1
    %sub3A_118 = arith.constant 1 : i32
    %sub3A_119 = arith.subi %div3A_98, %sub3A_118 : i32
    %select_n3A_120 = arith.select %and3A_117, %sub3A_119, %div3A_98 : i32
    %mul3A_121 = arith.constant 128 : i32
    %mul3A_122 = arith.muli %select_n3A_120, %mul3A_121 : i32
    %multiple_of3A_123 = tpu.assume_multiple %mul3A_122, 128 : i32
    %dma_start3A_124 = arith.constant 0 : i32
    %dma_start3A_125 = tpu.memref_slice %arg6[%dma_start3A_124, %multiple_of3A_123] : memref<16x1000000xf32, #tpu.memory_space<hbm>> -> memref<16x128xf32, #tpu.memory_space<hbm>>
    %dma_start3A_126 = arith.constant 0 : i32
    %dma_start3A_127 = tpu.memref_slice %arg6[%dma_start3A_126, %multiple_of3A_123] : memref<16x1000000xf32, #tpu.memory_space<hbm>> -> memref<16x128xf32, #tpu.memory_space<hbm>>
    tpu.enqueue_dma source(%dma_start3A_127 : memref<16x128xf32, #tpu.memory_space<hbm>>) target(%arg23 : memref<16x128xf32, #tpu.memory_space<vmem>>) target_semaphore(%arg39 : memref<!tpu.dma_semaphore, #tpu.memory_space<semaphore_mem>>)
    %slice3A_128 = vector.extract_strided_slice %get3A_7 {offsets = [4], sizes = [1], strides = [1]} : vector<16xi32> to vector<1xi32>
    %squeeze3A_129 = vector.extract %slice3A_128[0] : i32 from vector<1xi32>
    %jit3A_130 = arith.constant 128 : i32
    %div3A_131 = arith.divsi %squeeze3A_129, %jit3A_130 : i32
    %sign3A_132 = arith.constant 0 : i32
    %sign3A_133 = arith.cmpi sgt, %squeeze3A_129, %sign3A_132 : i32
    %sign3A_134 = arith.extui %sign3A_133 : i1 to i32
    %sign3A_135 = arith.constant 0 : i32
    %sign3A_136 = arith.cmpi slt, %squeeze3A_129, %sign3A_135 : i32
    %sign3A_137 = arith.extui %sign3A_136 : i1 to i32
    %sign3A_138 = arith.subi %sign3A_134, %sign3A_137 : i32
    %sign3A_139 = arith.constant 0 : i32
    %sign3A_140 = arith.cmpi sgt, %jit3A_130, %sign3A_139 : i32
    %sign3A_141 = arith.extui %sign3A_140 : i1 to i32
    %sign3A_142 = arith.constant 0 : i32
    %sign3A_143 = arith.cmpi slt, %jit3A_130, %sign3A_142 : i32
    %sign3A_144 = arith.extui %sign3A_143 : i1 to i32
    %sign3A_145 = arith.subi %sign3A_141, %sign3A_144 : i32
    %ne3A_146 = arith.cmpi ne, %sign3A_138, %sign3A_145 : i32
    %rem3A_147 = arith.remsi %squeeze3A_129, %jit3A_130 : i32
    %ne3A_148 = arith.constant 0 : i32
    %ne3A_149 = arith.cmpi ne, %rem3A_147, %ne3A_148 : i32
    %and3A_150 = arith.andi %ne3A_146, %ne3A_149 : i1
    %sub3A_151 = arith.constant 1 : i32
    %sub3A_152 = arith.subi %div3A_131, %sub3A_151 : i32
    %select_n3A_153 = arith.select %and3A_150, %sub3A_152, %div3A_131 : i32
    %mul3A_154 = arith.constant 128 : i32
    %mul3A_155 = arith.muli %select_n3A_153, %mul3A_154 : i32
    %multiple_of3A_156 = tpu.assume_multiple %mul3A_155, 128 : i32
    %dma_start3A_157 = arith.constant 0 : i32
    %dma_start3A_158 = tpu.memref_slice %arg6[%dma_start3A_157, %multiple_of3A_156] : memref<16x1000000xf32, #tpu.memory_space<hbm>> -> memref<16x128xf32, #tpu.memory_space<hbm>>
    %dma_start3A_159 = arith.constant 0 : i32
    %dma_start3A_160 = tpu.memref_slice %arg6[%dma_start3A_159, %multiple_of3A_156] : memref<16x1000000xf32, #tpu.memory_space<hbm>> -> memref<16x128xf32, #tpu.memory_space<hbm>>
    tpu.enqueue_dma source(%dma_start3A_160 : memref<16x128xf32, #tpu.memory_space<hbm>>) target(%arg24 : memref<16x128xf32, #tpu.memory_space<vmem>>) target_semaphore(%arg40 : memref<!tpu.dma_semaphore, #tpu.memory_space<semaphore_mem>>)
    %slice3A_161 = vector.extract_strided_slice %get3A_7 {offsets = [5], sizes = [1], strides = [1]} : vector<16xi32> to vector<1xi32>
    %squeeze3A_162 = vector.extract %slice3A_161[0] : i32 from vector<1xi32>
    %jit3A_163 = arith.constant 128 : i32
    %div3A_164 = arith.divsi %squeeze3A_162, %jit3A_163 : i32
    %sign3A_165 = arith.constant 0 : i32
    %sign3A_166 = arith.cmpi sgt, %squeeze3A_162, %sign3A_165 : i32
    %sign3A_167 = arith.extui %sign3A_166 : i1 to i32
    %sign3A_168 = arith.constant 0 : i32
    %sign3A_169 = arith.cmpi slt, %squeeze3A_162, %sign3A_168 : i32
    %sign3A_170 = arith.extui %sign3A_169 : i1 to i32
    %sign3A_171 = arith.subi %sign3A_167, %sign3A_170 : i32
    %sign3A_172 = arith.constant 0 : i32
    %sign3A_173 = arith.cmpi sgt, %jit3A_163, %sign3A_172 : i32
    %sign3A_174 = arith.extui %sign3A_173 : i1 to i32
    %sign3A_175 = arith.constant 0 : i32
    %sign3A_176 = arith.cmpi slt, %jit3A_163, %sign3A_175 : i32
    %sign3A_177 = arith.extui %sign3A_176 : i1 to i32
    %sign3A_178 = arith.subi %sign3A_174, %sign3A_177 : i32
    %ne3A_179 = arith.cmpi ne, %sign3A_171, %sign3A_178 : i32
    %rem3A_180 = arith.remsi %squeeze3A_162, %jit3A_163 : i32
    %ne3A_181 = arith.constant 0 : i32
    %ne3A_182 = arith.cmpi ne, %rem3A_180, %ne3A_181 : i32
    %and3A_183 = arith.andi %ne3A_179, %ne3A_182 : i1
    %sub3A_184 = arith.constant 1 : i32
    %sub3A_185 = arith.subi %div3A_164, %sub3A_184 : i32
    %select_n3A_186 = arith.select %and3A_183, %sub3A_185, %div3A_164 : i32
    %mul3A_187 = arith.constant 128 : i32
    %mul3A_188 = arith.muli %select_n3A_186, %mul3A_187 : i32
    %multiple_of3A_189 = tpu.assume_multiple %mul3A_188, 128 : i32
    %dma_start3A_190 = arith.constant 0 : i32
    %dma_start3A_191 = tpu.memref_slice %arg6[%dma_start3A_190, %multiple_of3A_189] : memref<16x1000000xf32, #tpu.memory_space<hbm>> -> memref<16x128xf32, #tpu.memory_space<hbm>>
    %dma_start3A_192 = arith.constant 0 : i32
    %dma_start3A_193 = tpu.memref_slice %arg6[%dma_start3A_192, %multiple_of3A_189] : memref<16x1000000xf32, #tpu.memory_space<hbm>> -> memref<16x128xf32, #tpu.memory_space<hbm>>
    tpu.enqueue_dma source(%dma_start3A_193 : memref<16x128xf32, #tpu.memory_space<hbm>>) target(%arg25 : memref<16x128xf32, #tpu.memory_space<vmem>>) target_semaphore(%arg41 : memref<!tpu.dma_semaphore, #tpu.memory_space<semaphore_mem>>)
    %slice3A_194 = vector.extract_strided_slice %get3A_7 {offsets = [6], sizes = [1], strides = [1]} : vector<16xi32> to vector<1xi32>
    %squeeze3A_195 = vector.extract %slice3A_194[0] : i32 from vector<1xi32>
    %jit3A_196 = arith.constant 128 : i32
    %div3A_197 = arith.divsi %squeeze3A_195, %jit3A_196 : i32
    %sign3A_198 = arith.constant 0 : i32
    %sign3A_199 = arith.cmpi sgt, %squeeze3A_195, %sign3A_198 : i32
    %sign3A_200 = arith.extui %sign3A_199 : i1 to i32
    %sign3A_201 = arith.constant 0 : i32
    %sign3A_202 = arith.cmpi slt, %squeeze3A_195, %sign3A_201 : i32
    %sign3A_203 = arith.extui %sign3A_202 : i1 to i32
    %sign3A_204 = arith.subi %sign3A_200, %sign3A_203 : i32
    %sign3A_205 = arith.constant 0 : i32
    %sign3A_206 = arith.cmpi sgt, %jit3A_196, %sign3A_205 : i32
    %sign3A_207 = arith.extui %sign3A_206 : i1 to i32
    %sign3A_208 = arith.constant 0 : i32
    %sign3A_209 = arith.cmpi slt, %jit3A_196, %sign3A_208 : i32
    %sign3A_210 = arith.extui %sign3A_209 : i1 to i32
    %sign3A_211 = arith.subi %sign3A_207, %sign3A_210 : i32
    %ne3A_212 = arith.cmpi ne, %sign3A_204, %sign3A_211 : i32
    %rem3A_213 = arith.remsi %squeeze3A_195, %jit3A_196 : i32
    %ne3A_214 = arith.constant 0 : i32
    %ne3A_215 = arith.cmpi ne, %rem3A_213, %ne3A_214 : i32
    %and3A_216 = arith.andi %ne3A_212, %ne3A_215 : i1
    %sub3A_217 = arith.constant 1 : i32
    %sub3A_218 = arith.subi %div3A_197, %sub3A_217 : i32
    %select_n3A_219 = arith.select %and3A_216, %sub3A_218, %div3A_197 : i32
    %mul3A_220 = arith.constant 128 : i32
    %mul3A_221 = arith.muli %select_n3A_219, %mul3A_220 : i32
    %multiple_of3A_222 = tpu.assume_multiple %mul3A_221, 128 : i32
    %dma_start3A_223 = arith.constant 0 : i32
    %dma_start3A_224 = tpu.memref_slice %arg6[%dma_start3A_223, %multiple_of3A_222] : memref<16x1000000xf32, #tpu.memory_space<hbm>> -> memref<16x128xf32, #tpu.memory_space<hbm>>
    %dma_start3A_225 = arith.constant 0 : i32
    %dma_start3A_226 = tpu.memref_slice %arg6[%dma_start3A_225, %multiple_of3A_222] : memref<16x1000000xf32, #tpu.memory_space<hbm>> -> memref<16x128xf32, #tpu.memory_space<hbm>>
    tpu.enqueue_dma source(%dma_start3A_226 : memref<16x128xf32, #tpu.memory_space<hbm>>) target(%arg26 : memref<16x128xf32, #tpu.memory_space<vmem>>) target_semaphore(%arg42 : memref<!tpu.dma_semaphore, #tpu.memory_space<semaphore_mem>>)
    %slice3A_227 = vector.extract_strided_slice %get3A_7 {offsets = [7], sizes = [1], strides = [1]} : vector<16xi32> to vector<1xi32>
    %squeeze3A_228 = vector.extract %slice3A_227[0] : i32 from vector<1xi32>
    %jit3A_229 = arith.constant 128 : i32
    %div3A_230 = arith.divsi %squeeze3A_228, %jit3A_229 : i32
    %sign3A_231 = arith.constant 0 : i32
    %sign3A_232 = arith.cmpi sgt, %squeeze3A_228, %sign3A_231 : i32
    %sign3A_233 = arith.extui %sign3A_232 : i1 to i32
    %sign3A_234 = arith.constant 0 : i32
    %sign3A_235 = arith.cmpi slt, %squeeze3A_228, %sign3A_234 : i32
    %sign3A_236 = arith.extui %sign3A_235 : i1 to i32
    %sign3A_237 = arith.subi %sign3A_233, %sign3A_236 : i32
    %sign3A_238 = arith.constant 0 : i32
    %sign3A_239 = arith.cmpi sgt, %jit3A_229, %sign3A_238 : i32
    %sign3A_240 = arith.extui %sign3A_239 : i1 to i32
    %sign3A_241 = arith.constant 0 : i32
    %sign3A_242 = arith.cmpi slt, %jit3A_229, %sign3A_241 : i32
    %sign3A_243 = arith.extui %sign3A_242 : i1 to i32
    %sign3A_244 = arith.subi %sign3A_240, %sign3A_243 : i32
    %ne3A_245 = arith.cmpi ne, %sign3A_237, %sign3A_244 : i32
    %rem3A_246 = arith.remsi %squeeze3A_228, %jit3A_229 : i32
    %ne3A_247 = arith.constant 0 : i32
    %ne3A_248 = arith.cmpi ne, %rem3A_246, %ne3A_247 : i32
    %and3A_249 = arith.andi %ne3A_245, %ne3A_248 : i1
    %sub3A_250 = arith.constant 1 : i32
    %sub3A_251 = arith.subi %div3A_230, %sub3A_250 : i32
    %select_n3A_252 = arith.select %and3A_249, %sub3A_251, %div3A_230 : i32
    %mul3A_253 = arith.constant 128 : i32
    %mul3A_254 = arith.muli %select_n3A_252, %mul3A_253 : i32
    %multiple_of3A_255 = tpu.assume_multiple %mul3A_254, 128 : i32
    %dma_start3A_256 = arith.constant 0 : i32
    %dma_start3A_257 = tpu.memref_slice %arg6[%dma_start3A_256, %multiple_of3A_255] : memref<16x1000000xf32, #tpu.memory_space<hbm>> -> memref<16x128xf32, #tpu.memory_space<hbm>>
    %dma_start3A_258 = arith.constant 0 : i32
    %dma_start3A_259 = tpu.memref_slice %arg6[%dma_start3A_258, %multiple_of3A_255] : memref<16x1000000xf32, #tpu.memory_space<hbm>> -> memref<16x128xf32, #tpu.memory_space<hbm>>
    tpu.enqueue_dma source(%dma_start3A_259 : memref<16x128xf32, #tpu.memory_space<hbm>>) target(%arg27 : memref<16x128xf32, #tpu.memory_space<vmem>>) target_semaphore(%arg43 : memref<!tpu.dma_semaphore, #tpu.memory_space<semaphore_mem>>)
    %slice3A_260 = vector.extract_strided_slice %get3A_7 {offsets = [8], sizes = [1], strides = [1]} : vector<16xi32> to vector<1xi32>
    %squeeze3A_261 = vector.extract %slice3A_260[0] : i32 from vector<1xi32>
    %jit3A_262 = arith.constant 128 : i32
    %div3A_263 = arith.divsi %squeeze3A_261, %jit3A_262 : i32
    %sign3A_264 = arith.constant 0 : i32
    %sign3A_265 = arith.cmpi sgt, %squeeze3A_261, %sign3A_264 : i32
    %sign3A_266 = arith.extui %sign3A_265 : i1 to i32
    %sign3A_267 = arith.constant 0 : i32
    %sign3A_268 = arith.cmpi slt, %squeeze3A_261, %sign3A_267 : i32
    %sign3A_269 = arith.extui %sign3A_268 : i1 to i32
    %sign3A_270 = arith.subi %sign3A_266, %sign3A_269 : i32
    %sign3A_271 = arith.constant 0 : i32
    %sign3A_272 = arith.cmpi sgt, %jit3A_262, %sign3A_271 : i32
    %sign3A_273 = arith.extui %sign3A_272 : i1 to i32
    %sign3A_274 = arith.constant 0 : i32
    %sign3A_275 = arith.cmpi slt, %jit3A_262, %sign3A_274 : i32
    %sign3A_276 = arith.extui %sign3A_275 : i1 to i32
    %sign3A_277 = arith.subi %sign3A_273, %sign3A_276 : i32
    %ne3A_278 = arith.cmpi ne, %sign3A_270, %sign3A_277 : i32
    %rem3A_279 = arith.remsi %squeeze3A_261, %jit3A_262 : i32
    %ne3A_280 = arith.constant 0 : i32
    %ne3A_281 = arith.cmpi ne, %rem3A_279, %ne3A_280 : i32
    %and3A_282 = arith.andi %ne3A_278, %ne3A_281 : i1
    %sub3A_283 = arith.constant 1 : i32
    %sub3A_284 = arith.subi %div3A_263, %sub3A_283 : i32
    %select_n3A_285 = arith.select %and3A_282, %sub3A_284, %div3A_263 : i32
    %mul3A_286 = arith.constant 128 : i32
    %mul3A_287 = arith.muli %select_n3A_285, %mul3A_286 : i32
    %multiple_of3A_288 = tpu.assume_multiple %mul3A_287, 128 : i32
    %dma_start3A_289 = arith.constant 0 : i32
    %dma_start3A_290 = tpu.memref_slice %arg6[%dma_start3A_289, %multiple_of3A_288] : memref<16x1000000xf32, #tpu.memory_space<hbm>> -> memref<16x128xf32, #tpu.memory_space<hbm>>
    %dma_start3A_291 = arith.constant 0 : i32
    %dma_start3A_292 = tpu.memref_slice %arg6[%dma_start3A_291, %multiple_of3A_288] : memref<16x1000000xf32, #tpu.memory_space<hbm>> -> memref<16x128xf32, #tpu.memory_space<hbm>>
    tpu.enqueue_dma source(%dma_start3A_292 : memref<16x128xf32, #tpu.memory_space<hbm>>) target(%arg28 : memref<16x128xf32, #tpu.memory_space<vmem>>) target_semaphore(%arg44 : memref<!tpu.dma_semaphore, #tpu.memory_space<semaphore_mem>>)
    %slice3A_293 = vector.extract_strided_slice %get3A_7 {offsets = [9], sizes = [1], strides = [1]} : vector<16xi32> to vector<1xi32>
    %squeeze3A_294 = vector.extract %slice3A_293[0] : i32 from vector<1xi32>
    %jit3A_295 = arith.constant 128 : i32
    %div3A_296 = arith.divsi %squeeze3A_294, %jit3A_295 : i32
    %sign3A_297 = arith.constant 0 : i32
    %sign3A_298 = arith.cmpi sgt, %squeeze3A_294, %sign3A_297 : i32
    %sign3A_299 = arith.extui %sign3A_298 : i1 to i32
    %sign3A_300 = arith.constant 0 : i32
    %sign3A_301 = arith.cmpi slt, %squeeze3A_294, %sign3A_300 : i32
    %sign3A_302 = arith.extui %sign3A_301 : i1 to i32
    %sign3A_303 = arith.subi %sign3A_299, %sign3A_302 : i32
    %sign3A_304 = arith.constant 0 : i32
    %sign3A_305 = arith.cmpi sgt, %jit3A_295, %sign3A_304 : i32
    %sign3A_306 = arith.extui %sign3A_305 : i1 to i32
    %sign3A_307 = arith.constant 0 : i32
    %sign3A_308 = arith.cmpi slt, %jit3A_295, %sign3A_307 : i32
    %sign3A_309 = arith.extui %sign3A_308 : i1 to i32
    %sign3A_310 = arith.subi %sign3A_306, %sign3A_309 : i32
    %ne3A_311 = arith.cmpi ne, %sign3A_303, %sign3A_310 : i32
    %rem3A_312 = arith.remsi %squeeze3A_294, %jit3A_295 : i32
    %ne3A_313 = arith.constant 0 : i32
    %ne3A_314 = arith.cmpi ne, %rem3A_312, %ne3A_313 : i32
    %and3A_315 = arith.andi %ne3A_311, %ne3A_314 : i1
    %sub3A_316 = arith.constant 1 : i32
    %sub3A_317 = arith.subi %div3A_296, %sub3A_316 : i32
    %select_n3A_318 = arith.select %and3A_315, %sub3A_317, %div3A_296 : i32
    %mul3A_319 = arith.constant 128 : i32
    %mul3A_320 = arith.muli %select_n3A_318, %mul3A_319 : i32
    %multiple_of3A_321 = tpu.assume_multiple %mul3A_320, 128 : i32
    %dma_start3A_322 = arith.constant 0 : i32
    %dma_start3A_323 = tpu.memref_slice %arg6[%dma_start3A_322, %multiple_of3A_321] : memref<16x1000000xf32, #tpu.memory_space<hbm>> -> memref<16x128xf32, #tpu.memory_space<hbm>>
    %dma_start3A_324 = arith.constant 0 : i32
    %dma_start3A_325 = tpu.memref_slice %arg6[%dma_start3A_324, %multiple_of3A_321] : memref<16x1000000xf32, #tpu.memory_space<hbm>> -> memref<16x128xf32, #tpu.memory_space<hbm>>
    tpu.enqueue_dma source(%dma_start3A_325 : memref<16x128xf32, #tpu.memory_space<hbm>>) target(%arg29 : memref<16x128xf32, #tpu.memory_space<vmem>>) target_semaphore(%arg45 : memref<!tpu.dma_semaphore, #tpu.memory_space<semaphore_mem>>)
    %slice3A_326 = vector.extract_strided_slice %get3A_7 {offsets = [10], sizes = [1], strides = [1]} : vector<16xi32> to vector<1xi32>
    %squeeze3A_327 = vector.extract %slice3A_326[0] : i32 from vector<1xi32>
    %jit3A_328 = arith.constant 128 : i32
    %div3A_329 = arith.divsi %squeeze3A_327, %jit3A_328 : i32
    %sign3A_330 = arith.constant 0 : i32
    %sign3A_331 = arith.cmpi sgt, %squeeze3A_327, %sign3A_330 : i32
    %sign3A_332 = arith.extui %sign3A_331 : i1 to i32
    %sign3A_333 = arith.constant 0 : i32
    %sign3A_334 = arith.cmpi slt, %squeeze3A_327, %sign3A_333 : i32
    %sign3A_335 = arith.extui %sign3A_334 : i1 to i32
    %sign3A_336 = arith.subi %sign3A_332, %sign3A_335 : i32
    %sign3A_337 = arith.constant 0 : i32
    %sign3A_338 = arith.cmpi sgt, %jit3A_328, %sign3A_337 : i32
    %sign3A_339 = arith.extui %sign3A_338 : i1 to i32
    %sign3A_340 = arith.constant 0 : i32
    %sign3A_341 = arith.cmpi slt, %jit3A_328, %sign3A_340 : i32
    %sign3A_342 = arith.extui %sign3A_341 : i1 to i32
    %sign3A_343 = arith.subi %sign3A_339, %sign3A_342 : i32
    %ne3A_344 = arith.cmpi ne, %sign3A_336, %sign3A_343 : i32
    %rem3A_345 = arith.remsi %squeeze3A_327, %jit3A_328 : i32
    %ne3A_346 = arith.constant 0 : i32
    %ne3A_347 = arith.cmpi ne, %rem3A_345, %ne3A_346 : i32
    %and3A_348 = arith.andi %ne3A_344, %ne3A_347 : i1
    %sub3A_349 = arith.constant 1 : i32
    %sub3A_350 = arith.subi %div3A_329, %sub3A_349 : i32
    %select_n3A_351 = arith.select %and3A_348, %sub3A_350, %div3A_329 : i32
    %mul3A_352 = arith.constant 128 : i32
    %mul3A_353 = arith.muli %select_n3A_351, %mul3A_352 : i32
    %multiple_of3A_354 = tpu.assume_multiple %mul3A_353, 128 : i32
    %dma_start3A_355 = arith.constant 0 : i32
    %dma_start3A_356 = tpu.memref_slice %arg6[%dma_start3A_355, %multiple_of3A_354] : memref<16x1000000xf32, #tpu.memory_space<hbm>> -> memref<16x128xf32, #tpu.memory_space<hbm>>
    %dma_start3A_357 = arith.constant 0 : i32
    %dma_start3A_358 = tpu.memref_slice %arg6[%dma_start3A_357, %multiple_of3A_354] : memref<16x1000000xf32, #tpu.memory_space<hbm>> -> memref<16x128xf32, #tpu.memory_space<hbm>>
    tpu.enqueue_dma source(%dma_start3A_358 : memref<16x128xf32, #tpu.memory_space<hbm>>) target(%arg30 : memref<16x128xf32, #tpu.memory_space<vmem>>) target_semaphore(%arg46 : memref<!tpu.dma_semaphore, #tpu.memory_space<semaphore_mem>>)
    %slice3A_359 = vector.extract_strided_slice %get3A_7 {offsets = [11], sizes = [1], strides = [1]} : vector<16xi32> to vector<1xi32>
    %squeeze3A_360 = vector.extract %slice3A_359[0] : i32 from vector<1xi32>
    %jit3A_361 = arith.constant 128 : i32
    %div3A_362 = arith.divsi %squeeze3A_360, %jit3A_361 : i32
    %sign3A_363 = arith.constant 0 : i32
    %sign3A_364 = arith.cmpi sgt, %squeeze3A_360, %sign3A_363 : i32
    %sign3A_365 = arith.extui %sign3A_364 : i1 to i32
    %sign3A_366 = arith.constant 0 : i32
    %sign3A_367 = arith.cmpi slt, %squeeze3A_360, %sign3A_366 : i32
    %sign3A_368 = arith.extui %sign3A_367 : i1 to i32
    %sign3A_369 = arith.subi %sign3A_365, %sign3A_368 : i32
    %sign3A_370 = arith.constant 0 : i32
    %sign3A_371 = arith.cmpi sgt, %jit3A_361, %sign3A_370 : i32
    %sign3A_372 = arith.extui %sign3A_371 : i1 to i32
    %sign3A_373 = arith.constant 0 : i32
    %sign3A_374 = arith.cmpi slt, %jit3A_361, %sign3A_373 : i32
    %sign3A_375 = arith.extui %sign3A_374 : i1 to i32
    %sign3A_376 = arith.subi %sign3A_372, %sign3A_375 : i32
    %ne3A_377 = arith.cmpi ne, %sign3A_369, %sign3A_376 : i32
    %rem3A_378 = arith.remsi %squeeze3A_360, %jit3A_361 : i32
    %ne3A_379 = arith.constant 0 : i32
    %ne3A_380 = arith.cmpi ne, %rem3A_378, %ne3A_379 : i32
    %and3A_381 = arith.andi %ne3A_377, %ne3A_380 : i1
    %sub3A_382 = arith.constant 1 : i32
    %sub3A_383 = arith.subi %div3A_362, %sub3A_382 : i32
    %select_n3A_384 = arith.select %and3A_381, %sub3A_383, %div3A_362 : i32
    %mul3A_385 = arith.constant 128 : i32
    %mul3A_386 = arith.muli %select_n3A_384, %mul3A_385 : i32
    %multiple_of3A_387 = tpu.assume_multiple %mul3A_386, 128 : i32
    %dma_start3A_388 = arith.constant 0 : i32
    %dma_start3A_389 = tpu.memref_slice %arg6[%dma_start3A_388, %multiple_of3A_387] : memref<16x1000000xf32, #tpu.memory_space<hbm>> -> memref<16x128xf32, #tpu.memory_space<hbm>>
    %dma_start3A_390 = arith.constant 0 : i32
    %dma_start3A_391 = tpu.memref_slice %arg6[%dma_start3A_390, %multiple_of3A_387] : memref<16x1000000xf32, #tpu.memory_space<hbm>> -> memref<16x128xf32, #tpu.memory_space<hbm>>
    tpu.enqueue_dma source(%dma_start3A_391 : memref<16x128xf32, #tpu.memory_space<hbm>>) target(%arg31 : memref<16x128xf32, #tpu.memory_space<vmem>>) target_semaphore(%arg47 : memref<!tpu.dma_semaphore, #tpu.memory_space<semaphore_mem>>)
    %slice3A_392 = vector.extract_strided_slice %get3A_7 {offsets = [12], sizes = [1], strides = [1]} : vector<16xi32> to vector<1xi32>
    %squeeze3A_393 = vector.extract %slice3A_392[0] : i32 from vector<1xi32>
    %jit3A_394 = arith.constant 128 : i32
    %div3A_395 = arith.divsi %squeeze3A_393, %jit3A_394 : i32
    %sign3A_396 = arith.constant 0 : i32
    %sign3A_397 = arith.cmpi sgt, %squeeze3A_393, %sign3A_396 : i32
    %sign3A_398 = arith.extui %sign3A_397 : i1 to i32
    %sign3A_399 = arith.constant 0 : i32
    %sign3A_400 = arith.cmpi slt, %squeeze3A_393, %sign3A_399 : i32
    %sign3A_401 = arith.extui %sign3A_400 : i1 to i32
    %sign3A_402 = arith.subi %sign3A_398, %sign3A_401 : i32
    %sign3A_403 = arith.constant 0 : i32
    %sign3A_404 = arith.cmpi sgt, %jit3A_394, %sign3A_403 : i32
    %sign3A_405 = arith.extui %sign3A_404 : i1 to i32
    %sign3A_406 = arith.constant 0 : i32
    %sign3A_407 = arith.cmpi slt, %jit3A_394, %sign3A_406 : i32
    %sign3A_408 = arith.extui %sign3A_407 : i1 to i32
    %sign3A_409 = arith.subi %sign3A_405, %sign3A_408 : i32
    %ne3A_410 = arith.cmpi ne, %sign3A_402, %sign3A_409 : i32
    %rem3A_411 = arith.remsi %squeeze3A_393, %jit3A_394 : i32
    %ne3A_412 = arith.constant 0 : i32
    %ne3A_413 = arith.cmpi ne, %rem3A_411, %ne3A_412 : i32
    %and3A_414 = arith.andi %ne3A_410, %ne3A_413 : i1
    %sub3A_415 = arith.constant 1 : i32
    %sub3A_416 = arith.subi %div3A_395, %sub3A_415 : i32
    %select_n3A_417 = arith.select %and3A_414, %sub3A_416, %div3A_395 : i32
    %mul3A_418 = arith.constant 128 : i32
    %mul3A_419 = arith.muli %select_n3A_417, %mul3A_418 : i32
    %multiple_of3A_420 = tpu.assume_multiple %mul3A_419, 128 : i32
    %dma_start3A_421 = arith.constant 0 : i32
    %dma_start3A_422 = tpu.memref_slice %arg6[%dma_start3A_421, %multiple_of3A_420] : memref<16x1000000xf32, #tpu.memory_space<hbm>> -> memref<16x128xf32, #tpu.memory_space<hbm>>
    %dma_start3A_423 = arith.constant 0 : i32
    %dma_start3A_424 = tpu.memref_slice %arg6[%dma_start3A_423, %multiple_of3A_420] : memref<16x1000000xf32, #tpu.memory_space<hbm>> -> memref<16x128xf32, #tpu.memory_space<hbm>>
    tpu.enqueue_dma source(%dma_start3A_424 : memref<16x128xf32, #tpu.memory_space<hbm>>) target(%arg32 : memref<16x128xf32, #tpu.memory_space<vmem>>) target_semaphore(%arg48 : memref<!tpu.dma_semaphore, #tpu.memory_space<semaphore_mem>>)
    %slice3A_425 = vector.extract_strided_slice %get3A_7 {offsets = [13], sizes = [1], strides = [1]} : vector<16xi32> to vector<1xi32>
    %squeeze3A_426 = vector.extract %slice3A_425[0] : i32 from vector<1xi32>
    %jit3A_427 = arith.constant 128 : i32
    %div3A_428 = arith.divsi %squeeze3A_426, %jit3A_427 : i32
    %sign3A_429 = arith.constant 0 : i32
    %sign3A_430 = arith.cmpi sgt, %squeeze3A_426, %sign3A_429 : i32
    %sign3A_431 = arith.extui %sign3A_430 : i1 to i32
    %sign3A_432 = arith.constant 0 : i32
    %sign3A_433 = arith.cmpi slt, %squeeze3A_426, %sign3A_432 : i32
    %sign3A_434 = arith.extui %sign3A_433 : i1 to i32
    %sign3A_435 = arith.subi %sign3A_431, %sign3A_434 : i32
    %sign3A_436 = arith.constant 0 : i32
    %sign3A_437 = arith.cmpi sgt, %jit3A_427, %sign3A_436 : i32
    %sign3A_438 = arith.extui %sign3A_437 : i1 to i32
    %sign3A_439 = arith.constant 0 : i32
    %sign3A_440 = arith.cmpi slt, %jit3A_427, %sign3A_439 : i32
    %sign3A_441 = arith.extui %sign3A_440 : i1 to i32
    %sign3A_442 = arith.subi %sign3A_438, %sign3A_441 : i32
    %ne3A_443 = arith.cmpi ne, %sign3A_435, %sign3A_442 : i32
    %rem3A_444 = arith.remsi %squeeze3A_426, %jit3A_427 : i32
    %ne3A_445 = arith.constant 0 : i32
    %ne3A_446 = arith.cmpi ne, %rem3A_444, %ne3A_445 : i32
    %and3A_447 = arith.andi %ne3A_443, %ne3A_446 : i1
    %sub3A_448 = arith.constant 1 : i32
    %sub3A_449 = arith.subi %div3A_428, %sub3A_448 : i32
    %select_n3A_450 = arith.select %and3A_447, %sub3A_449, %div3A_428 : i32
    %mul3A_451 = arith.constant 128 : i32
    %mul3A_452 = arith.muli %select_n3A_450, %mul3A_451 : i32
    %multiple_of3A_453 = tpu.assume_multiple %mul3A_452, 128 : i32
    %dma_start3A_454 = arith.constant 0 : i32
    %dma_start3A_455 = tpu.memref_slice %arg6[%dma_start3A_454, %multiple_of3A_453] : memref<16x1000000xf32, #tpu.memory_space<hbm>> -> memref<16x128xf32, #tpu.memory_space<hbm>>
    %dma_start3A_456 = arith.constant 0 : i32
    %dma_start3A_457 = tpu.memref_slice %arg6[%dma_start3A_456, %multiple_of3A_453] : memref<16x1000000xf32, #tpu.memory_space<hbm>> -> memref<16x128xf32, #tpu.memory_space<hbm>>
    tpu.enqueue_dma source(%dma_start3A_457 : memref<16x128xf32, #tpu.memory_space<hbm>>) target(%arg33 : memref<16x128xf32, #tpu.memory_space<vmem>>) target_semaphore(%arg49 : memref<!tpu.dma_semaphore, #tpu.memory_space<semaphore_mem>>)
    %slice3A_458 = vector.extract_strided_slice %get3A_7 {offsets = [14], sizes = [1], strides = [1]} : vector<16xi32> to vector<1xi32>
    %squeeze3A_459 = vector.extract %slice3A_458[0] : i32 from vector<1xi32>
    %jit3A_460 = arith.constant 128 : i32
    %div3A_461 = arith.divsi %squeeze3A_459, %jit3A_460 : i32
    %sign3A_462 = arith.constant 0 : i32
    %sign3A_463 = arith.cmpi sgt, %squeeze3A_459, %sign3A_462 : i32
    %sign3A_464 = arith.extui %sign3A_463 : i1 to i32
    %sign3A_465 = arith.constant 0 : i32
    %sign3A_466 = arith.cmpi slt, %squeeze3A_459, %sign3A_465 : i32
    %sign3A_467 = arith.extui %sign3A_466 : i1 to i32
    %sign3A_468 = arith.subi %sign3A_464, %sign3A_467 : i32
    %sign3A_469 = arith.constant 0 : i32
    %sign3A_470 = arith.cmpi sgt, %jit3A_460, %sign3A_469 : i32
    %sign3A_471 = arith.extui %sign3A_470 : i1 to i32
    %sign3A_472 = arith.constant 0 : i32
    %sign3A_473 = arith.cmpi slt, %jit3A_460, %sign3A_472 : i32
    %sign3A_474 = arith.extui %sign3A_473 : i1 to i32
    %sign3A_475 = arith.subi %sign3A_471, %sign3A_474 : i32
    %ne3A_476 = arith.cmpi ne, %sign3A_468, %sign3A_475 : i32
    %rem3A_477 = arith.remsi %squeeze3A_459, %jit3A_460 : i32
    %ne3A_478 = arith.constant 0 : i32
    %ne3A_479 = arith.cmpi ne, %rem3A_477, %ne3A_478 : i32
    %and3A_480 = arith.andi %ne3A_476, %ne3A_479 : i1
    %sub3A_481 = arith.constant 1 : i32
    %sub3A_482 = arith.subi %div3A_461, %sub3A_481 : i32
    %select_n3A_483 = arith.select %and3A_480, %sub3A_482, %div3A_461 : i32
    %mul3A_484 = arith.constant 128 : i32
    %mul3A_485 = arith.muli %select_n3A_483, %mul3A_484 : i32
    %multiple_of3A_486 = tpu.assume_multiple %mul3A_485, 128 : i32
    %dma_start3A_487 = arith.constant 0 : i32
    %dma_start3A_488 = tpu.memref_slice %arg6[%dma_start3A_487, %multiple_of3A_486] : memref<16x1000000xf32, #tpu.memory_space<hbm>> -> memref<16x128xf32, #tpu.memory_space<hbm>>
    %dma_start3A_489 = arith.constant 0 : i32
    %dma_start3A_490 = tpu.memref_slice %arg6[%dma_start3A_489, %multiple_of3A_486] : memref<16x1000000xf32, #tpu.memory_space<hbm>> -> memref<16x128xf32, #tpu.memory_space<hbm>>
    tpu.enqueue_dma source(%dma_start3A_490 : memref<16x128xf32, #tpu.memory_space<hbm>>) target(%arg34 : memref<16x128xf32, #tpu.memory_space<vmem>>) target_semaphore(%arg50 : memref<!tpu.dma_semaphore, #tpu.memory_space<semaphore_mem>>)
    %slice3A_491 = vector.extract_strided_slice %get3A_7 {offsets = [15], sizes = [1], strides = [1]} : vector<16xi32> to vector<1xi32>
    %squeeze3A_492 = vector.extract %slice3A_491[0] : i32 from vector<1xi32>
    %jit3A_493 = arith.constant 128 : i32
    %div3A_494 = arith.divsi %squeeze3A_492, %jit3A_493 : i32
    %sign3A_495 = arith.constant 0 : i32
    %sign3A_496 = arith.cmpi sgt, %squeeze3A_492, %sign3A_495 : i32
    %sign3A_497 = arith.extui %sign3A_496 : i1 to i32
    %sign3A_498 = arith.constant 0 : i32
    %sign3A_499 = arith.cmpi slt, %squeeze3A_492, %sign3A_498 : i32
    %sign3A_500 = arith.extui %sign3A_499 : i1 to i32
    %sign3A_501 = arith.subi %sign3A_497, %sign3A_500 : i32
    %sign3A_502 = arith.constant 0 : i32
    %sign3A_503 = arith.cmpi sgt, %jit3A_493, %sign3A_502 : i32
    %sign3A_504 = arith.extui %sign3A_503 : i1 to i32
    %sign3A_505 = arith.constant 0 : i32
    %sign3A_506 = arith.cmpi slt, %jit3A_493, %sign3A_505 : i32
    %sign3A_507 = arith.extui %sign3A_506 : i1 to i32
    %sign3A_508 = arith.subi %sign3A_504, %sign3A_507 : i32
    %ne3A_509 = arith.cmpi ne, %sign3A_501, %sign3A_508 : i32
    %rem3A_510 = arith.remsi %squeeze3A_492, %jit3A_493 : i32
    %ne3A_511 = arith.constant 0 : i32
    %ne3A_512 = arith.cmpi ne, %rem3A_510, %ne3A_511 : i32
    %and3A_513 = arith.andi %ne3A_509, %ne3A_512 : i1
    %sub3A_514 = arith.constant 1 : i32
    %sub3A_515 = arith.subi %div3A_494, %sub3A_514 : i32
    %select_n3A_516 = arith.select %and3A_513, %sub3A_515, %div3A_494 : i32
    %mul3A_517 = arith.constant 128 : i32
    %mul3A_518 = arith.muli %select_n3A_516, %mul3A_517 : i32
    %multiple_of3A_519 = tpu.assume_multiple %mul3A_518, 128 : i32
    %dma_start3A_520 = arith.constant 0 : i32
    %dma_start3A_521 = tpu.memref_slice %arg6[%dma_start3A_520, %multiple_of3A_519] : memref<16x1000000xf32, #tpu.memory_space<hbm>> -> memref<16x128xf32, #tpu.memory_space<hbm>>
    %dma_start3A_522 = arith.constant 0 : i32
    %dma_start3A_523 = tpu.memref_slice %arg6[%dma_start3A_522, %multiple_of3A_519] : memref<16x1000000xf32, #tpu.memory_space<hbm>> -> memref<16x128xf32, #tpu.memory_space<hbm>>
    tpu.enqueue_dma source(%dma_start3A_523 : memref<16x128xf32, #tpu.memory_space<hbm>>) target(%arg35 : memref<16x128xf32, #tpu.memory_space<vmem>>) target_semaphore(%arg51 : memref<!tpu.dma_semaphore, #tpu.memory_space<semaphore_mem>>)
    %broadcast_in_dim3A_524 = arith.constant 0.000000e+00 : f32
    %broadcast_in_dim3A_525 = vector.broadcast %broadcast_in_dim3A_524 : f32 to vector<16xf32>
    %scan3A = arith.constant 0 : i32
    %scan3A_526 = arith.constant 32 : i32
    %scan3A_527 = arith.addi %scan3A, %scan3A_526 : i32
    %scan3A_528 = arith.constant 1 : i32
    %scan3A_529:2 = scf.for %scan3A_632 = %scan3A to %scan3A_527 step %scan3A_528 iter_args(%scan3A_633 = %get3A_7, %scan3A_634 = %broadcast_in_dim3A_525) -> (vector<16xi32>, vector<16xf32>)  : i32 {
      %add3A_635 = arith.constant 1 : i32
      %add3A_636 = arith.addi %scan3A_632, %add3A_635 : i32
      %mul3A_637 = arith.constant 16 : i32
      %mul3A_638 = arith.muli %add3A_636, %mul3A_637 : i32
      %get3A_639 = arith.index_cast %mul3A_638 : i32 to index
      %get3A_640 = tpu.vector_load %arg9[%get3A_639] {strides = array<i32>} : memref<528xi32, #tpu.memory_space<vmem>>, vector<16xi32>,
      %jit3A_641 = arith.constant 128 : i32
      %eq3A_642 = arith.constant 0 : i32
      %eq3A_643 = arith.cmpi eq, %jit3A_641, %eq3A_642 : i32
      %jit3A_644 = arith.constant 1 : i32
      %select_n3A_645 = arith.select %eq3A_643, %jit3A_644, %jit3A_641 : i32
      %rem3A_646 = vector.broadcast %select_n3A_645 : i32 to vector<16xi32>
      %rem3A_647 = arith.remsi %scan3A_633, %rem3A_646 : vector<16xi32>
      %ne3A_648 = arith.constant 0 : i32
      %ne3A_649 = vector.broadcast %ne3A_648 : i32 to vector<16xi32>
      %ne3A_650 = arith.cmpi ne, %rem3A_647, %ne3A_649 : vector<16xi32>
      %lt3A = arith.constant 0 : i32
      %lt3A_651 = vector.broadcast %lt3A : i32 to vector<16xi32>
      %lt3A_652 = arith.cmpi slt, %rem3A_647, %lt3A_651 : vector<16xi32>
      %lt3A_653 = arith.constant 0 : i32
      %lt3A_654 = arith.cmpi slt, %select_n3A_645, %lt3A_653 : i32
      %ne3A_655 = vector.broadcast %lt3A_654 : i1 to vector<16xi1>
      %ne3A_656 = vector.broadcast %ne3A_655 : vector<16xi1> to vector<16xi1>
      %ne3A_657 = arith.xori %lt3A_652, %ne3A_656 : vector<16xi1>
      %and3A_658 = arith.andi %ne3A_657, %ne3A_650 : vector<16xi1>
      %add3A_659 = vector.broadcast %select_n3A_645 : i32 to vector<16xi32>
      %add3A_660 = arith.addi %rem3A_647, %add3A_659 : vector<16xi32>
      %select_n3A_661 = arith.select %and3A_658, %add3A_660, %rem3A_647 : vector<16xi1>, vector<16xi32>
      %mul3A_662 = arith.constant 16 : i32
      %mul3A_663 = arith.muli %scan3A_632, %mul3A_662 : i32
      %add3A_664 = vector.broadcast %mul3A_663 : i32 to vector<16xi32>
      %add3A_665 = arith.addi %iota3A, %add3A_664 : vector<16xi32>
      %broadcast_in_dim3A_666 = arith.constant -1.000000e+30 : f32
      %broadcast_in_dim3A_667 = vector.broadcast %broadcast_in_dim3A_666 : f32 to vector<16xf32>
      %dma_wait3A_668 = arith.constant 0 : i32
      %dma_wait3A_669 = arith.constant 0 : i32
      %dma_wait3A_670 = tpu.memref_slice %arg6[%dma_wait3A_668, %dma_wait3A_669] : memref<16x1000000xf32, #tpu.memory_space<hbm>> -> memref<16x128xf32, #tpu.memory_space<hbm>>
      %dma_wait3A_671 = arith.constant 0 : i32
      %dma_wait3A_672 = arith.constant 0 : i32
      %dma_wait3A_673 = tpu.memref_slice %arg6[%dma_wait3A_671, %dma_wait3A_672] : memref<16x1000000xf32, #tpu.memory_space<hbm>> -> memref<16x128xf32, #tpu.memory_space<hbm>>
      tpu.wait_dma2 semaphore(%arg36 : memref<!tpu.dma_semaphore, #tpu.memory_space<semaphore_mem>>) src(%dma_wait3A_673 : memref<16x128xf32, #tpu.memory_space<hbm>>) dst(%arg20 : memref<16x128xf32, #tpu.memory_space<vmem>>)
      %slice3A_674 = vector.extract_strided_slice %select_n3A_661 {offsets = [0], sizes = [1], strides = [1]} : vector<16xi32> to vector<1xi32>
      %squeeze3A_675 = vector.extract %slice3A_674[0] : i32 from vector<1xi32>
      %broadcast_in_dim3A_676 = vector.broadcast %squeeze3A_675 : i32 to vector<16xi32>
      %gather3A = tpu.vector_load_idx %arg20[%iota3A, %broadcast_in_dim3A_676] : memref<16x128xf32, #tpu.memory_space<vmem>>[vector<16xi32>, vector<16xi32>], vector<16xf32>,
      %mul3A_677 = arith.constant 16 : i32
      %mul3A_678 = arith.muli %scan3A_632, %mul3A_677 : i32
      %add3A_679 = arith.constant 0 : i32
      %add3A_680 = arith.addi %mul3A_678, %add3A_679 : i32
      %mul3A_681 = arith.constant 17 : i32
      %mul3A_682 = arith.muli %add3A_680, %mul3A_681 : i32
      %broadcast_in_dim3A_683 = vector.broadcast %mul3A_682 : i32 to vector<16xi32>
      %add3A_684 = arith.addi %broadcast_in_dim3A_683, %iota3A : vector<16xi32>
      tpu.vector_store_idx %arg10[%add3A_684], %gather3A : memref<8704xf32, #tpu.memory_space<vmem>>[vector<16xi32>], vector<16xf32>,
      %slice3A_685 = vector.extract_strided_slice %get3A_640 {offsets = [0], sizes = [1], strides = [1]} : vector<16xi32> to vector<1xi32>
      %squeeze3A_686 = vector.extract %slice3A_685[0] : i32 from vector<1xi32>
      %jit3A_687 = arith.constant 128 : i32
      %div3A_688 = arith.divsi %squeeze3A_686, %jit3A_687 : i32
      %sign3A_689 = arith.constant 0 : i32
      %sign3A_690 = arith.cmpi sgt, %squeeze3A_686, %sign3A_689 : i32
      %sign3A_691 = arith.extui %sign3A_690 : i1 to i32
      %sign3A_692 = arith.constant 0 : i32
      %sign3A_693 = arith.cmpi slt, %squeeze3A_686, %sign3A_692 : i32
      %sign3A_694 = arith.extui %sign3A_693 : i1 to i32
      %sign3A_695 = arith.subi %sign3A_691, %sign3A_694 : i32
      %sign3A_696 = arith.constant 0 : i32
      %sign3A_697 = arith.cmpi sgt, %jit3A_687, %sign3A_696 : i32
      %sign3A_698 = arith.extui %sign3A_697 : i1 to i32
      %sign3A_699 = arith.constant 0 : i32
      %sign3A_700 = arith.cmpi slt, %jit3A_687, %sign3A_699 : i32
      %sign3A_701 = arith.extui %sign3A_700 : i1 to i32
      %sign3A_702 = arith.subi %sign3A_698, %sign3A_701 : i32
      %ne3A_703 = arith.cmpi ne, %sign3A_695, %sign3A_702 : i32
      %rem3A_704 = arith.remsi %squeeze3A_686, %jit3A_687 : i32
      %ne3A_705 = arith.constant 0 : i32
      %ne3A_706 = arith.cmpi ne, %rem3A_704, %ne3A_705 : i32
      %and3A_707 = arith.andi %ne3A_703, %ne3A_706 : i1
      %sub3A_708 = arith.constant 1 : i32
      %sub3A_709 = arith.subi %div3A_688, %sub3A_708 : i32
      %select_n3A_710 = arith.select %and3A_707, %sub3A_709, %div3A_688 : i32
      %mul3A_711 = arith.constant 128 : i32
      %mul3A_712 = arith.muli %select_n3A_710, %mul3A_711 : i32
      %multiple_of3A_713 = tpu.assume_multiple %mul3A_712, 128 : i32
      %dma_start3A_714 = arith.constant 0 : i32
      %dma_start3A_715 = tpu.memref_slice %arg6[%dma_start3A_714, %multiple_of3A_713] : memref<16x1000000xf32, #tpu.memory_space<hbm>> -> memref<16x128xf32, #tpu.memory_space<hbm>>
      %dma_start3A_716 = arith.constant 0 : i32
      %dma_start3A_717 = tpu.memref_slice %arg6[%dma_start3A_716, %multiple_of3A_713] : memref<16x1000000xf32, #tpu.memory_space<hbm>> -> memref<16x128xf32, #tpu.memory_space<hbm>>
      tpu.enqueue_dma source(%dma_start3A_717 : memref<16x128xf32, #tpu.memory_space<hbm>>) target(%arg20 : memref<16x128xf32, #tpu.memory_space<vmem>>) target_semaphore(%arg36 : memref<!tpu.dma_semaphore, #tpu.memory_space<semaphore_mem>>)
      %dma_wait3A_718 = arith.constant 0 : i32
      %dma_wait3A_719 = arith.constant 0 : i32
      %dma_wait3A_720 = tpu.memref_slice %arg6[%dma_wait3A_718, %dma_wait3A_719] : memref<16x1000000xf32, #tpu.memory_space<hbm>> -> memref<16x128xf32, #tpu.memory_space<hbm>>
      %dma_wait3A_721 = arith.constant 0 : i32
      %dma_wait3A_722 = arith.constant 0 : i32
      %dma_wait3A_723 = tpu.memref_slice %arg6[%dma_wait3A_721, %dma_wait3A_722] : memref<16x1000000xf32, #tpu.memory_space<hbm>> -> memref<16x128xf32, #tpu.memory_space<hbm>>
      tpu.wait_dma2 semaphore(%arg37 : memref<!tpu.dma_semaphore, #tpu.memory_space<semaphore_mem>>) src(%dma_wait3A_723 : memref<16x128xf32, #tpu.memory_space<hbm>>) dst(%arg21 : memref<16x128xf32, #tpu.memory_space<vmem>>)
      %slice3A_724 = vector.extract_strided_slice %select_n3A_661 {offsets = [1], sizes = [1], strides = [1]} : vector<16xi32> to vector<1xi32>
      %squeeze3A_725 = vector.extract %slice3A_724[0] : i32 from vector<1xi32>
      %broadcast_in_dim3A_726 = vector.broadcast %squeeze3A_725 : i32 to vector<16xi32>
      %gather3A_727 = tpu.vector_load_idx %arg21[%iota3A, %broadcast_in_dim3A_726] : memref<16x128xf32, #tpu.memory_space<vmem>>[vector<16xi32>, vector<16xi32>], vector<16xf32>,
      %mul3A_728 = arith.constant 16 : i32
      %mul3A_729 = arith.muli %scan3A_632, %mul3A_728 : i32
      %add3A_730 = arith.constant 1 : i32
      %add3A_731 = arith.addi %mul3A_729, %add3A_730 : i32
      %mul3A_732 = arith.constant 17 : i32
      %mul3A_733 = arith.muli %add3A_731, %mul3A_732 : i32
      %broadcast_in_dim3A_734 = vector.broadcast %mul3A_733 : i32 to vector<16xi32>
      %add3A_735 = arith.addi %broadcast_in_dim3A_734, %iota3A : vector<16xi32>
      tpu.vector_store_idx %arg10[%add3A_735], %gather3A_727 : memref<8704xf32, #tpu.memory_space<vmem>>[vector<16xi32>], vector<16xf32>,
      %slice3A_736 = vector.extract_strided_slice %get3A_640 {offsets = [1], sizes = [1], strides = [1]} : vector<16xi32> to vector<1xi32>
      %squeeze3A_737 = vector.extract %slice3A_736[0] : i32 from vector<1xi32>
      %jit3A_738 = arith.constant 128 : i32
      %div3A_739 = arith.divsi %squeeze3A_737, %jit3A_738 : i32
      %sign3A_740 = arith.constant 0 : i32
      %sign3A_741 = arith.cmpi sgt, %squeeze3A_737, %sign3A_740 : i32
      %sign3A_742 = arith.extui %sign3A_741 : i1 to i32
      %sign3A_743 = arith.constant 0 : i32
      %sign3A_744 = arith.cmpi slt, %squeeze3A_737, %sign3A_743 : i32
      %sign3A_745 = arith.extui %sign3A_744 : i1 to i32
      %sign3A_746 = arith.subi %sign3A_742, %sign3A_745 : i32
      %sign3A_747 = arith.constant 0 : i32
      %sign3A_748 = arith.cmpi sgt, %jit3A_738, %sign3A_747 : i32
      %sign3A_749 = arith.extui %sign3A_748 : i1 to i32
      %sign3A_750 = arith.constant 0 : i32
      %sign3A_751 = arith.cmpi slt, %jit3A_738, %sign3A_750 : i32
      %sign3A_752 = arith.extui %sign3A_751 : i1 to i32
      %sign3A_753 = arith.subi %sign3A_749, %sign3A_752 : i32
      %ne3A_754 = arith.cmpi ne, %sign3A_746, %sign3A_753 : i32
      %rem3A_755 = arith.remsi %squeeze3A_737, %jit3A_738 : i32
      %ne3A_756 = arith.constant 0 : i32
      %ne3A_757 = arith.cmpi ne, %rem3A_755, %ne3A_756 : i32
      %and3A_758 = arith.andi %ne3A_754, %ne3A_757 : i1
      %sub3A_759 = arith.constant 1 : i32
      %sub3A_760 = arith.subi %div3A_739, %sub3A_759 : i32
      %select_n3A_761 = arith.select %and3A_758, %sub3A_760, %div3A_739 : i32
      %mul3A_762 = arith.constant 128 : i32
      %mul3A_763 = arith.muli %select_n3A_761, %mul3A_762 : i32
      %multiple_of3A_764 = tpu.assume_multiple %mul3A_763, 128 : i32
      %dma_start3A_765 = arith.constant 0 : i32
      %dma_start3A_766 = tpu.memref_slice %arg6[%dma_start3A_765, %multiple_of3A_764] : memref<16x1000000xf32, #tpu.memory_space<hbm>> -> memref<16x128xf32, #tpu.memory_space<hbm>>
      %dma_start3A_767 = arith.constant 0 : i32
      %dma_start3A_768 = tpu.memref_slice %arg6[%dma_start3A_767, %multiple_of3A_764] : memref<16x1000000xf32, #tpu.memory_space<hbm>> -> memref<16x128xf32, #tpu.memory_space<hbm>>
      tpu.enqueue_dma source(%dma_start3A_768 : memref<16x128xf32, #tpu.memory_space<hbm>>) target(%arg21 : memref<16x128xf32, #tpu.memory_space<vmem>>) target_semaphore(%arg37 : memref<!tpu.dma_semaphore, #tpu.memory_space<semaphore_mem>>)
      %dma_wait3A_769 = arith.constant 0 : i32
      %dma_wait3A_770 = arith.constant 0 : i32
      %dma_wait3A_771 = tpu.memref_slice %arg6[%dma_wait3A_769, %dma_wait3A_770] : memref<16x1000000xf32, #tpu.memory_space<hbm>> -> memref<16x128xf32, #tpu.memory_space<hbm>>
      %dma_wait3A_772 = arith.constant 0 : i32
      %dma_wait3A_773 = arith.constant 0 : i32
      %dma_wait3A_774 = tpu.memref_slice %arg6[%dma_wait3A_772, %dma_wait3A_773] : memref<16x1000000xf32, #tpu.memory_space<hbm>> -> memref<16x128xf32, #tpu.memory_space<hbm>>
      tpu.wait_dma2 semaphore(%arg38 : memref<!tpu.dma_semaphore, #tpu.memory_space<semaphore_mem>>) src(%dma_wait3A_774 : memref<16x128xf32, #tpu.memory_space<hbm>>) dst(%arg22 : memref<16x128xf32, #tpu.memory_space<vmem>>)
      %slice3A_775 = vector.extract_strided_slice %select_n3A_661 {offsets = [2], sizes = [1], strides = [1]} : vector<16xi32> to vector<1xi32>
      %squeeze3A_776 = vector.extract %slice3A_775[0] : i32 from vector<1xi32>
      %broadcast_in_dim3A_777 = vector.broadcast %squeeze3A_776 : i32 to vector<16xi32>
      %gather3A_778 = tpu.vector_load_idx %arg22[%iota3A, %broadcast_in_dim3A_777] : memref<16x128xf32, #tpu.memory_space<vmem>>[vector<16xi32>, vector<16xi32>], vector<16xf32>,
      %mul3A_779 = arith.constant 16 : i32
      %mul3A_780 = arith.muli %scan3A_632, %mul3A_779 : i32
      %add3A_781 = arith.constant 2 : i32
      %add3A_782 = arith.addi %mul3A_780, %add3A_781 : i32
      %mul3A_783 = arith.constant 17 : i32
      %mul3A_784 = arith.muli %add3A_782, %mul3A_783 : i32
      %broadcast_in_dim3A_785 = vector.broadcast %mul3A_784 : i32 to vector<16xi32>
      %add3A_786 = arith.addi %broadcast_in_dim3A_785, %iota3A : vector<16xi32>
      tpu.vector_store_idx %arg10[%add3A_786], %gather3A_778 : memref<8704xf32, #tpu.memory_space<vmem>>[vector<16xi32>], vector<16xf32>,
      %slice3A_787 = vector.extract_strided_slice %get3A_640 {offsets = [2], sizes = [1], strides = [1]} : vector<16xi32> to vector<1xi32>
      %squeeze3A_788 = vector.extract %slice3A_787[0] : i32 from vector<1xi32>
      %jit3A_789 = arith.constant 128 : i32
      %div3A_790 = arith.divsi %squeeze3A_788, %jit3A_789 : i32
      %sign3A_791 = arith.constant 0 : i32
      %sign3A_792 = arith.cmpi sgt, %squeeze3A_788, %sign3A_791 : i32
      %sign3A_793 = arith.extui %sign3A_792 : i1 to i32
      %sign3A_794 = arith.constant 0 : i32
      %sign3A_795 = arith.cmpi slt, %squeeze3A_788, %sign3A_794 : i32
      %sign3A_796 = arith.extui %sign3A_795 : i1 to i32
      %sign3A_797 = arith.subi %sign3A_793, %sign3A_796 : i32
      %sign3A_798 = arith.constant 0 : i32
      %sign3A_799 = arith.cmpi sgt, %jit3A_789, %sign3A_798 : i32
      %sign3A_800 = arith.extui %sign3A_799 : i1 to i32
      %sign3A_801 = arith.constant 0 : i32
      %sign3A_802 = arith.cmpi slt, %jit3A_789, %sign3A_801 : i32
      %sign3A_803 = arith.extui %sign3A_802 : i1 to i32
      %sign3A_804 = arith.subi %sign3A_800, %sign3A_803 : i32
      %ne3A_805 = arith.cmpi ne, %sign3A_797, %sign3A_804 : i32
      %rem3A_806 = arith.remsi %squeeze3A_788, %jit3A_789 : i32
      %ne3A_807 = arith.constant 0 : i32
      %ne3A_808 = arith.cmpi ne, %rem3A_806, %ne3A_807 : i32
      %and3A_809 = arith.andi %ne3A_805, %ne3A_808 : i1
      %sub3A_810 = arith.constant 1 : i32
      %sub3A_811 = arith.subi %div3A_790, %sub3A_810 : i32
      %select_n3A_812 = arith.select %and3A_809, %sub3A_811, %div3A_790 : i32
      %mul3A_813 = arith.constant 128 : i32
      %mul3A_814 = arith.muli %select_n3A_812, %mul3A_813 : i32
      %multiple_of3A_815 = tpu.assume_multiple %mul3A_814, 128 : i32
      %dma_start3A_816 = arith.constant 0 : i32
      %dma_start3A_817 = tpu.memref_slice %arg6[%dma_start3A_816, %multiple_of3A_815] : memref<16x1000000xf32, #tpu.memory_space<hbm>> -> memref<16x128xf32, #tpu.memory_space<hbm>>
      %dma_start3A_818 = arith.constant 0 : i32
      %dma_start3A_819 = tpu.memref_slice %arg6[%dma_start3A_818, %multiple_of3A_815] : memref<16x1000000xf32, #tpu.memory_space<hbm>> -> memref<16x128xf32, #tpu.memory_space<hbm>>
      tpu.enqueue_dma source(%dma_start3A_819 : memref<16x128xf32, #tpu.memory_space<hbm>>) target(%arg22 : memref<16x128xf32, #tpu.memory_space<vmem>>) target_semaphore(%arg38 : memref<!tpu.dma_semaphore, #tpu.memory_space<semaphore_mem>>)
      %dma_wait3A_820 = arith.constant 0 : i32
      %dma_wait3A_821 = arith.constant 0 : i32
      %dma_wait3A_822 = tpu.memref_slice %arg6[%dma_wait3A_820, %dma_wait3A_821] : memref<16x1000000xf32, #tpu.memory_space<hbm>> -> memref<16x128xf32, #tpu.memory_space<hbm>>
      %dma_wait3A_823 = arith.constant 0 : i32
      %dma_wait3A_824 = arith.constant 0 : i32
      %dma_wait3A_825 = tpu.memref_slice %arg6[%dma_wait3A_823, %dma_wait3A_824] : memref<16x1000000xf32, #tpu.memory_space<hbm>> -> memref<16x128xf32, #tpu.memory_space<hbm>>
      tpu.wait_dma2 semaphore(%arg39 : memref<!tpu.dma_semaphore, #tpu.memory_space<semaphore_mem>>) src(%dma_wait3A_825 : memref<16x128xf32, #tpu.memory_space<hbm>>) dst(%arg23 : memref<16x128xf32, #tpu.memory_space<vmem>>)
      %slice3A_826 = vector.extract_strided_slice %select_n3A_661 {offsets = [3], sizes = [1], strides = [1]} : vector<16xi32> to vector<1xi32>
      %squeeze3A_827 = vector.extract %slice3A_826[0] : i32 from vector<1xi32>
      %broadcast_in_dim3A_828 = vector.broadcast %squeeze3A_827 : i32 to vector<16xi32>
      %gather3A_829 = tpu.vector_load_idx %arg23[%iota3A, %broadcast_in_dim3A_828] : memref<16x128xf32, #tpu.memory_space<vmem>>[vector<16xi32>, vector<16xi32>], vector<16xf32>,
      %mul3A_830 = arith.constant 16 : i32
      %mul3A_831 = arith.muli %scan3A_632, %mul3A_830 : i32
      %add3A_832 = arith.constant 3 : i32
      %add3A_833 = arith.addi %mul3A_831, %add3A_832 : i32
      %mul3A_834 = arith.constant 17 : i32
      %mul3A_835 = arith.muli %add3A_833, %mul3A_834 : i32
      %broadcast_in_dim3A_836 = vector.broadcast %mul3A_835 : i32 to vector<16xi32>
      %add3A_837 = arith.addi %broadcast_in_dim3A_836, %iota3A : vector<16xi32>
      tpu.vector_store_idx %arg10[%add3A_837], %gather3A_829 : memref<8704xf32, #tpu.memory_space<vmem>>[vector<16xi32>], vector<16xf32>,
      %slice3A_838 = vector.extract_strided_slice %get3A_640 {offsets = [3], sizes = [1], strides = [1]} : vector<16xi32> to vector<1xi32>
      %squeeze3A_839 = vector.extract %slice3A_838[0] : i32 from vector<1xi32>
      %jit3A_840 = arith.constant 128 : i32
      %div3A_841 = arith.divsi %squeeze3A_839, %jit3A_840 : i32
      %sign3A_842 = arith.constant 0 : i32
      %sign3A_843 = arith.cmpi sgt, %squeeze3A_839, %sign3A_842 : i32
      %sign3A_844 = arith.extui %sign3A_843 : i1 to i32
      %sign3A_845 = arith.constant 0 : i32
      %sign3A_846 = arith.cmpi slt, %squeeze3A_839, %sign3A_845 : i32
      %sign3A_847 = arith.extui %sign3A_846 : i1 to i32
      %sign3A_848 = arith.subi %sign3A_844, %sign3A_847 : i32
      %sign3A_849 = arith.constant 0 : i32
      %sign3A_850 = arith.cmpi sgt, %jit3A_840, %sign3A_849 : i32
      %sign3A_851 = arith.extui %sign3A_850 : i1 to i32
      %sign3A_852 = arith.constant 0 : i32
      %sign3A_853 = arith.cmpi slt, %jit3A_840, %sign3A_852 : i32
      %sign3A_854 = arith.extui %sign3A_853 : i1 to i32
      %sign3A_855 = arith.subi %sign3A_851, %sign3A_854 : i32
      %ne3A_856 = arith.cmpi ne, %sign3A_848, %sign3A_855 : i32
      %rem3A_857 = arith.remsi %squeeze3A_839, %jit3A_840 : i32
      %ne3A_858 = arith.constant 0 : i32
      %ne3A_859 = arith.cmpi ne, %rem3A_857, %ne3A_858 : i32
      %and3A_860 = arith.andi %ne3A_856, %ne3A_859 : i1
      %sub3A_861 = arith.constant 1 : i32
      %sub3A_862 = arith.subi %div3A_841, %sub3A_861 : i32
      %select_n3A_863 = arith.select %and3A_860, %sub3A_862, %div3A_841 : i32
      %mul3A_864 = arith.constant 128 : i32
      %mul3A_865 = arith.muli %select_n3A_863, %mul3A_864 : i32
      %multiple_of3A_866 = tpu.assume_multiple %mul3A_865, 128 : i32
      %dma_start3A_867 = arith.constant 0 : i32
      %dma_start3A_868 = tpu.memref_slice %arg6[%dma_start3A_867, %multiple_of3A_866] : memref<16x1000000xf32, #tpu.memory_space<hbm>> -> memref<16x128xf32, #tpu.memory_space<hbm>>
      %dma_start3A_869 = arith.constant 0 : i32
      %dma_start3A_870 = tpu.memref_slice %arg6[%dma_start3A_869, %multiple_of3A_866] : memref<16x1000000xf32, #tpu.memory_space<hbm>> -> memref<16x128xf32, #tpu.memory_space<hbm>>
      tpu.enqueue_dma source(%dma_start3A_870 : memref<16x128xf32, #tpu.memory_space<hbm>>) target(%arg23 : memref<16x128xf32, #tpu.memory_space<vmem>>) target_semaphore(%arg39 : memref<!tpu.dma_semaphore, #tpu.memory_space<semaphore_mem>>)
      %dma_wait3A_871 = arith.constant 0 : i32
      %dma_wait3A_872 = arith.constant 0 : i32
      %dma_wait3A_873 = tpu.memref_slice %arg6[%dma_wait3A_871, %dma_wait3A_872] : memref<16x1000000xf32, #tpu.memory_space<hbm>> -> memref<16x128xf32, #tpu.memory_space<hbm>>
      %dma_wait3A_874 = arith.constant 0 : i32
      %dma_wait3A_875 = arith.constant 0 : i32
      %dma_wait3A_876 = tpu.memref_slice %arg6[%dma_wait3A_874, %dma_wait3A_875] : memref<16x1000000xf32, #tpu.memory_space<hbm>> -> memref<16x128xf32, #tpu.memory_space<hbm>>
      tpu.wait_dma2 semaphore(%arg40 : memref<!tpu.dma_semaphore, #tpu.memory_space<semaphore_mem>>) src(%dma_wait3A_876 : memref<16x128xf32, #tpu.memory_space<hbm>>) dst(%arg24 : memref<16x128xf32, #tpu.memory_space<vmem>>)
      %slice3A_877 = vector.extract_strided_slice %select_n3A_661 {offsets = [4], sizes = [1], strides = [1]} : vector<16xi32> to vector<1xi32>
      %squeeze3A_878 = vector.extract %slice3A_877[0] : i32 from vector<1xi32>
      %broadcast_in_dim3A_879 = vector.broadcast %squeeze3A_878 : i32 to vector<16xi32>
      %gather3A_880 = tpu.vector_load_idx %arg24[%iota3A, %broadcast_in_dim3A_879] : memref<16x128xf32, #tpu.memory_space<vmem>>[vector<16xi32>, vector<16xi32>], vector<16xf32>,
      %mul3A_881 = arith.constant 16 : i32
      %mul3A_882 = arith.muli %scan3A_632, %mul3A_881 : i32
      %add3A_883 = arith.constant 4 : i32
      %add3A_884 = arith.addi %mul3A_882, %add3A_883 : i32
      %mul3A_885 = arith.constant 17 : i32
      %mul3A_886 = arith.muli %add3A_884, %mul3A_885 : i32
      %broadcast_in_dim3A_887 = vector.broadcast %mul3A_886 : i32 to vector<16xi32>
      %add3A_888 = arith.addi %broadcast_in_dim3A_887, %iota3A : vector<16xi32>
      tpu.vector_store_idx %arg10[%add3A_888], %gather3A_880 : memref<8704xf32, #tpu.memory_space<vmem>>[vector<16xi32>], vector<16xf32>,
      %slice3A_889 = vector.extract_strided_slice %get3A_640 {offsets = [4], sizes = [1], strides = [1]} : vector<16xi32> to vector<1xi32>
      %squeeze3A_890 = vector.extract %slice3A_889[0] : i32 from vector<1xi32>
      %jit3A_891 = arith.constant 128 : i32
      %div3A_892 = arith.divsi %squeeze3A_890, %jit3A_891 : i32
      %sign3A_893 = arith.constant 0 : i32
      %sign3A_894 = arith.cmpi sgt, %squeeze3A_890, %sign3A_893 : i32
      %sign3A_895 = arith.extui %sign3A_894 : i1 to i32
      %sign3A_896 = arith.constant 0 : i32
      %sign3A_897 = arith.cmpi slt, %squeeze3A_890, %sign3A_896 : i32
      %sign3A_898 = arith.extui %sign3A_897 : i1 to i32
      %sign3A_899 = arith.subi %sign3A_895, %sign3A_898 : i32
      %sign3A_900 = arith.constant 0 : i32
      %sign3A_901 = arith.cmpi sgt, %jit3A_891, %sign3A_900 : i32
      %sign3A_902 = arith.extui %sign3A_901 : i1 to i32
      %sign3A_903 = arith.constant 0 : i32
      %sign3A_904 = arith.cmpi slt, %jit3A_891, %sign3A_903 : i32
      %sign3A_905 = arith.extui %sign3A_904 : i1 to i32
      %sign3A_906 = arith.subi %sign3A_902, %sign3A_905 : i32
      %ne3A_907 = arith.cmpi ne, %sign3A_899, %sign3A_906 : i32
      %rem3A_908 = arith.remsi %squeeze3A_890, %jit3A_891 : i32
      %ne3A_909 = arith.constant 0 : i32
      %ne3A_910 = arith.cmpi ne, %rem3A_908, %ne3A_909 : i32
      %and3A_911 = arith.andi %ne3A_907, %ne3A_910 : i1
      %sub3A_912 = arith.constant 1 : i32
      %sub3A_913 = arith.subi %div3A_892, %sub3A_912 : i32
      %select_n3A_914 = arith.select %and3A_911, %sub3A_913, %div3A_892 : i32
      %mul3A_915 = arith.constant 128 : i32
      %mul3A_916 = arith.muli %select_n3A_914, %mul3A_915 : i32
      %multiple_of3A_917 = tpu.assume_multiple %mul3A_916, 128 : i32
      %dma_start3A_918 = arith.constant 0 : i32
      %dma_start3A_919 = tpu.memref_slice %arg6[%dma_start3A_918, %multiple_of3A_917] : memref<16x1000000xf32, #tpu.memory_space<hbm>> -> memref<16x128xf32, #tpu.memory_space<hbm>>
      %dma_start3A_920 = arith.constant 0 : i32
      %dma_start3A_921 = tpu.memref_slice %arg6[%dma_start3A_920, %multiple_of3A_917] : memref<16x1000000xf32, #tpu.memory_space<hbm>> -> memref<16x128xf32, #tpu.memory_space<hbm>>
      tpu.enqueue_dma source(%dma_start3A_921 : memref<16x128xf32, #tpu.memory_space<hbm>>) target(%arg24 : memref<16x128xf32, #tpu.memory_space<vmem>>) target_semaphore(%arg40 : memref<!tpu.dma_semaphore, #tpu.memory_space<semaphore_mem>>)
      %dma_wait3A_922 = arith.constant 0 : i32
      %dma_wait3A_923 = arith.constant 0 : i32
      %dma_wait3A_924 = tpu.memref_slice %arg6[%dma_wait3A_922, %dma_wait3A_923] : memref<16x1000000xf32, #tpu.memory_space<hbm>> -> memref<16x128xf32, #tpu.memory_space<hbm>>
      %dma_wait3A_925 = arith.constant 0 : i32
      %dma_wait3A_926 = arith.constant 0 : i32
      %dma_wait3A_927 = tpu.memref_slice %arg6[%dma_wait3A_925, %dma_wait3A_926] : memref<16x1000000xf32, #tpu.memory_space<hbm>> -> memref<16x128xf32, #tpu.memory_space<hbm>>
      tpu.wait_dma2 semaphore(%arg41 : memref<!tpu.dma_semaphore, #tpu.memory_space<semaphore_mem>>) src(%dma_wait3A_927 : memref<16x128xf32, #tpu.memory_space<hbm>>) dst(%arg25 : memref<16x128xf32, #tpu.memory_space<vmem>>)
      %slice3A_928 = vector.extract_strided_slice %select_n3A_661 {offsets = [5], sizes = [1], strides = [1]} : vector<16xi32> to vector<1xi32>
      %squeeze3A_929 = vector.extract %slice3A_928[0] : i32 from vector<1xi32>
      %broadcast_in_dim3A_930 = vector.broadcast %squeeze3A_929 : i32 to vector<16xi32>
      %gather3A_931 = tpu.vector_load_idx %arg25[%iota3A, %broadcast_in_dim3A_930] : memref<16x128xf32, #tpu.memory_space<vmem>>[vector<16xi32>, vector<16xi32>], vector<16xf32>,
      %mul3A_932 = arith.constant 16 : i32
      %mul3A_933 = arith.muli %scan3A_632, %mul3A_932 : i32
      %add3A_934 = arith.constant 5 : i32
      %add3A_935 = arith.addi %mul3A_933, %add3A_934 : i32
      %mul3A_936 = arith.constant 17 : i32
      %mul3A_937 = arith.muli %add3A_935, %mul3A_936 : i32
      %broadcast_in_dim3A_938 = vector.broadcast %mul3A_937 : i32 to vector<16xi32>
      %add3A_939 = arith.addi %broadcast_in_dim3A_938, %iota3A : vector<16xi32>
      tpu.vector_store_idx %arg10[%add3A_939], %gather3A_931 : memref<8704xf32, #tpu.memory_space<vmem>>[vector<16xi32>], vector<16xf32>,
      %slice3A_940 = vector.extract_strided_slice %get3A_640 {offsets = [5], sizes = [1], strides = [1]} : vector<16xi32> to vector<1xi32>
      %squeeze3A_941 = vector.extract %slice3A_940[0] : i32 from vector<1xi32>
      %jit3A_942 = arith.constant 128 : i32
      %div3A_943 = arith.divsi %squeeze3A_941, %jit3A_942 : i32
      %sign3A_944 = arith.constant 0 : i32
      %sign3A_945 = arith.cmpi sgt, %squeeze3A_941, %sign3A_944 : i32
      %sign3A_946 = arith.extui %sign3A_945 : i1 to i32
      %sign3A_947 = arith.constant 0 : i32
      %sign3A_948 = arith.cmpi slt, %squeeze3A_941, %sign3A_947 : i32
      %sign3A_949 = arith.extui %sign3A_948 : i1 to i32
      %sign3A_950 = arith.subi %sign3A_946, %sign3A_949 : i32
      %sign3A_951 = arith.constant 0 : i32
      %sign3A_952 = arith.cmpi sgt, %jit3A_942, %sign3A_951 : i32
      %sign3A_953 = arith.extui %sign3A_952 : i1 to i32
      %sign3A_954 = arith.constant 0 : i32
      %sign3A_955 = arith.cmpi slt, %jit3A_942, %sign3A_954 : i32
      %sign3A_956 = arith.extui %sign3A_955 : i1 to i32
      %sign3A_957 = arith.subi %sign3A_953, %sign3A_956 : i32
      %ne3A_958 = arith.cmpi ne, %sign3A_950, %sign3A_957 : i32
      %rem3A_959 = arith.remsi %squeeze3A_941, %jit3A_942 : i32
      %ne3A_960 = arith.constant 0 : i32
      %ne3A_961 = arith.cmpi ne, %rem3A_959, %ne3A_960 : i32
      %and3A_962 = arith.andi %ne3A_958, %ne3A_961 : i1
      %sub3A_963 = arith.constant 1 : i32
      %sub3A_964 = arith.subi %div3A_943, %sub3A_963 : i32
      %select_n3A_965 = arith.select %and3A_962, %sub3A_964, %div3A_943 : i32
      %mul3A_966 = arith.constant 128 : i32
      %mul3A_967 = arith.muli %select_n3A_965, %mul3A_966 : i32
      %multiple_of3A_968 = tpu.assume_multiple %mul3A_967, 128 : i32
      %dma_start3A_969 = arith.constant 0 : i32
      %dma_start3A_970 = tpu.memref_slice %arg6[%dma_start3A_969, %multiple_of3A_968] : memref<16x1000000xf32, #tpu.memory_space<hbm>> -> memref<16x128xf32, #tpu.memory_space<hbm>>
      %dma_start3A_971 = arith.constant 0 : i32
      %dma_start3A_972 = tpu.memref_slice %arg6[%dma_start3A_971, %multiple_of3A_968] : memref<16x1000000xf32, #tpu.memory_space<hbm>> -> memref<16x128xf32, #tpu.memory_space<hbm>>
      tpu.enqueue_dma source(%dma_start3A_972 : memref<16x128xf32, #tpu.memory_space<hbm>>) target(%arg25 : memref<16x128xf32, #tpu.memory_space<vmem>>) target_semaphore(%arg41 : memref<!tpu.dma_semaphore, #tpu.memory_space<semaphore_mem>>)
      %dma_wait3A_973 = arith.constant 0 : i32
      %dma_wait3A_974 = arith.constant 0 : i32
      %dma_wait3A_975 = tpu.memref_slice %arg6[%dma_wait3A_973, %dma_wait3A_974] : memref<16x1000000xf32, #tpu.memory_space<hbm>> -> memref<16x128xf32, #tpu.memory_space<hbm>>
      %dma_wait3A_976 = arith.constant 0 : i32
      %dma_wait3A_977 = arith.constant 0 : i32
      %dma_wait3A_978 = tpu.memref_slice %arg6[%dma_wait3A_976, %dma_wait3A_977] : memref<16x1000000xf32, #tpu.memory_space<hbm>> -> memref<16x128xf32, #tpu.memory_space<hbm>>
      tpu.wait_dma2 semaphore(%arg42 : memref<!tpu.dma_semaphore, #tpu.memory_space<semaphore_mem>>) src(%dma_wait3A_978 : memref<16x128xf32, #tpu.memory_space<hbm>>) dst(%arg26 : memref<16x128xf32, #tpu.memory_space<vmem>>)
      %slice3A_979 = vector.extract_strided_slice %select_n3A_661 {offsets = [6], sizes = [1], strides = [1]} : vector<16xi32> to vector<1xi32>
      %squeeze3A_980 = vector.extract %slice3A_979[0] : i32 from vector<1xi32>
      %broadcast_in_dim3A_981 = vector.broadcast %squeeze3A_980 : i32 to vector<16xi32>
      %gather3A_982 = tpu.vector_load_idx %arg26[%iota3A, %broadcast_in_dim3A_981] : memref<16x128xf32, #tpu.memory_space<vmem>>[vector<16xi32>, vector<16xi32>], vector<16xf32>,
      %mul3A_983 = arith.constant 16 : i32
      %mul3A_984 = arith.muli %scan3A_632, %mul3A_983 : i32
      %add3A_985 = arith.constant 6 : i32
      %add3A_986 = arith.addi %mul3A_984, %add3A_985 : i32
      %mul3A_987 = arith.constant 17 : i32
      %mul3A_988 = arith.muli %add3A_986, %mul3A_987 : i32
      %broadcast_in_dim3A_989 = vector.broadcast %mul3A_988 : i32 to vector<16xi32>
      %add3A_990 = arith.addi %broadcast_in_dim3A_989, %iota3A : vector<16xi32>
      tpu.vector_store_idx %arg10[%add3A_990], %gather3A_982 : memref<8704xf32, #tpu.memory_space<vmem>>[vector<16xi32>], vector<16xf32>,
      %slice3A_991 = vector.extract_strided_slice %get3A_640 {offsets = [6], sizes = [1], strides = [1]} : vector<16xi32> to vector<1xi32>
      %squeeze3A_992 = vector.extract %slice3A_991[0] : i32 from vector<1xi32>
      %jit3A_993 = arith.constant 128 : i32
      %div3A_994 = arith.divsi %squeeze3A_992, %jit3A_993 : i32
      %sign3A_995 = arith.constant 0 : i32
      %sign3A_996 = arith.cmpi sgt, %squeeze3A_992, %sign3A_995 : i32
      %sign3A_997 = arith.extui %sign3A_996 : i1 to i32
      %sign3A_998 = arith.constant 0 : i32
      %sign3A_999 = arith.cmpi slt, %squeeze3A_992, %sign3A_998 : i32
      %sign3A_1000 = arith.extui %sign3A_999 : i1 to i32
      %sign3A_1001 = arith.subi %sign3A_997, %sign3A_1000 : i32
      %sign3A_1002 = arith.constant 0 : i32
      %sign3A_1003 = arith.cmpi sgt, %jit3A_993, %sign3A_1002 : i32
      %sign3A_1004 = arith.extui %sign3A_1003 : i1 to i32
      %sign3A_1005 = arith.constant 0 : i32
      %sign3A_1006 = arith.cmpi slt, %jit3A_993, %sign3A_1005 : i32
      %sign3A_1007 = arith.extui %sign3A_1006 : i1 to i32
      %sign3A_1008 = arith.subi %sign3A_1004, %sign3A_1007 : i32
      %ne3A_1009 = arith.cmpi ne, %sign3A_1001, %sign3A_1008 : i32
      %rem3A_1010 = arith.remsi %squeeze3A_992, %jit3A_993 : i32
      %ne3A_1011 = arith.constant 0 : i32
      %ne3A_1012 = arith.cmpi ne, %rem3A_1010, %ne3A_1011 : i32
      %and3A_1013 = arith.andi %ne3A_1009, %ne3A_1012 : i1
      %sub3A_1014 = arith.constant 1 : i32
      %sub3A_1015 = arith.subi %div3A_994, %sub3A_1014 : i32
      %select_n3A_1016 = arith.select %and3A_1013, %sub3A_1015, %div3A_994 : i32
      %mul3A_1017 = arith.constant 128 : i32
      %mul3A_1018 = arith.muli %select_n3A_1016, %mul3A_1017 : i32
      %multiple_of3A_1019 = tpu.assume_multiple %mul3A_1018, 128 : i32
      %dma_start3A_1020 = arith.constant 0 : i32
      %dma_start3A_1021 = tpu.memref_slice %arg6[%dma_start3A_1020, %multiple_of3A_1019] : memref<16x1000000xf32, #tpu.memory_space<hbm>> -> memref<16x128xf32, #tpu.memory_space<hbm>>
      %dma_start3A_1022 = arith.constant 0 : i32
      %dma_start3A_1023 = tpu.memref_slice %arg6[%dma_start3A_1022, %multiple_of3A_1019] : memref<16x1000000xf32, #tpu.memory_space<hbm>> -> memref<16x128xf32, #tpu.memory_space<hbm>>
      tpu.enqueue_dma source(%dma_start3A_1023 : memref<16x128xf32, #tpu.memory_space<hbm>>) target(%arg26 : memref<16x128xf32, #tpu.memory_space<vmem>>) target_semaphore(%arg42 : memref<!tpu.dma_semaphore, #tpu.memory_space<semaphore_mem>>)
      %dma_wait3A_1024 = arith.constant 0 : i32
      %dma_wait3A_1025 = arith.constant 0 : i32
      %dma_wait3A_1026 = tpu.memref_slice %arg6[%dma_wait3A_1024, %dma_wait3A_1025] : memref<16x1000000xf32, #tpu.memory_space<hbm>> -> memref<16x128xf32, #tpu.memory_space<hbm>>
      %dma_wait3A_1027 = arith.constant 0 : i32
      %dma_wait3A_1028 = arith.constant 0 : i32
      %dma_wait3A_1029 = tpu.memref_slice %arg6[%dma_wait3A_1027, %dma_wait3A_1028] : memref<16x1000000xf32, #tpu.memory_space<hbm>> -> memref<16x128xf32, #tpu.memory_space<hbm>>
      tpu.wait_dma2 semaphore(%arg43 : memref<!tpu.dma_semaphore, #tpu.memory_space<semaphore_mem>>) src(%dma_wait3A_1029 : memref<16x128xf32, #tpu.memory_space<hbm>>) dst(%arg27 : memref<16x128xf32, #tpu.memory_space<vmem>>)
      %slice3A_1030 = vector.extract_strided_slice %select_n3A_661 {offsets = [7], sizes = [1], strides = [1]} : vector<16xi32> to vector<1xi32>
      %squeeze3A_1031 = vector.extract %slice3A_1030[0] : i32 from vector<1xi32>
      %broadcast_in_dim3A_1032 = vector.broadcast %squeeze3A_1031 : i32 to vector<16xi32>
      %gather3A_1033 = tpu.vector_load_idx %arg27[%iota3A, %broadcast_in_dim3A_1032] : memref<16x128xf32, #tpu.memory_space<vmem>>[vector<16xi32>, vector<16xi32>], vector<16xf32>,
      %mul3A_1034 = arith.constant 16 : i32
      %mul3A_1035 = arith.muli %scan3A_632, %mul3A_1034 : i32
      %add3A_1036 = arith.constant 7 : i32
      %add3A_1037 = arith.addi %mul3A_1035, %add3A_1036 : i32
      %mul3A_1038 = arith.constant 17 : i32
      %mul3A_1039 = arith.muli %add3A_1037, %mul3A_1038 : i32
      %broadcast_in_dim3A_1040 = vector.broadcast %mul3A_1039 : i32 to vector<16xi32>
      %add3A_1041 = arith.addi %broadcast_in_dim3A_1040, %iota3A : vector<16xi32>
      tpu.vector_store_idx %arg10[%add3A_1041], %gather3A_1033 : memref<8704xf32, #tpu.memory_space<vmem>>[vector<16xi32>], vector<16xf32>,
      %slice3A_1042 = vector.extract_strided_slice %get3A_640 {offsets = [7], sizes = [1], strides = [1]} : vector<16xi32> to vector<1xi32>
      %squeeze3A_1043 = vector.extract %slice3A_1042[0] : i32 from vector<1xi32>
      %jit3A_1044 = arith.constant 128 : i32
      %div3A_1045 = arith.divsi %squeeze3A_1043, %jit3A_1044 : i32
      %sign3A_1046 = arith.constant 0 : i32
      %sign3A_1047 = arith.cmpi sgt, %squeeze3A_1043, %sign3A_1046 : i32
      %sign3A_1048 = arith.extui %sign3A_1047 : i1 to i32
      %sign3A_1049 = arith.constant 0 : i32
      %sign3A_1050 = arith.cmpi slt, %squeeze3A_1043, %sign3A_1049 : i32
      %sign3A_1051 = arith.extui %sign3A_1050 : i1 to i32
      %sign3A_1052 = arith.subi %sign3A_1048, %sign3A_1051 : i32
      %sign3A_1053 = arith.constant 0 : i32
      %sign3A_1054 = arith.cmpi sgt, %jit3A_1044, %sign3A_1053 : i32
      %sign3A_1055 = arith.extui %sign3A_1054 : i1 to i32
      %sign3A_1056 = arith.constant 0 : i32
      %sign3A_1057 = arith.cmpi slt, %jit3A_1044, %sign3A_1056 : i32
      %sign3A_1058 = arith.extui %sign3A_1057 : i1 to i32
      %sign3A_1059 = arith.subi %sign3A_1055, %sign3A_1058 : i32
      %ne3A_1060 = arith.cmpi ne, %sign3A_1052, %sign3A_1059 : i32
      %rem3A_1061 = arith.remsi %squeeze3A_1043, %jit3A_1044 : i32
      %ne3A_1062 = arith.constant 0 : i32
      %ne3A_1063 = arith.cmpi ne, %rem3A_1061, %ne3A_1062 : i32
      %and3A_1064 = arith.andi %ne3A_1060, %ne3A_1063 : i1
      %sub3A_1065 = arith.constant 1 : i32
      %sub3A_1066 = arith.subi %div3A_1045, %sub3A_1065 : i32
      %select_n3A_1067 = arith.select %and3A_1064, %sub3A_1066, %div3A_1045 : i32
      %mul3A_1068 = arith.constant 128 : i32
      %mul3A_1069 = arith.muli %select_n3A_1067, %mul3A_1068 : i32
      %multiple_of3A_1070 = tpu.assume_multiple %mul3A_1069, 128 : i32
      %dma_start3A_1071 = arith.constant 0 : i32
      %dma_start3A_1072 = tpu.memref_slice %arg6[%dma_start3A_1071, %multiple_of3A_1070] : memref<16x1000000xf32, #tpu.memory_space<hbm>> -> memref<16x128xf32, #tpu.memory_space<hbm>>
      %dma_start3A_1073 = arith.constant 0 : i32
      %dma_start3A_1074 = tpu.memref_slice %arg6[%dma_start3A_1073, %multiple_of3A_1070] : memref<16x1000000xf32, #tpu.memory_space<hbm>> -> memref<16x128xf32, #tpu.memory_space<hbm>>
      tpu.enqueue_dma source(%dma_start3A_1074 : memref<16x128xf32, #tpu.memory_space<hbm>>) target(%arg27 : memref<16x128xf32, #tpu.memory_space<vmem>>) target_semaphore(%arg43 : memref<!tpu.dma_semaphore, #tpu.memory_space<semaphore_mem>>)
      %dma_wait3A_1075 = arith.constant 0 : i32
      %dma_wait3A_1076 = arith.constant 0 : i32
      %dma_wait3A_1077 = tpu.memref_slice %arg6[%dma_wait3A_1075, %dma_wait3A_1076] : memref<16x1000000xf32, #tpu.memory_space<hbm>> -> memref<16x128xf32, #tpu.memory_space<hbm>>
      %dma_wait3A_1078 = arith.constant 0 : i32
      %dma_wait3A_1079 = arith.constant 0 : i32
      %dma_wait3A_1080 = tpu.memref_slice %arg6[%dma_wait3A_1078, %dma_wait3A_1079] : memref<16x1000000xf32, #tpu.memory_space<hbm>> -> memref<16x128xf32, #tpu.memory_space<hbm>>
      tpu.wait_dma2 semaphore(%arg44 : memref<!tpu.dma_semaphore, #tpu.memory_space<semaphore_mem>>) src(%dma_wait3A_1080 : memref<16x128xf32, #tpu.memory_space<hbm>>) dst(%arg28 : memref<16x128xf32, #tpu.memory_space<vmem>>)
      %slice3A_1081 = vector.extract_strided_slice %select_n3A_661 {offsets = [8], sizes = [1], strides = [1]} : vector<16xi32> to vector<1xi32>
      %squeeze3A_1082 = vector.extract %slice3A_1081[0] : i32 from vector<1xi32>
      %broadcast_in_dim3A_1083 = vector.broadcast %squeeze3A_1082 : i32 to vector<16xi32>
      %gather3A_1084 = tpu.vector_load_idx %arg28[%iota3A, %broadcast_in_dim3A_1083] : memref<16x128xf32, #tpu.memory_space<vmem>>[vector<16xi32>, vector<16xi32>], vector<16xf32>,
      %mul3A_1085 = arith.constant 16 : i32
      %mul3A_1086 = arith.muli %scan3A_632, %mul3A_1085 : i32
      %add3A_1087 = arith.constant 8 : i32
      %add3A_1088 = arith.addi %mul3A_1086, %add3A_1087 : i32
      %mul3A_1089 = arith.constant 17 : i32
      %mul3A_1090 = arith.muli %add3A_1088, %mul3A_1089 : i32
      %broadcast_in_dim3A_1091 = vector.broadcast %mul3A_1090 : i32 to vector<16xi32>
      %add3A_1092 = arith.addi %broadcast_in_dim3A_1091, %iota3A : vector<16xi32>
      tpu.vector_store_idx %arg10[%add3A_1092], %gather3A_1084 : memref<8704xf32, #tpu.memory_space<vmem>>[vector<16xi32>], vector<16xf32>,
      %slice3A_1093 = vector.extract_strided_slice %get3A_640 {offsets = [8], sizes = [1], strides = [1]} : vector<16xi32> to vector<1xi32>
      %squeeze3A_1094 = vector.extract %slice3A_1093[0] : i32 from vector<1xi32>
      %jit3A_1095 = arith.constant 128 : i32
      %div3A_1096 = arith.divsi %squeeze3A_1094, %jit3A_1095 : i32
      %sign3A_1097 = arith.constant 0 : i32
      %sign3A_1098 = arith.cmpi sgt, %squeeze3A_1094, %sign3A_1097 : i32
      %sign3A_1099 = arith.extui %sign3A_1098 : i1 to i32
      %sign3A_1100 = arith.constant 0 : i32
      %sign3A_1101 = arith.cmpi slt, %squeeze3A_1094, %sign3A_1100 : i32
      %sign3A_1102 = arith.extui %sign3A_1101 : i1 to i32
      %sign3A_1103 = arith.subi %sign3A_1099, %sign3A_1102 : i32
      %sign3A_1104 = arith.constant 0 : i32
      %sign3A_1105 = arith.cmpi sgt, %jit3A_1095, %sign3A_1104 : i32
      %sign3A_1106 = arith.extui %sign3A_1105 : i1 to i32
      %sign3A_1107 = arith.constant 0 : i32
      %sign3A_1108 = arith.cmpi slt, %jit3A_1095, %sign3A_1107 : i32
      %sign3A_1109 = arith.extui %sign3A_1108 : i1 to i32
      %sign3A_1110 = arith.subi %sign3A_1106, %sign3A_1109 : i32
      %ne3A_1111 = arith.cmpi ne, %sign3A_1103, %sign3A_1110 : i32
      %rem3A_1112 = arith.remsi %squeeze3A_1094, %jit3A_1095 : i32
      %ne3A_1113 = arith.constant 0 : i32
      %ne3A_1114 = arith.cmpi ne, %rem3A_1112, %ne3A_1113 : i32
      %and3A_1115 = arith.andi %ne3A_1111, %ne3A_1114 : i1
      %sub3A_1116 = arith.constant 1 : i32
      %sub3A_1117 = arith.subi %div3A_1096, %sub3A_1116 : i32
      %select_n3A_1118 = arith.select %and3A_1115, %sub3A_1117, %div3A_1096 : i32
      %mul3A_1119 = arith.constant 128 : i32
      %mul3A_1120 = arith.muli %select_n3A_1118, %mul3A_1119 : i32
      %multiple_of3A_1121 = tpu.assume_multiple %mul3A_1120, 128 : i32
      %dma_start3A_1122 = arith.constant 0 : i32
      %dma_start3A_1123 = tpu.memref_slice %arg6[%dma_start3A_1122, %multiple_of3A_1121] : memref<16x1000000xf32, #tpu.memory_space<hbm>> -> memref<16x128xf32, #tpu.memory_space<hbm>>
      %dma_start3A_1124 = arith.constant 0 : i32
      %dma_start3A_1125 = tpu.memref_slice %arg6[%dma_start3A_1124, %multiple_of3A_1121] : memref<16x1000000xf32, #tpu.memory_space<hbm>> -> memref<16x128xf32, #tpu.memory_space<hbm>>
      tpu.enqueue_dma source(%dma_start3A_1125 : memref<16x128xf32, #tpu.memory_space<hbm>>) target(%arg28 : memref<16x128xf32, #tpu.memory_space<vmem>>) target_semaphore(%arg44 : memref<!tpu.dma_semaphore, #tpu.memory_space<semaphore_mem>>)
      %dma_wait3A_1126 = arith.constant 0 : i32
      %dma_wait3A_1127 = arith.constant 0 : i32
      %dma_wait3A_1128 = tpu.memref_slice %arg6[%dma_wait3A_1126, %dma_wait3A_1127] : memref<16x1000000xf32, #tpu.memory_space<hbm>> -> memref<16x128xf32, #tpu.memory_space<hbm>>
      %dma_wait3A_1129 = arith.constant 0 : i32
      %dma_wait3A_1130 = arith.constant 0 : i32
      %dma_wait3A_1131 = tpu.memref_slice %arg6[%dma_wait3A_1129, %dma_wait3A_1130] : memref<16x1000000xf32, #tpu.memory_space<hbm>> -> memref<16x128xf32, #tpu.memory_space<hbm>>
      tpu.wait_dma2 semaphore(%arg45 : memref<!tpu.dma_semaphore, #tpu.memory_space<semaphore_mem>>) src(%dma_wait3A_1131 : memref<16x128xf32, #tpu.memory_space<hbm>>) dst(%arg29 : memref<16x128xf32, #tpu.memory_space<vmem>>)
      %slice3A_1132 = vector.extract_strided_slice %select_n3A_661 {offsets = [9], sizes = [1], strides = [1]} : vector<16xi32> to vector<1xi32>
      %squeeze3A_1133 = vector.extract %slice3A_1132[0] : i32 from vector<1xi32>
      %broadcast_in_dim3A_1134 = vector.broadcast %squeeze3A_1133 : i32 to vector<16xi32>
      %gather3A_1135 = tpu.vector_load_idx %arg29[%iota3A, %broadcast_in_dim3A_1134] : memref<16x128xf32, #tpu.memory_space<vmem>>[vector<16xi32>, vector<16xi32>], vector<16xf32>,
      %mul3A_1136 = arith.constant 16 : i32
      %mul3A_1137 = arith.muli %scan3A_632, %mul3A_1136 : i32
      %add3A_1138 = arith.constant 9 : i32
      %add3A_1139 = arith.addi %mul3A_1137, %add3A_1138 : i32
      %mul3A_1140 = arith.constant 17 : i32
      %mul3A_1141 = arith.muli %add3A_1139, %mul3A_1140 : i32
      %broadcast_in_dim3A_1142 = vector.broadcast %mul3A_1141 : i32 to vector<16xi32>
      %add3A_1143 = arith.addi %broadcast_in_dim3A_1142, %iota3A : vector<16xi32>
      tpu.vector_store_idx %arg10[%add3A_1143], %gather3A_1135 : memref<8704xf32, #tpu.memory_space<vmem>>[vector<16xi32>], vector<16xf32>,
      %slice3A_1144 = vector.extract_strided_slice %get3A_640 {offsets = [9], sizes = [1], strides = [1]} : vector<16xi32> to vector<1xi32>
      %squeeze3A_1145 = vector.extract %slice3A_1144[0] : i32 from vector<1xi32>
      %jit3A_1146 = arith.constant 128 : i32
      %div3A_1147 = arith.divsi %squeeze3A_1145, %jit3A_1146 : i32
      %sign3A_1148 = arith.constant 0 : i32
      %sign3A_1149 = arith.cmpi sgt, %squeeze3A_1145, %sign3A_1148 : i32
      %sign3A_1150 = arith.extui %sign3A_1149 : i1 to i32
      %sign3A_1151 = arith.constant 0 : i32
      %sign3A_1152 = arith.cmpi slt, %squeeze3A_1145, %sign3A_1151 : i32
      %sign3A_1153 = arith.extui %sign3A_1152 : i1 to i32
      %sign3A_1154 = arith.subi %sign3A_1150, %sign3A_1153 : i32
      %sign3A_1155 = arith.constant 0 : i32
      %sign3A_1156 = arith.cmpi sgt, %jit3A_1146, %sign3A_1155 : i32
      %sign3A_1157 = arith.extui %sign3A_1156 : i1 to i32
      %sign3A_1158 = arith.constant 0 : i32
      %sign3A_1159 = arith.cmpi slt, %jit3A_1146, %sign3A_1158 : i32
      %sign3A_1160 = arith.extui %sign3A_1159 : i1 to i32
      %sign3A_1161 = arith.subi %sign3A_1157, %sign3A_1160 : i32
      %ne3A_1162 = arith.cmpi ne, %sign3A_1154, %sign3A_1161 : i32
      %rem3A_1163 = arith.remsi %squeeze3A_1145, %jit3A_1146 : i32
      %ne3A_1164 = arith.constant 0 : i32
      %ne3A_1165 = arith.cmpi ne, %rem3A_1163, %ne3A_1164 : i32
      %and3A_1166 = arith.andi %ne3A_1162, %ne3A_1165 : i1
      %sub3A_1167 = arith.constant 1 : i32
      %sub3A_1168 = arith.subi %div3A_1147, %sub3A_1167 : i32
      %select_n3A_1169 = arith.select %and3A_1166, %sub3A_1168, %div3A_1147 : i32
      %mul3A_1170 = arith.constant 128 : i32
      %mul3A_1171 = arith.muli %select_n3A_1169, %mul3A_1170 : i32
      %multiple_of3A_1172 = tpu.assume_multiple %mul3A_1171, 128 : i32
      %dma_start3A_1173 = arith.constant 0 : i32
      %dma_start3A_1174 = tpu.memref_slice %arg6[%dma_start3A_1173, %multiple_of3A_1172] : memref<16x1000000xf32, #tpu.memory_space<hbm>> -> memref<16x128xf32, #tpu.memory_space<hbm>>
      %dma_start3A_1175 = arith.constant 0 : i32
      %dma_start3A_1176 = tpu.memref_slice %arg6[%dma_start3A_1175, %multiple_of3A_1172] : memref<16x1000000xf32, #tpu.memory_space<hbm>> -> memref<16x128xf32, #tpu.memory_space<hbm>>
      tpu.enqueue_dma source(%dma_start3A_1176 : memref<16x128xf32, #tpu.memory_space<hbm>>) target(%arg29 : memref<16x128xf32, #tpu.memory_space<vmem>>) target_semaphore(%arg45 : memref<!tpu.dma_semaphore, #tpu.memory_space<semaphore_mem>>)
      %dma_wait3A_1177 = arith.constant 0 : i32
      %dma_wait3A_1178 = arith.constant 0 : i32
      %dma_wait3A_1179 = tpu.memref_slice %arg6[%dma_wait3A_1177, %dma_wait3A_1178] : memref<16x1000000xf32, #tpu.memory_space<hbm>> -> memref<16x128xf32, #tpu.memory_space<hbm>>
      %dma_wait3A_1180 = arith.constant 0 : i32
      %dma_wait3A_1181 = arith.constant 0 : i32
      %dma_wait3A_1182 = tpu.memref_slice %arg6[%dma_wait3A_1180, %dma_wait3A_1181] : memref<16x1000000xf32, #tpu.memory_space<hbm>> -> memref<16x128xf32, #tpu.memory_space<hbm>>
      tpu.wait_dma2 semaphore(%arg46 : memref<!tpu.dma_semaphore, #tpu.memory_space<semaphore_mem>>) src(%dma_wait3A_1182 : memref<16x128xf32, #tpu.memory_space<hbm>>) dst(%arg30 : memref<16x128xf32, #tpu.memory_space<vmem>>)
      %slice3A_1183 = vector.extract_strided_slice %select_n3A_661 {offsets = [10], sizes = [1], strides = [1]} : vector<16xi32> to vector<1xi32>
      %squeeze3A_1184 = vector.extract %slice3A_1183[0] : i32 from vector<1xi32>
      %broadcast_in_dim3A_1185 = vector.broadcast %squeeze3A_1184 : i32 to vector<16xi32>
      %gather3A_1186 = tpu.vector_load_idx %arg30[%iota3A, %broadcast_in_dim3A_1185] : memref<16x128xf32, #tpu.memory_space<vmem>>[vector<16xi32>, vector<16xi32>], vector<16xf32>,
      %mul3A_1187 = arith.constant 16 : i32
      %mul3A_1188 = arith.muli %scan3A_632, %mul3A_1187 : i32
      %add3A_1189 = arith.constant 10 : i32
      %add3A_1190 = arith.addi %mul3A_1188, %add3A_1189 : i32
      %mul3A_1191 = arith.constant 17 : i32
      %mul3A_1192 = arith.muli %add3A_1190, %mul3A_1191 : i32
      %broadcast_in_dim3A_1193 = vector.broadcast %mul3A_1192 : i32 to vector<16xi32>
      %add3A_1194 = arith.addi %broadcast_in_dim3A_1193, %iota3A : vector<16xi32>
      tpu.vector_store_idx %arg10[%add3A_1194], %gather3A_1186 : memref<8704xf32, #tpu.memory_space<vmem>>[vector<16xi32>], vector<16xf32>,
      %slice3A_1195 = vector.extract_strided_slice %get3A_640 {offsets = [10], sizes = [1], strides = [1]} : vector<16xi32> to vector<1xi32>
      %squeeze3A_1196 = vector.extract %slice3A_1195[0] : i32 from vector<1xi32>
      %jit3A_1197 = arith.constant 128 : i32
      %div3A_1198 = arith.divsi %squeeze3A_1196, %jit3A_1197 : i32
      %sign3A_1199 = arith.constant 0 : i32
      %sign3A_1200 = arith.cmpi sgt, %squeeze3A_1196, %sign3A_1199 : i32
      %sign3A_1201 = arith.extui %sign3A_1200 : i1 to i32
      %sign3A_1202 = arith.constant 0 : i32
      %sign3A_1203 = arith.cmpi slt, %squeeze3A_1196, %sign3A_1202 : i32
      %sign3A_1204 = arith.extui %sign3A_1203 : i1 to i32
      %sign3A_1205 = arith.subi %sign3A_1201, %sign3A_1204 : i32
      %sign3A_1206 = arith.constant 0 : i32
      %sign3A_1207 = arith.cmpi sgt, %jit3A_1197, %sign3A_1206 : i32
      %sign3A_1208 = arith.extui %sign3A_1207 : i1 to i32
      %sign3A_1209 = arith.constant 0 : i32
      %sign3A_1210 = arith.cmpi slt, %jit3A_1197, %sign3A_1209 : i32
      %sign3A_1211 = arith.extui %sign3A_1210 : i1 to i32
      %sign3A_1212 = arith.subi %sign3A_1208, %sign3A_1211 : i32
      %ne3A_1213 = arith.cmpi ne, %sign3A_1205, %sign3A_1212 : i32
      %rem3A_1214 = arith.remsi %squeeze3A_1196, %jit3A_1197 : i32
      %ne3A_1215 = arith.constant 0 : i32
      %ne3A_1216 = arith.cmpi ne, %rem3A_1214, %ne3A_1215 : i32
      %and3A_1217 = arith.andi %ne3A_1213, %ne3A_1216 : i1
      %sub3A_1218 = arith.constant 1 : i32
      %sub3A_1219 = arith.subi %div3A_1198, %sub3A_1218 : i32
      %select_n3A_1220 = arith.select %and3A_1217, %sub3A_1219, %div3A_1198 : i32
      %mul3A_1221 = arith.constant 128 : i32
      %mul3A_1222 = arith.muli %select_n3A_1220, %mul3A_1221 : i32
      %multiple_of3A_1223 = tpu.assume_multiple %mul3A_1222, 128 : i32
      %dma_start3A_1224 = arith.constant 0 : i32
      %dma_start3A_1225 = tpu.memref_slice %arg6[%dma_start3A_1224, %multiple_of3A_1223] : memref<16x1000000xf32, #tpu.memory_space<hbm>> -> memref<16x128xf32, #tpu.memory_space<hbm>>
      %dma_start3A_1226 = arith.constant 0 : i32
      %dma_start3A_1227 = tpu.memref_slice %arg6[%dma_start3A_1226, %multiple_of3A_1223] : memref<16x1000000xf32, #tpu.memory_space<hbm>> -> memref<16x128xf32, #tpu.memory_space<hbm>>
      tpu.enqueue_dma source(%dma_start3A_1227 : memref<16x128xf32, #tpu.memory_space<hbm>>) target(%arg30 : memref<16x128xf32, #tpu.memory_space<vmem>>) target_semaphore(%arg46 : memref<!tpu.dma_semaphore, #tpu.memory_space<semaphore_mem>>)
      %dma_wait3A_1228 = arith.constant 0 : i32
      %dma_wait3A_1229 = arith.constant 0 : i32
      %dma_wait3A_1230 = tpu.memref_slice %arg6[%dma_wait3A_1228, %dma_wait3A_1229] : memref<16x1000000xf32, #tpu.memory_space<hbm>> -> memref<16x128xf32, #tpu.memory_space<hbm>>
      %dma_wait3A_1231 = arith.constant 0 : i32
      %dma_wait3A_1232 = arith.constant 0 : i32
      %dma_wait3A_1233 = tpu.memref_slice %arg6[%dma_wait3A_1231, %dma_wait3A_1232] : memref<16x1000000xf32, #tpu.memory_space<hbm>> -> memref<16x128xf32, #tpu.memory_space<hbm>>
      tpu.wait_dma2 semaphore(%arg47 : memref<!tpu.dma_semaphore, #tpu.memory_space<semaphore_mem>>) src(%dma_wait3A_1233 : memref<16x128xf32, #tpu.memory_space<hbm>>) dst(%arg31 : memref<16x128xf32, #tpu.memory_space<vmem>>)
      %slice3A_1234 = vector.extract_strided_slice %select_n3A_661 {offsets = [11], sizes = [1], strides = [1]} : vector<16xi32> to vector<1xi32>
      %squeeze3A_1235 = vector.extract %slice3A_1234[0] : i32 from vector<1xi32>
      %broadcast_in_dim3A_1236 = vector.broadcast %squeeze3A_1235 : i32 to vector<16xi32>
      %gather3A_1237 = tpu.vector_load_idx %arg31[%iota3A, %broadcast_in_dim3A_1236] : memref<16x128xf32, #tpu.memory_space<vmem>>[vector<16xi32>, vector<16xi32>], vector<16xf32>,
      %mul3A_1238 = arith.constant 16 : i32
      %mul3A_1239 = arith.muli %scan3A_632, %mul3A_1238 : i32
      %add3A_1240 = arith.constant 11 : i32
      %add3A_1241 = arith.addi %mul3A_1239, %add3A_1240 : i32
      %mul3A_1242 = arith.constant 17 : i32
      %mul3A_1243 = arith.muli %add3A_1241, %mul3A_1242 : i32
      %broadcast_in_dim3A_1244 = vector.broadcast %mul3A_1243 : i32 to vector<16xi32>
      %add3A_1245 = arith.addi %broadcast_in_dim3A_1244, %iota3A : vector<16xi32>
      tpu.vector_store_idx %arg10[%add3A_1245], %gather3A_1237 : memref<8704xf32, #tpu.memory_space<vmem>>[vector<16xi32>], vector<16xf32>,
      %slice3A_1246 = vector.extract_strided_slice %get3A_640 {offsets = [11], sizes = [1], strides = [1]} : vector<16xi32> to vector<1xi32>
      %squeeze3A_1247 = vector.extract %slice3A_1246[0] : i32 from vector<1xi32>
      %jit3A_1248 = arith.constant 128 : i32
      %div3A_1249 = arith.divsi %squeeze3A_1247, %jit3A_1248 : i32
      %sign3A_1250 = arith.constant 0 : i32
      %sign3A_1251 = arith.cmpi sgt, %squeeze3A_1247, %sign3A_1250 : i32
      %sign3A_1252 = arith.extui %sign3A_1251 : i1 to i32
      %sign3A_1253 = arith.constant 0 : i32
      %sign3A_1254 = arith.cmpi slt, %squeeze3A_1247, %sign3A_1253 : i32
      %sign3A_1255 = arith.extui %sign3A_1254 : i1 to i32
      %sign3A_1256 = arith.subi %sign3A_1252, %sign3A_1255 : i32
      %sign3A_1257 = arith.constant 0 : i32
      %sign3A_1258 = arith.cmpi sgt, %jit3A_1248, %sign3A_1257 : i32
      %sign3A_1259 = arith.extui %sign3A_1258 : i1 to i32
      %sign3A_1260 = arith.constant 0 : i32
      %sign3A_1261 = arith.cmpi slt, %jit3A_1248, %sign3A_1260 : i32
      %sign3A_1262 = arith.extui %sign3A_1261 : i1 to i32
      %sign3A_1263 = arith.subi %sign3A_1259, %sign3A_1262 : i32
      %ne3A_1264 = arith.cmpi ne, %sign3A_1256, %sign3A_1263 : i32
      %rem3A_1265 = arith.remsi %squeeze3A_1247, %jit3A_1248 : i32
      %ne3A_1266 = arith.constant 0 : i32
      %ne3A_1267 = arith.cmpi ne, %rem3A_1265, %ne3A_1266 : i32
      %and3A_1268 = arith.andi %ne3A_1264, %ne3A_1267 : i1
      %sub3A_1269 = arith.constant 1 : i32
      %sub3A_1270 = arith.subi %div3A_1249, %sub3A_1269 : i32
      %select_n3A_1271 = arith.select %and3A_1268, %sub3A_1270, %div3A_1249 : i32
      %mul3A_1272 = arith.constant 128 : i32
      %mul3A_1273 = arith.muli %select_n3A_1271, %mul3A_1272 : i32
      %multiple_of3A_1274 = tpu.assume_multiple %mul3A_1273, 128 : i32
      %dma_start3A_1275 = arith.constant 0 : i32
      %dma_start3A_1276 = tpu.memref_slice %arg6[%dma_start3A_1275, %multiple_of3A_1274] : memref<16x1000000xf32, #tpu.memory_space<hbm>> -> memref<16x128xf32, #tpu.memory_space<hbm>>
      %dma_start3A_1277 = arith.constant 0 : i32
      %dma_start3A_1278 = tpu.memref_slice %arg6[%dma_start3A_1277, %multiple_of3A_1274] : memref<16x1000000xf32, #tpu.memory_space<hbm>> -> memref<16x128xf32, #tpu.memory_space<hbm>>
      tpu.enqueue_dma source(%dma_start3A_1278 : memref<16x128xf32, #tpu.memory_space<hbm>>) target(%arg31 : memref<16x128xf32, #tpu.memory_space<vmem>>) target_semaphore(%arg47 : memref<!tpu.dma_semaphore, #tpu.memory_space<semaphore_mem>>)
      %dma_wait3A_1279 = arith.constant 0 : i32
      %dma_wait3A_1280 = arith.constant 0 : i32
      %dma_wait3A_1281 = tpu.memref_slice %arg6[%dma_wait3A_1279, %dma_wait3A_1280] : memref<16x1000000xf32, #tpu.memory_space<hbm>> -> memref<16x128xf32, #tpu.memory_space<hbm>>
      %dma_wait3A_1282 = arith.constant 0 : i32
      %dma_wait3A_1283 = arith.constant 0 : i32
      %dma_wait3A_1284 = tpu.memref_slice %arg6[%dma_wait3A_1282, %dma_wait3A_1283] : memref<16x1000000xf32, #tpu.memory_space<hbm>> -> memref<16x128xf32, #tpu.memory_space<hbm>>
      tpu.wait_dma2 semaphore(%arg48 : memref<!tpu.dma_semaphore, #tpu.memory_space<semaphore_mem>>) src(%dma_wait3A_1284 : memref<16x128xf32, #tpu.memory_space<hbm>>) dst(%arg32 : memref<16x128xf32, #tpu.memory_space<vmem>>)
      %slice3A_1285 = vector.extract_strided_slice %select_n3A_661 {offsets = [12], sizes = [1], strides = [1]} : vector<16xi32> to vector<1xi32>
      %squeeze3A_1286 = vector.extract %slice3A_1285[0] : i32 from vector<1xi32>
      %broadcast_in_dim3A_1287 = vector.broadcast %squeeze3A_1286 : i32 to vector<16xi32>
      %gather3A_1288 = tpu.vector_load_idx %arg32[%iota3A, %broadcast_in_dim3A_1287] : memref<16x128xf32, #tpu.memory_space<vmem>>[vector<16xi32>, vector<16xi32>], vector<16xf32>,
      %mul3A_1289 = arith.constant 16 : i32
      %mul3A_1290 = arith.muli %scan3A_632, %mul3A_1289 : i32
      %add3A_1291 = arith.constant 12 : i32
      %add3A_1292 = arith.addi %mul3A_1290, %add3A_1291 : i32
      %mul3A_1293 = arith.constant 17 : i32
      %mul3A_1294 = arith.muli %add3A_1292, %mul3A_1293 : i32
      %broadcast_in_dim3A_1295 = vector.broadcast %mul3A_1294 : i32 to vector<16xi32>
      %add3A_1296 = arith.addi %broadcast_in_dim3A_1295, %iota3A : vector<16xi32>
      tpu.vector_store_idx %arg10[%add3A_1296], %gather3A_1288 : memref<8704xf32, #tpu.memory_space<vmem>>[vector<16xi32>], vector<16xf32>,
      %slice3A_1297 = vector.extract_strided_slice %get3A_640 {offsets = [12], sizes = [1], strides = [1]} : vector<16xi32> to vector<1xi32>
      %squeeze3A_1298 = vector.extract %slice3A_1297[0] : i32 from vector<1xi32>
      %jit3A_1299 = arith.constant 128 : i32
      %div3A_1300 = arith.divsi %squeeze3A_1298, %jit3A_1299 : i32
      %sign3A_1301 = arith.constant 0 : i32
      %sign3A_1302 = arith.cmpi sgt, %squeeze3A_1298, %sign3A_1301 : i32
      %sign3A_1303 = arith.extui %sign3A_1302 : i1 to i32
      %sign3A_1304 = arith.constant 0 : i32
      %sign3A_1305 = arith.cmpi slt, %squeeze3A_1298, %sign3A_1304 : i32
      %sign3A_1306 = arith.extui %sign3A_1305 : i1 to i32
      %sign3A_1307 = arith.subi %sign3A_1303, %sign3A_1306 : i32
      %sign3A_1308 = arith.constant 0 : i32
      %sign3A_1309 = arith.cmpi sgt, %jit3A_1299, %sign3A_1308 : i32
      %sign3A_1310 = arith.extui %sign3A_1309 : i1 to i32
      %sign3A_1311 = arith.constant 0 : i32
      %sign3A_1312 = arith.cmpi slt, %jit3A_1299, %sign3A_1311 : i32
      %sign3A_1313 = arith.extui %sign3A_1312 : i1 to i32
      %sign3A_1314 = arith.subi %sign3A_1310, %sign3A_1313 : i32
      %ne3A_1315 = arith.cmpi ne, %sign3A_1307, %sign3A_1314 : i32
      %rem3A_1316 = arith.remsi %squeeze3A_1298, %jit3A_1299 : i32
      %ne3A_1317 = arith.constant 0 : i32
      %ne3A_1318 = arith.cmpi ne, %rem3A_1316, %ne3A_1317 : i32
      %and3A_1319 = arith.andi %ne3A_1315, %ne3A_1318 : i1
      %sub3A_1320 = arith.constant 1 : i32
      %sub3A_1321 = arith.subi %div3A_1300, %sub3A_1320 : i32
      %select_n3A_1322 = arith.select %and3A_1319, %sub3A_1321, %div3A_1300 : i32
      %mul3A_1323 = arith.constant 128 : i32
      %mul3A_1324 = arith.muli %select_n3A_1322, %mul3A_1323 : i32
      %multiple_of3A_1325 = tpu.assume_multiple %mul3A_1324, 128 : i32
      %dma_start3A_1326 = arith.constant 0 : i32
      %dma_start3A_1327 = tpu.memref_slice %arg6[%dma_start3A_1326, %multiple_of3A_1325] : memref<16x1000000xf32, #tpu.memory_space<hbm>> -> memref<16x128xf32, #tpu.memory_space<hbm>>
      %dma_start3A_1328 = arith.constant 0 : i32
      %dma_start3A_1329 = tpu.memref_slice %arg6[%dma_start3A_1328, %multiple_of3A_1325] : memref<16x1000000xf32, #tpu.memory_space<hbm>> -> memref<16x128xf32, #tpu.memory_space<hbm>>
      tpu.enqueue_dma source(%dma_start3A_1329 : memref<16x128xf32, #tpu.memory_space<hbm>>) target(%arg32 : memref<16x128xf32, #tpu.memory_space<vmem>>) target_semaphore(%arg48 : memref<!tpu.dma_semaphore, #tpu.memory_space<semaphore_mem>>)
      %dma_wait3A_1330 = arith.constant 0 : i32
      %dma_wait3A_1331 = arith.constant 0 : i32
      %dma_wait3A_1332 = tpu.memref_slice %arg6[%dma_wait3A_1330, %dma_wait3A_1331] : memref<16x1000000xf32, #tpu.memory_space<hbm>> -> memref<16x128xf32, #tpu.memory_space<hbm>>
      %dma_wait3A_1333 = arith.constant 0 : i32
      %dma_wait3A_1334 = arith.constant 0 : i32
      %dma_wait3A_1335 = tpu.memref_slice %arg6[%dma_wait3A_1333, %dma_wait3A_1334] : memref<16x1000000xf32, #tpu.memory_space<hbm>> -> memref<16x128xf32, #tpu.memory_space<hbm>>
      tpu.wait_dma2 semaphore(%arg49 : memref<!tpu.dma_semaphore, #tpu.memory_space<semaphore_mem>>) src(%dma_wait3A_1335 : memref<16x128xf32, #tpu.memory_space<hbm>>) dst(%arg33 : memref<16x128xf32, #tpu.memory_space<vmem>>)
      %slice3A_1336 = vector.extract_strided_slice %select_n3A_661 {offsets = [13], sizes = [1], strides = [1]} : vector<16xi32> to vector<1xi32>
      %squeeze3A_1337 = vector.extract %slice3A_1336[0] : i32 from vector<1xi32>
      %broadcast_in_dim3A_1338 = vector.broadcast %squeeze3A_1337 : i32 to vector<16xi32>
      %gather3A_1339 = tpu.vector_load_idx %arg33[%iota3A, %broadcast_in_dim3A_1338] : memref<16x128xf32, #tpu.memory_space<vmem>>[vector<16xi32>, vector<16xi32>], vector<16xf32>,
      %mul3A_1340 = arith.constant 16 : i32
      %mul3A_1341 = arith.muli %scan3A_632, %mul3A_1340 : i32
      %add3A_1342 = arith.constant 13 : i32
      %add3A_1343 = arith.addi %mul3A_1341, %add3A_1342 : i32
      %mul3A_1344 = arith.constant 17 : i32
      %mul3A_1345 = arith.muli %add3A_1343, %mul3A_1344 : i32
      %broadcast_in_dim3A_1346 = vector.broadcast %mul3A_1345 : i32 to vector<16xi32>
      %add3A_1347 = arith.addi %broadcast_in_dim3A_1346, %iota3A : vector<16xi32>
      tpu.vector_store_idx %arg10[%add3A_1347], %gather3A_1339 : memref<8704xf32, #tpu.memory_space<vmem>>[vector<16xi32>], vector<16xf32>,
      %slice3A_1348 = vector.extract_strided_slice %get3A_640 {offsets = [13], sizes = [1], strides = [1]} : vector<16xi32> to vector<1xi32>
      %squeeze3A_1349 = vector.extract %slice3A_1348[0] : i32 from vector<1xi32>
      %jit3A_1350 = arith.constant 128 : i32
      %div3A_1351 = arith.divsi %squeeze3A_1349, %jit3A_1350 : i32
      %sign3A_1352 = arith.constant 0 : i32
      %sign3A_1353 = arith.cmpi sgt, %squeeze3A_1349, %sign3A_1352 : i32
      %sign3A_1354 = arith.extui %sign3A_1353 : i1 to i32
      %sign3A_1355 = arith.constant 0 : i32
      %sign3A_1356 = arith.cmpi slt, %squeeze3A_1349, %sign3A_1355 : i32
      %sign3A_1357 = arith.extui %sign3A_1356 : i1 to i32
      %sign3A_1358 = arith.subi %sign3A_1354, %sign3A_1357 : i32
      %sign3A_1359 = arith.constant 0 : i32
      %sign3A_1360 = arith.cmpi sgt, %jit3A_1350, %sign3A_1359 : i32
      %sign3A_1361 = arith.extui %sign3A_1360 : i1 to i32
      %sign3A_1362 = arith.constant 0 : i32
      %sign3A_1363 = arith.cmpi slt, %jit3A_1350, %sign3A_1362 : i32
      %sign3A_1364 = arith.extui %sign3A_1363 : i1 to i32
      %sign3A_1365 = arith.subi %sign3A_1361, %sign3A_1364 : i32
      %ne3A_1366 = arith.cmpi ne, %sign3A_1358, %sign3A_1365 : i32
      %rem3A_1367 = arith.remsi %squeeze3A_1349, %jit3A_1350 : i32
      %ne3A_1368 = arith.constant 0 : i32
      %ne3A_1369 = arith.cmpi ne, %rem3A_1367, %ne3A_1368 : i32
      %and3A_1370 = arith.andi %ne3A_1366, %ne3A_1369 : i1
      %sub3A_1371 = arith.constant 1 : i32
      %sub3A_1372 = arith.subi %div3A_1351, %sub3A_1371 : i32
      %select_n3A_1373 = arith.select %and3A_1370, %sub3A_1372, %div3A_1351 : i32
      %mul3A_1374 = arith.constant 128 : i32
      %mul3A_1375 = arith.muli %select_n3A_1373, %mul3A_1374 : i32
      %multiple_of3A_1376 = tpu.assume_multiple %mul3A_1375, 128 : i32
      %dma_start3A_1377 = arith.constant 0 : i32
      %dma_start3A_1378 = tpu.memref_slice %arg6[%dma_start3A_1377, %multiple_of3A_1376] : memref<16x1000000xf32, #tpu.memory_space<hbm>> -> memref<16x128xf32, #tpu.memory_space<hbm>>
      %dma_start3A_1379 = arith.constant 0 : i32
      %dma_start3A_1380 = tpu.memref_slice %arg6[%dma_start3A_1379, %multiple_of3A_1376] : memref<16x1000000xf32, #tpu.memory_space<hbm>> -> memref<16x128xf32, #tpu.memory_space<hbm>>
      tpu.enqueue_dma source(%dma_start3A_1380 : memref<16x128xf32, #tpu.memory_space<hbm>>) target(%arg33 : memref<16x128xf32, #tpu.memory_space<vmem>>) target_semaphore(%arg49 : memref<!tpu.dma_semaphore, #tpu.memory_space<semaphore_mem>>)
      %dma_wait3A_1381 = arith.constant 0 : i32
      %dma_wait3A_1382 = arith.constant 0 : i32
      %dma_wait3A_1383 = tpu.memref_slice %arg6[%dma_wait3A_1381, %dma_wait3A_1382] : memref<16x1000000xf32, #tpu.memory_space<hbm>> -> memref<16x128xf32, #tpu.memory_space<hbm>>
      %dma_wait3A_1384 = arith.constant 0 : i32
      %dma_wait3A_1385 = arith.constant 0 : i32
      %dma_wait3A_1386 = tpu.memref_slice %arg6[%dma_wait3A_1384, %dma_wait3A_1385] : memref<16x1000000xf32, #tpu.memory_space<hbm>> -> memref<16x128xf32, #tpu.memory_space<hbm>>
      tpu.wait_dma2 semaphore(%arg50 : memref<!tpu.dma_semaphore, #tpu.memory_space<semaphore_mem>>) src(%dma_wait3A_1386 : memref<16x128xf32, #tpu.memory_space<hbm>>) dst(%arg34 : memref<16x128xf32, #tpu.memory_space<vmem>>)
      %slice3A_1387 = vector.extract_strided_slice %select_n3A_661 {offsets = [14], sizes = [1], strides = [1]} : vector<16xi32> to vector<1xi32>
      %squeeze3A_1388 = vector.extract %slice3A_1387[0] : i32 from vector<1xi32>
      %broadcast_in_dim3A_1389 = vector.broadcast %squeeze3A_1388 : i32 to vector<16xi32>
      %gather3A_1390 = tpu.vector_load_idx %arg34[%iota3A, %broadcast_in_dim3A_1389] : memref<16x128xf32, #tpu.memory_space<vmem>>[vector<16xi32>, vector<16xi32>], vector<16xf32>,
      %mul3A_1391 = arith.constant 16 : i32
      %mul3A_1392 = arith.muli %scan3A_632, %mul3A_1391 : i32
      %add3A_1393 = arith.constant 14 : i32
      %add3A_1394 = arith.addi %mul3A_1392, %add3A_1393 : i32
      %mul3A_1395 = arith.constant 17 : i32
      %mul3A_1396 = arith.muli %add3A_1394, %mul3A_1395 : i32
      %broadcast_in_dim3A_1397 = vector.broadcast %mul3A_1396 : i32 to vector<16xi32>
      %add3A_1398 = arith.addi %broadcast_in_dim3A_1397, %iota3A : vector<16xi32>
      tpu.vector_store_idx %arg10[%add3A_1398], %gather3A_1390 : memref<8704xf32, #tpu.memory_space<vmem>>[vector<16xi32>], vector<16xf32>,
      %slice3A_1399 = vector.extract_strided_slice %get3A_640 {offsets = [14], sizes = [1], strides = [1]} : vector<16xi32> to vector<1xi32>
      %squeeze3A_1400 = vector.extract %slice3A_1399[0] : i32 from vector<1xi32>
      %jit3A_1401 = arith.constant 128 : i32
      %div3A_1402 = arith.divsi %squeeze3A_1400, %jit3A_1401 : i32
      %sign3A_1403 = arith.constant 0 : i32
      %sign3A_1404 = arith.cmpi sgt, %squeeze3A_1400, %sign3A_1403 : i32
      %sign3A_1405 = arith.extui %sign3A_1404 : i1 to i32
      %sign3A_1406 = arith.constant 0 : i32
      %sign3A_1407 = arith.cmpi slt, %squeeze3A_1400, %sign3A_1406 : i32
      %sign3A_1408 = arith.extui %sign3A_1407 : i1 to i32
      %sign3A_1409 = arith.subi %sign3A_1405, %sign3A_1408 : i32
      %sign3A_1410 = arith.constant 0 : i32
      %sign3A_1411 = arith.cmpi sgt, %jit3A_1401, %sign3A_1410 : i32
      %sign3A_1412 = arith.extui %sign3A_1411 : i1 to i32
      %sign3A_1413 = arith.constant 0 : i32
      %sign3A_1414 = arith.cmpi slt, %jit3A_1401, %sign3A_1413 : i32
      %sign3A_1415 = arith.extui %sign3A_1414 : i1 to i32
      %sign3A_1416 = arith.subi %sign3A_1412, %sign3A_1415 : i32
      %ne3A_1417 = arith.cmpi ne, %sign3A_1409, %sign3A_1416 : i32
      %rem3A_1418 = arith.remsi %squeeze3A_1400, %jit3A_1401 : i32
      %ne3A_1419 = arith.constant 0 : i32
      %ne3A_1420 = arith.cmpi ne, %rem3A_1418, %ne3A_1419 : i32
      %and3A_1421 = arith.andi %ne3A_1417, %ne3A_1420 : i1
      %sub3A_1422 = arith.constant 1 : i32
      %sub3A_1423 = arith.subi %div3A_1402, %sub3A_1422 : i32
      %select_n3A_1424 = arith.select %and3A_1421, %sub3A_1423, %div3A_1402 : i32
      %mul3A_1425 = arith.constant 128 : i32
      %mul3A_1426 = arith.muli %select_n3A_1424, %mul3A_1425 : i32
      %multiple_of3A_1427 = tpu.assume_multiple %mul3A_1426, 128 : i32
      %dma_start3A_1428 = arith.constant 0 : i32
      %dma_start3A_1429 = tpu.memref_slice %arg6[%dma_start3A_1428, %multiple_of3A_1427] : memref<16x1000000xf32, #tpu.memory_space<hbm>> -> memref<16x128xf32, #tpu.memory_space<hbm>>
      %dma_start3A_1430 = arith.constant 0 : i32
      %dma_start3A_1431 = tpu.memref_slice %arg6[%dma_start3A_1430, %multiple_of3A_1427] : memref<16x1000000xf32, #tpu.memory_space<hbm>> -> memref<16x128xf32, #tpu.memory_space<hbm>>
      tpu.enqueue_dma source(%dma_start3A_1431 : memref<16x128xf32, #tpu.memory_space<hbm>>) target(%arg34 : memref<16x128xf32, #tpu.memory_space<vmem>>) target_semaphore(%arg50 : memref<!tpu.dma_semaphore, #tpu.memory_space<semaphore_mem>>)
      %dma_wait3A_1432 = arith.constant 0 : i32
      %dma_wait3A_1433 = arith.constant 0 : i32
      %dma_wait3A_1434 = tpu.memref_slice %arg6[%dma_wait3A_1432, %dma_wait3A_1433] : memref<16x1000000xf32, #tpu.memory_space<hbm>> -> memref<16x128xf32, #tpu.memory_space<hbm>>
      %dma_wait3A_1435 = arith.constant 0 : i32
      %dma_wait3A_1436 = arith.constant 0 : i32
      %dma_wait3A_1437 = tpu.memref_slice %arg6[%dma_wait3A_1435, %dma_wait3A_1436] : memref<16x1000000xf32, #tpu.memory_space<hbm>> -> memref<16x128xf32, #tpu.memory_space<hbm>>
      tpu.wait_dma2 semaphore(%arg51 : memref<!tpu.dma_semaphore, #tpu.memory_space<semaphore_mem>>) src(%dma_wait3A_1437 : memref<16x128xf32, #tpu.memory_space<hbm>>) dst(%arg35 : memref<16x128xf32, #tpu.memory_space<vmem>>)
      %slice3A_1438 = vector.extract_strided_slice %select_n3A_661 {offsets = [15], sizes = [1], strides = [1]} : vector<16xi32> to vector<1xi32>
      %squeeze3A_1439 = vector.extract %slice3A_1438[0] : i32 from vector<1xi32>
      %broadcast_in_dim3A_1440 = vector.broadcast %squeeze3A_1439 : i32 to vector<16xi32>
      %gather3A_1441 = tpu.vector_load_idx %arg35[%iota3A, %broadcast_in_dim3A_1440] : memref<16x128xf32, #tpu.memory_space<vmem>>[vector<16xi32>, vector<16xi32>], vector<16xf32>,
      %mul3A_1442 = arith.constant 16 : i32
      %mul3A_1443 = arith.muli %scan3A_632, %mul3A_1442 : i32
      %add3A_1444 = arith.constant 15 : i32
      %add3A_1445 = arith.addi %mul3A_1443, %add3A_1444 : i32
      %mul3A_1446 = arith.constant 17 : i32
      %mul3A_1447 = arith.muli %add3A_1445, %mul3A_1446 : i32
      %broadcast_in_dim3A_1448 = vector.broadcast %mul3A_1447 : i32 to vector<16xi32>
      %add3A_1449 = arith.addi %broadcast_in_dim3A_1448, %iota3A : vector<16xi32>
      tpu.vector_store_idx %arg10[%add3A_1449], %gather3A_1441 : memref<8704xf32, #tpu.memory_space<vmem>>[vector<16xi32>], vector<16xf32>,
      %slice3A_1450 = vector.extract_strided_slice %get3A_640 {offsets = [15], sizes = [1], strides = [1]} : vector<16xi32> to vector<1xi32>
      %squeeze3A_1451 = vector.extract %slice3A_1450[0] : i32 from vector<1xi32>
      %jit3A_1452 = arith.constant 128 : i32
      %div3A_1453 = arith.divsi %squeeze3A_1451, %jit3A_1452 : i32
      %sign3A_1454 = arith.constant 0 : i32
      %sign3A_1455 = arith.cmpi sgt, %squeeze3A_1451, %sign3A_1454 : i32
      %sign3A_1456 = arith.extui %sign3A_1455 : i1 to i32
      %sign3A_1457 = arith.constant 0 : i32
      %sign3A_1458 = arith.cmpi slt, %squeeze3A_1451, %sign3A_1457 : i32
      %sign3A_1459 = arith.extui %sign3A_1458 : i1 to i32
      %sign3A_1460 = arith.subi %sign3A_1456, %sign3A_1459 : i32
      %sign3A_1461 = arith.constant 0 : i32
      %sign3A_1462 = arith.cmpi sgt, %jit3A_1452, %sign3A_1461 : i32
      %sign3A_1463 = arith.extui %sign3A_1462 : i1 to i32
      %sign3A_1464 = arith.constant 0 : i32
      %sign3A_1465 = arith.cmpi slt, %jit3A_1452, %sign3A_1464 : i32
      %sign3A_1466 = arith.extui %sign3A_1465 : i1 to i32
      %sign3A_1467 = arith.subi %sign3A_1463, %sign3A_1466 : i32
      %ne3A_1468 = arith.cmpi ne, %sign3A_1460, %sign3A_1467 : i32
      %rem3A_1469 = arith.remsi %squeeze3A_1451, %jit3A_1452 : i32
      %ne3A_1470 = arith.constant 0 : i32
      %ne3A_1471 = arith.cmpi ne, %rem3A_1469, %ne3A_1470 : i32
      %and3A_1472 = arith.andi %ne3A_1468, %ne3A_1471 : i1
      %sub3A_1473 = arith.constant 1 : i32
      %sub3A_1474 = arith.subi %div3A_1453, %sub3A_1473 : i32
      %select_n3A_1475 = arith.select %and3A_1472, %sub3A_1474, %div3A_1453 : i32
      %mul3A_1476 = arith.constant 128 : i32
      %mul3A_1477 = arith.muli %select_n3A_1475, %mul3A_1476 : i32
      %multiple_of3A_1478 = tpu.assume_multiple %mul3A_1477, 128 : i32
      %dma_start3A_1479 = arith.constant 0 : i32
      %dma_start3A_1480 = tpu.memref_slice %arg6[%dma_start3A_1479, %multiple_of3A_1478] : memref<16x1000000xf32, #tpu.memory_space<hbm>> -> memref<16x128xf32, #tpu.memory_space<hbm>>
      %dma_start3A_1481 = arith.constant 0 : i32
      %dma_start3A_1482 = tpu.memref_slice %arg6[%dma_start3A_1481, %multiple_of3A_1478] : memref<16x1000000xf32, #tpu.memory_space<hbm>> -> memref<16x128xf32, #tpu.memory_space<hbm>>
      tpu.enqueue_dma source(%dma_start3A_1482 : memref<16x128xf32, #tpu.memory_space<hbm>>) target(%arg35 : memref<16x128xf32, #tpu.memory_space<vmem>>) target_semaphore(%arg51 : memref<!tpu.dma_semaphore, #tpu.memory_space<semaphore_mem>>)
      %mul3A_1483 = arith.constant 17 : i32
      %mul3A_1484 = vector.broadcast %mul3A_1483 : i32 to vector<16xi32>
      %mul3A_1485 = arith.muli %add3A_665, %mul3A_1484 : vector<16xi32>
      %add3A_1486 = arith.constant 0 : i32
      %add3A_1487 = vector.broadcast %add3A_1486 : i32 to vector<16xi32>
      %add3A_1488 = arith.addi %mul3A_1485, %add3A_1487 : vector<16xi32>
      %gather3A_1489 = tpu.vector_load_idx %arg10[%add3A_1488] : memref<8704xf32, #tpu.memory_space<vmem>>[vector<16xi32>], vector<16xf32>,
      %slice3A_1490 = vector.extract_strided_slice %exp3A {offsets = [0], sizes = [1], strides = [1]} : vector<16xf32> to vector<1xf32>
      %squeeze3A_1491 = vector.extract %slice3A_1490[0] : f32 from vector<1xf32>
      %add3A_1492 = vector.broadcast %squeeze3A_1491 : f32 to vector<16xf32>
      %add3A_1493 = arith.addf %gather3A_1489, %add3A_1492 : vector<16xf32>
      %swap3A_1494 = arith.constant 0 : index
      %swap3A_1495 = tpu.vector_load %arg11[%swap3A_1494] {strides = array<i32>} : memref<256xf32, #tpu.memory_space<vmem>>, vector<16xf32>,
      tpu.vector_store %arg11[%swap3A_1494], %add3A_1493 {strides = array<i32>} : memref<256xf32, #tpu.memory_space<vmem>>, vector<16xf32>,
      %max3A = arith.maximumf %broadcast_in_dim3A_667, %add3A_1493 : vector<16xf32>
      %mul3A_1496 = arith.constant 17 : i32
      %mul3A_1497 = vector.broadcast %mul3A_1496 : i32 to vector<16xi32>
      %mul3A_1498 = arith.muli %add3A_665, %mul3A_1497 : vector<16xi32>
      %add3A_1499 = arith.constant 1 : i32
      %add3A_1500 = vector.broadcast %add3A_1499 : i32 to vector<16xi32>
      %add3A_1501 = arith.addi %mul3A_1498, %add3A_1500 : vector<16xi32>
      %gather3A_1502 = tpu.vector_load_idx %arg10[%add3A_1501] : memref<8704xf32, #tpu.memory_space<vmem>>[vector<16xi32>], vector<16xf32>,
      %slice3A_1503 = vector.extract_strided_slice %exp3A {offsets = [1], sizes = [1], strides = [1]} : vector<16xf32> to vector<1xf32>
      %squeeze3A_1504 = vector.extract %slice3A_1503[0] : f32 from vector<1xf32>
      %add3A_1505 = vector.broadcast %squeeze3A_1504 : f32 to vector<16xf32>
      %add3A_1506 = arith.addf %gather3A_1502, %add3A_1505 : vector<16xf32>
      %swap3A_1507 = arith.constant 16 : index
      %swap3A_1508 = tpu.vector_load %arg11[%swap3A_1507] {strides = array<i32>} : memref<256xf32, #tpu.memory_space<vmem>>, vector<16xf32>,
      tpu.vector_store %arg11[%swap3A_1507], %add3A_1506 {strides = array<i32>} : memref<256xf32, #tpu.memory_space<vmem>>, vector<16xf32>,
      %max3A_1509 = arith.maximumf %max3A, %add3A_1506 : vector<16xf32>
      %mul3A_1510 = arith.constant 17 : i32
      %mul3A_1511 = vector.broadcast %mul3A_1510 : i32 to vector<16xi32>
      %mul3A_1512 = arith.muli %add3A_665, %mul3A_1511 : vector<16xi32>
      %add3A_1513 = arith.constant 2 : i32
      %add3A_1514 = vector.broadcast %add3A_1513 : i32 to vector<16xi32>
      %add3A_1515 = arith.addi %mul3A_1512, %add3A_1514 : vector<16xi32>
      %gather3A_1516 = tpu.vector_load_idx %arg10[%add3A_1515] : memref<8704xf32, #tpu.memory_space<vmem>>[vector<16xi32>], vector<16xf32>,
      %slice3A_1517 = vector.extract_strided_slice %exp3A {offsets = [2], sizes = [1], strides = [1]} : vector<16xf32> to vector<1xf32>
      %squeeze3A_1518 = vector.extract %slice3A_1517[0] : f32 from vector<1xf32>
      %add3A_1519 = vector.broadcast %squeeze3A_1518 : f32 to vector<16xf32>
      %add3A_1520 = arith.addf %gather3A_1516, %add3A_1519 : vector<16xf32>
      %swap3A_1521 = arith.constant 32 : index
      %swap3A_1522 = tpu.vector_load %arg11[%swap3A_1521] {strides = array<i32>} : memref<256xf32, #tpu.memory_space<vmem>>, vector<16xf32>,
      tpu.vector_store %arg11[%swap3A_1521], %add3A_1520 {strides = array<i32>} : memref<256xf32, #tpu.memory_space<vmem>>, vector<16xf32>,
      %max3A_1523 = arith.maximumf %max3A_1509, %add3A_1520 : vector<16xf32>
      %mul3A_1524 = arith.constant 17 : i32
      %mul3A_1525 = vector.broadcast %mul3A_1524 : i32 to vector<16xi32>
      %mul3A_1526 = arith.muli %add3A_665, %mul3A_1525 : vector<16xi32>
      %add3A_1527 = arith.constant 3 : i32
      %add3A_1528 = vector.broadcast %add3A_1527 : i32 to vector<16xi32>
      %add3A_1529 = arith.addi %mul3A_1526, %add3A_1528 : vector<16xi32>
      %gather3A_1530 = tpu.vector_load_idx %arg10[%add3A_1529] : memref<8704xf32, #tpu.memory_space<vmem>>[vector<16xi32>], vector<16xf32>,
      %slice3A_1531 = vector.extract_strided_slice %exp3A {offsets = [3], sizes = [1], strides = [1]} : vector<16xf32> to vector<1xf32>
      %squeeze3A_1532 = vector.extract %slice3A_1531[0] : f32 from vector<1xf32>
      %add3A_1533 = vector.broadcast %squeeze3A_1532 : f32 to vector<16xf32>
      %add3A_1534 = arith.addf %gather3A_1530, %add3A_1533 : vector<16xf32>
      %swap3A_1535 = arith.constant 48 : index
      %swap3A_1536 = tpu.vector_load %arg11[%swap3A_1535] {strides = array<i32>} : memref<256xf32, #tpu.memory_space<vmem>>, vector<16xf32>,
      tpu.vector_store %arg11[%swap3A_1535], %add3A_1534 {strides = array<i32>} : memref<256xf32, #tpu.memory_space<vmem>>, vector<16xf32>,
      %max3A_1537 = arith.maximumf %max3A_1523, %add3A_1534 : vector<16xf32>
      %mul3A_1538 = arith.constant 17 : i32
      %mul3A_1539 = vector.broadcast %mul3A_1538 : i32 to vector<16xi32>
      %mul3A_1540 = arith.muli %add3A_665, %mul3A_1539 : vector<16xi32>
      %add3A_1541 = arith.constant 4 : i32
      %add3A_1542 = vector.broadcast %add3A_1541 : i32 to vector<16xi32>
      %add3A_1543 = arith.addi %mul3A_1540, %add3A_1542 : vector<16xi32>
      %gather3A_1544 = tpu.vector_load_idx %arg10[%add3A_1543] : memref<8704xf32, #tpu.memory_space<vmem>>[vector<16xi32>], vector<16xf32>,
      %slice3A_1545 = vector.extract_strided_slice %exp3A {offsets = [4], sizes = [1], strides = [1]} : vector<16xf32> to vector<1xf32>
      %squeeze3A_1546 = vector.extract %slice3A_1545[0] : f32 from vector<1xf32>
      %add3A_1547 = vector.broadcast %squeeze3A_1546 : f32 to vector<16xf32>
      %add3A_1548 = arith.addf %gather3A_1544, %add3A_1547 : vector<16xf32>
      %swap3A_1549 = arith.constant 64 : index
      %swap3A_1550 = tpu.vector_load %arg11[%swap3A_1549] {strides = array<i32>} : memref<256xf32, #tpu.memory_space<vmem>>, vector<16xf32>,
      tpu.vector_store %arg11[%swap3A_1549], %add3A_1548 {strides = array<i32>} : memref<256xf32, #tpu.memory_space<vmem>>, vector<16xf32>,
      %max3A_1551 = arith.maximumf %max3A_1537, %add3A_1548 : vector<16xf32>
      %mul3A_1552 = arith.constant 17 : i32
      %mul3A_1553 = vector.broadcast %mul3A_1552 : i32 to vector<16xi32>
      %mul3A_1554 = arith.muli %add3A_665, %mul3A_1553 : vector<16xi32>
      %add3A_1555 = arith.constant 5 : i32
      %add3A_1556 = vector.broadcast %add3A_1555 : i32 to vector<16xi32>
      %add3A_1557 = arith.addi %mul3A_1554, %add3A_1556 : vector<16xi32>
      %gather3A_1558 = tpu.vector_load_idx %arg10[%add3A_1557] : memref<8704xf32, #tpu.memory_space<vmem>>[vector<16xi32>], vector<16xf32>,
      %slice3A_1559 = vector.extract_strided_slice %exp3A {offsets = [5], sizes = [1], strides = [1]} : vector<16xf32> to vector<1xf32>
      %squeeze3A_1560 = vector.extract %slice3A_1559[0] : f32 from vector<1xf32>
      %add3A_1561 = vector.broadcast %squeeze3A_1560 : f32 to vector<16xf32>
      %add3A_1562 = arith.addf %gather3A_1558, %add3A_1561 : vector<16xf32>
      %swap3A_1563 = arith.constant 80 : index
      %swap3A_1564 = tpu.vector_load %arg11[%swap3A_1563] {strides = array<i32>} : memref<256xf32, #tpu.memory_space<vmem>>, vector<16xf32>,
      tpu.vector_store %arg11[%swap3A_1563], %add3A_1562 {strides = array<i32>} : memref<256xf32, #tpu.memory_space<vmem>>, vector<16xf32>,
      %max3A_1565 = arith.maximumf %max3A_1551, %add3A_1562 : vector<16xf32>
      %mul3A_1566 = arith.constant 17 : i32
      %mul3A_1567 = vector.broadcast %mul3A_1566 : i32 to vector<16xi32>
      %mul3A_1568 = arith.muli %add3A_665, %mul3A_1567 : vector<16xi32>
      %add3A_1569 = arith.constant 6 : i32
      %add3A_1570 = vector.broadcast %add3A_1569 : i32 to vector<16xi32>
      %add3A_1571 = arith.addi %mul3A_1568, %add3A_1570 : vector<16xi32>
      %gather3A_1572 = tpu.vector_load_idx %arg10[%add3A_1571] : memref<8704xf32, #tpu.memory_space<vmem>>[vector<16xi32>], vector<16xf32>,
      %slice3A_1573 = vector.extract_strided_slice %exp3A {offsets = [6], sizes = [1], strides = [1]} : vector<16xf32> to vector<1xf32>
      %squeeze3A_1574 = vector.extract %slice3A_1573[0] : f32 from vector<1xf32>
      %add3A_1575 = vector.broadcast %squeeze3A_1574 : f32 to vector<16xf32>
      %add3A_1576 = arith.addf %gather3A_1572, %add3A_1575 : vector<16xf32>
      %swap3A_1577 = arith.constant 96 : index
      %swap3A_1578 = tpu.vector_load %arg11[%swap3A_1577] {strides = array<i32>} : memref<256xf32, #tpu.memory_space<vmem>>, vector<16xf32>,
      tpu.vector_store %arg11[%swap3A_1577], %add3A_1576 {strides = array<i32>} : memref<256xf32, #tpu.memory_space<vmem>>, vector<16xf32>,
      %max3A_1579 = arith.maximumf %max3A_1565, %add3A_1576 : vector<16xf32>
      %mul3A_1580 = arith.constant 17 : i32
      %mul3A_1581 = vector.broadcast %mul3A_1580 : i32 to vector<16xi32>
      %mul3A_1582 = arith.muli %add3A_665, %mul3A_1581 : vector<16xi32>
      %add3A_1583 = arith.constant 7 : i32
      %add3A_1584 = vector.broadcast %add3A_1583 : i32 to vector<16xi32>
      %add3A_1585 = arith.addi %mul3A_1582, %add3A_1584 : vector<16xi32>
      %gather3A_1586 = tpu.vector_load_idx %arg10[%add3A_1585] : memref<8704xf32, #tpu.memory_space<vmem>>[vector<16xi32>], vector<16xf32>,
      %slice3A_1587 = vector.extract_strided_slice %exp3A {offsets = [7], sizes = [1], strides = [1]} : vector<16xf32> to vector<1xf32>
      %squeeze3A_1588 = vector.extract %slice3A_1587[0] : f32 from vector<1xf32>
      %add3A_1589 = vector.broadcast %squeeze3A_1588 : f32 to vector<16xf32>
      %add3A_1590 = arith.addf %gather3A_1586, %add3A_1589 : vector<16xf32>
      %swap3A_1591 = arith.constant 112 : index
      %swap3A_1592 = tpu.vector_load %arg11[%swap3A_1591] {strides = array<i32>} : memref<256xf32, #tpu.memory_space<vmem>>, vector<16xf32>,
      tpu.vector_store %arg11[%swap3A_1591], %add3A_1590 {strides = array<i32>} : memref<256xf32, #tpu.memory_space<vmem>>, vector<16xf32>,
      %max3A_1593 = arith.maximumf %max3A_1579, %add3A_1590 : vector<16xf32>
      %mul3A_1594 = arith.constant 17 : i32
      %mul3A_1595 = vector.broadcast %mul3A_1594 : i32 to vector<16xi32>
      %mul3A_1596 = arith.muli %add3A_665, %mul3A_1595 : vector<16xi32>
      %add3A_1597 = arith.constant 8 : i32
      %add3A_1598 = vector.broadcast %add3A_1597 : i32 to vector<16xi32>
      %add3A_1599 = arith.addi %mul3A_1596, %add3A_1598 : vector<16xi32>
      %gather3A_1600 = tpu.vector_load_idx %arg10[%add3A_1599] : memref<8704xf32, #tpu.memory_space<vmem>>[vector<16xi32>], vector<16xf32>,
      %slice3A_1601 = vector.extract_strided_slice %exp3A {offsets = [8], sizes = [1], strides = [1]} : vector<16xf32> to vector<1xf32>
      %squeeze3A_1602 = vector.extract %slice3A_1601[0] : f32 from vector<1xf32>
      %add3A_1603 = vector.broadcast %squeeze3A_1602 : f32 to vector<16xf32>
      %add3A_1604 = arith.addf %gather3A_1600, %add3A_1603 : vector<16xf32>
      %swap3A_1605 = arith.constant 128 : index
      %swap3A_1606 = tpu.vector_load %arg11[%swap3A_1605] {strides = array<i32>} : memref<256xf32, #tpu.memory_space<vmem>>, vector<16xf32>,
      tpu.vector_store %arg11[%swap3A_1605], %add3A_1604 {strides = array<i32>} : memref<256xf32, #tpu.memory_space<vmem>>, vector<16xf32>,
      %max3A_1607 = arith.maximumf %max3A_1593, %add3A_1604 : vector<16xf32>
      %mul3A_1608 = arith.constant 17 : i32
      %mul3A_1609 = vector.broadcast %mul3A_1608 : i32 to vector<16xi32>
      %mul3A_1610 = arith.muli %add3A_665, %mul3A_1609 : vector<16xi32>
      %add3A_1611 = arith.constant 9 : i32
      %add3A_1612 = vector.broadcast %add3A_1611 : i32 to vector<16xi32>
      %add3A_1613 = arith.addi %mul3A_1610, %add3A_1612 : vector<16xi32>
      %gather3A_1614 = tpu.vector_load_idx %arg10[%add3A_1613] : memref<8704xf32, #tpu.memory_space<vmem>>[vector<16xi32>], vector<16xf32>,
      %slice3A_1615 = vector.extract_strided_slice %exp3A {offsets = [9], sizes = [1], strides = [1]} : vector<16xf32> to vector<1xf32>
      %squeeze3A_1616 = vector.extract %slice3A_1615[0] : f32 from vector<1xf32>
      %add3A_1617 = vector.broadcast %squeeze3A_1616 : f32 to vector<16xf32>
      %add3A_1618 = arith.addf %gather3A_1614, %add3A_1617 : vector<16xf32>
      %swap3A_1619 = arith.constant 144 : index
      %swap3A_1620 = tpu.vector_load %arg11[%swap3A_1619] {strides = array<i32>} : memref<256xf32, #tpu.memory_space<vmem>>, vector<16xf32>,
      tpu.vector_store %arg11[%swap3A_1619], %add3A_1618 {strides = array<i32>} : memref<256xf32, #tpu.memory_space<vmem>>, vector<16xf32>,
      %max3A_1621 = arith.maximumf %max3A_1607, %add3A_1618 : vector<16xf32>
      %mul3A_1622 = arith.constant 17 : i32
      %mul3A_1623 = vector.broadcast %mul3A_1622 : i32 to vector<16xi32>
      %mul3A_1624 = arith.muli %add3A_665, %mul3A_1623 : vector<16xi32>
      %add3A_1625 = arith.constant 10 : i32
      %add3A_1626 = vector.broadcast %add3A_1625 : i32 to vector<16xi32>
      %add3A_1627 = arith.addi %mul3A_1624, %add3A_1626 : vector<16xi32>
      %gather3A_1628 = tpu.vector_load_idx %arg10[%add3A_1627] : memref<8704xf32, #tpu.memory_space<vmem>>[vector<16xi32>], vector<16xf32>,
      %slice3A_1629 = vector.extract_strided_slice %exp3A {offsets = [10], sizes = [1], strides = [1]} : vector<16xf32> to vector<1xf32>
      %squeeze3A_1630 = vector.extract %slice3A_1629[0] : f32 from vector<1xf32>
      %add3A_1631 = vector.broadcast %squeeze3A_1630 : f32 to vector<16xf32>
      %add3A_1632 = arith.addf %gather3A_1628, %add3A_1631 : vector<16xf32>
      %swap3A_1633 = arith.constant 160 : index
      %swap3A_1634 = tpu.vector_load %arg11[%swap3A_1633] {strides = array<i32>} : memref<256xf32, #tpu.memory_space<vmem>>, vector<16xf32>,
      tpu.vector_store %arg11[%swap3A_1633], %add3A_1632 {strides = array<i32>} : memref<256xf32, #tpu.memory_space<vmem>>, vector<16xf32>,
      %max3A_1635 = arith.maximumf %max3A_1621, %add3A_1632 : vector<16xf32>
      %mul3A_1636 = arith.constant 17 : i32
      %mul3A_1637 = vector.broadcast %mul3A_1636 : i32 to vector<16xi32>
      %mul3A_1638 = arith.muli %add3A_665, %mul3A_1637 : vector<16xi32>
      %add3A_1639 = arith.constant 11 : i32
      %add3A_1640 = vector.broadcast %add3A_1639 : i32 to vector<16xi32>
      %add3A_1641 = arith.addi %mul3A_1638, %add3A_1640 : vector<16xi32>
      %gather3A_1642 = tpu.vector_load_idx %arg10[%add3A_1641] : memref<8704xf32, #tpu.memory_space<vmem>>[vector<16xi32>], vector<16xf32>,
      %slice3A_1643 = vector.extract_strided_slice %exp3A {offsets = [11], sizes = [1], strides = [1]} : vector<16xf32> to vector<1xf32>
      %squeeze3A_1644 = vector.extract %slice3A_1643[0] : f32 from vector<1xf32>
      %add3A_1645 = vector.broadcast %squeeze3A_1644 : f32 to vector<16xf32>
      %add3A_1646 = arith.addf %gather3A_1642, %add3A_1645 : vector<16xf32>
      %swap3A_1647 = arith.constant 176 : index
      %swap3A_1648 = tpu.vector_load %arg11[%swap3A_1647] {strides = array<i32>} : memref<256xf32, #tpu.memory_space<vmem>>, vector<16xf32>,
      tpu.vector_store %arg11[%swap3A_1647], %add3A_1646 {strides = array<i32>} : memref<256xf32, #tpu.memory_space<vmem>>, vector<16xf32>,
      %max3A_1649 = arith.maximumf %max3A_1635, %add3A_1646 : vector<16xf32>
      %mul3A_1650 = arith.constant 17 : i32
      %mul3A_1651 = vector.broadcast %mul3A_1650 : i32 to vector<16xi32>
      %mul3A_1652 = arith.muli %add3A_665, %mul3A_1651 : vector<16xi32>
      %add3A_1653 = arith.constant 12 : i32
      %add3A_1654 = vector.broadcast %add3A_1653 : i32 to vector<16xi32>
      %add3A_1655 = arith.addi %mul3A_1652, %add3A_1654 : vector<16xi32>
      %gather3A_1656 = tpu.vector_load_idx %arg10[%add3A_1655] : memref<8704xf32, #tpu.memory_space<vmem>>[vector<16xi32>], vector<16xf32>,
      %slice3A_1657 = vector.extract_strided_slice %exp3A {offsets = [12], sizes = [1], strides = [1]} : vector<16xf32> to vector<1xf32>
      %squeeze3A_1658 = vector.extract %slice3A_1657[0] : f32 from vector<1xf32>
      %add3A_1659 = vector.broadcast %squeeze3A_1658 : f32 to vector<16xf32>
      %add3A_1660 = arith.addf %gather3A_1656, %add3A_1659 : vector<16xf32>
      %swap3A_1661 = arith.constant 192 : index
      %swap3A_1662 = tpu.vector_load %arg11[%swap3A_1661] {strides = array<i32>} : memref<256xf32, #tpu.memory_space<vmem>>, vector<16xf32>,
      tpu.vector_store %arg11[%swap3A_1661], %add3A_1660 {strides = array<i32>} : memref<256xf32, #tpu.memory_space<vmem>>, vector<16xf32>,
      %max3A_1663 = arith.maximumf %max3A_1649, %add3A_1660 : vector<16xf32>
      %mul3A_1664 = arith.constant 17 : i32
      %mul3A_1665 = vector.broadcast %mul3A_1664 : i32 to vector<16xi32>
      %mul3A_1666 = arith.muli %add3A_665, %mul3A_1665 : vector<16xi32>
      %add3A_1667 = arith.constant 13 : i32
      %add3A_1668 = vector.broadcast %add3A_1667 : i32 to vector<16xi32>
      %add3A_1669 = arith.addi %mul3A_1666, %add3A_1668 : vector<16xi32>
      %gather3A_1670 = tpu.vector_load_idx %arg10[%add3A_1669] : memref<8704xf32, #tpu.memory_space<vmem>>[vector<16xi32>], vector<16xf32>,
      %slice3A_1671 = vector.extract_strided_slice %exp3A {offsets = [13], sizes = [1], strides = [1]} : vector<16xf32> to vector<1xf32>
      %squeeze3A_1672 = vector.extract %slice3A_1671[0] : f32 from vector<1xf32>
      %add3A_1673 = vector.broadcast %squeeze3A_1672 : f32 to vector<16xf32>
      %add3A_1674 = arith.addf %gather3A_1670, %add3A_1673 : vector<16xf32>
      %swap3A_1675 = arith.constant 208 : index
      %swap3A_1676 = tpu.vector_load %arg11[%swap3A_1675] {strides = array<i32>} : memref<256xf32, #tpu.memory_space<vmem>>, vector<16xf32>,
      tpu.vector_store %arg11[%swap3A_1675], %add3A_1674 {strides = array<i32>} : memref<256xf32, #tpu.memory_space<vmem>>, vector<16xf32>,
      %max3A_1677 = arith.maximumf %max3A_1663, %add3A_1674 : vector<16xf32>
      %mul3A_1678 = arith.constant 17 : i32
      %mul3A_1679 = vector.broadcast %mul3A_1678 : i32 to vector<16xi32>
      %mul3A_1680 = arith.muli %add3A_665, %mul3A_1679 : vector<16xi32>
      %add3A_1681 = arith.constant 14 : i32
      %add3A_1682 = vector.broadcast %add3A_1681 : i32 to vector<16xi32>
      %add3A_1683 = arith.addi %mul3A_1680, %add3A_1682 : vector<16xi32>
      %gather3A_1684 = tpu.vector_load_idx %arg10[%add3A_1683] : memref<8704xf32, #tpu.memory_space<vmem>>[vector<16xi32>], vector<16xf32>,
      %slice3A_1685 = vector.extract_strided_slice %exp3A {offsets = [14], sizes = [1], strides = [1]} : vector<16xf32> to vector<1xf32>
      %squeeze3A_1686 = vector.extract %slice3A_1685[0] : f32 from vector<1xf32>
      %add3A_1687 = vector.broadcast %squeeze3A_1686 : f32 to vector<16xf32>
      %add3A_1688 = arith.addf %gather3A_1684, %add3A_1687 : vector<16xf32>
      %swap3A_1689 = arith.constant 224 : index
      %swap3A_1690 = tpu.vector_load %arg11[%swap3A_1689] {strides = array<i32>} : memref<256xf32, #tpu.memory_space<vmem>>, vector<16xf32>,
      tpu.vector_store %arg11[%swap3A_1689], %add3A_1688 {strides = array<i32>} : memref<256xf32, #tpu.memory_space<vmem>>, vector<16xf32>,
      %max3A_1691 = arith.maximumf %max3A_1677, %add3A_1688 : vector<16xf32>
      %mul3A_1692 = arith.constant 17 : i32
      %mul3A_1693 = vector.broadcast %mul3A_1692 : i32 to vector<16xi32>
      %mul3A_1694 = arith.muli %add3A_665, %mul3A_1693 : vector<16xi32>
      %add3A_1695 = arith.constant 15 : i32
      %add3A_1696 = vector.broadcast %add3A_1695 : i32 to vector<16xi32>
      %add3A_1697 = arith.addi %mul3A_1694, %add3A_1696 : vector<16xi32>
      %gather3A_1698 = tpu.vector_load_idx %arg10[%add3A_1697] : memref<8704xf32, #tpu.memory_space<vmem>>[vector<16xi32>], vector<16xf32>,
      %slice3A_1699 = vector.extract_strided_slice %exp3A {offsets = [15], sizes = [1], strides = [1]} : vector<16xf32> to vector<1xf32>
      %squeeze3A_1700 = vector.extract %slice3A_1699[0] : f32 from vector<1xf32>
      %add3A_1701 = vector.broadcast %squeeze3A_1700 : f32 to vector<16xf32>
      %add3A_1702 = arith.addf %gather3A_1698, %add3A_1701 : vector<16xf32>
      %swap3A_1703 = arith.constant 240 : index
      %swap3A_1704 = tpu.vector_load %arg11[%swap3A_1703] {strides = array<i32>} : memref<256xf32, #tpu.memory_space<vmem>>, vector<16xf32>,
      tpu.vector_store %arg11[%swap3A_1703], %add3A_1702 {strides = array<i32>} : memref<256xf32, #tpu.memory_space<vmem>>, vector<16xf32>,
      %max3A_1705 = arith.maximumf %max3A_1691, %add3A_1702 : vector<16xf32>
      %broadcast_in_dim3A_1706 = arith.constant 0.000000e+00 : f32
      %broadcast_in_dim3A_1707 = vector.broadcast %broadcast_in_dim3A_1706 : f32 to vector<16xf32>
      %get3A_1708 = arith.constant 0 : index
      %get3A_1709 = tpu.vector_load %arg11[%get3A_1708] {strides = array<i32>} : memref<256xf32, #tpu.memory_space<vmem>>, vector<16xf32>,
      %sub3A_1710 = arith.subf %get3A_1709, %max3A_1705 : vector<16xf32>
      %exp3A_1711 = math.exp %sub3A_1710 : vector<16xf32>
      %add3A_1712 = arith.addf %broadcast_in_dim3A_1707, %exp3A_1711 : vector<16xf32>
      %get3A_1713 = arith.constant 16 : index
      %get3A_1714 = tpu.vector_load %arg11[%get3A_1713] {strides = array<i32>} : memref<256xf32, #tpu.memory_space<vmem>>, vector<16xf32>,
      %sub3A_1715 = arith.subf %get3A_1714, %max3A_1705 : vector<16xf32>
      %exp3A_1716 = math.exp %sub3A_1715 : vector<16xf32>
      %add3A_1717 = arith.addf %add3A_1712, %exp3A_1716 : vector<16xf32>
      %get3A_1718 = arith.constant 32 : index
      %get3A_1719 = tpu.vector_load %arg11[%get3A_1718] {strides = array<i32>} : memref<256xf32, #tpu.memory_space<vmem>>, vector<16xf32>,
      %sub3A_1720 = arith.subf %get3A_1719, %max3A_1705 : vector<16xf32>
      %exp3A_1721 = math.exp %sub3A_1720 : vector<16xf32>
      %add3A_1722 = arith.addf %add3A_1717, %exp3A_1721 : vector<16xf32>
      %get3A_1723 = arith.constant 48 : index
      %get3A_1724 = tpu.vector_load %arg11[%get3A_1723] {strides = array<i32>} : memref<256xf32, #tpu.memory_space<vmem>>, vector<16xf32>,
      %sub3A_1725 = arith.subf %get3A_1724, %max3A_1705 : vector<16xf32>
      %exp3A_1726 = math.exp %sub3A_1725 : vector<16xf32>
      %add3A_1727 = arith.addf %add3A_1722, %exp3A_1726 : vector<16xf32>
      %get3A_1728 = arith.constant 64 : index
      %get3A_1729 = tpu.vector_load %arg11[%get3A_1728] {strides = array<i32>} : memref<256xf32, #tpu.memory_space<vmem>>, vector<16xf32>,
      %sub3A_1730 = arith.subf %get3A_1729, %max3A_1705 : vector<16xf32>
      %exp3A_1731 = math.exp %sub3A_1730 : vector<16xf32>
      %add3A_1732 = arith.addf %add3A_1727, %exp3A_1731 : vector<16xf32>
      %get3A_1733 = arith.constant 80 : index
      %get3A_1734 = tpu.vector_load %arg11[%get3A_1733] {strides = array<i32>} : memref<256xf32, #tpu.memory_space<vmem>>, vector<16xf32>,
      %sub3A_1735 = arith.subf %get3A_1734, %max3A_1705 : vector<16xf32>
      %exp3A_1736 = math.exp %sub3A_1735 : vector<16xf32>
      %add3A_1737 = arith.addf %add3A_1732, %exp3A_1736 : vector<16xf32>
      %get3A_1738 = arith.constant 96 : index
      %get3A_1739 = tpu.vector_load %arg11[%get3A_1738] {strides = array<i32>} : memref<256xf32, #tpu.memory_space<vmem>>, vector<16xf32>,
      %sub3A_1740 = arith.subf %get3A_1739, %max3A_1705 : vector<16xf32>
      %exp3A_1741 = math.exp %sub3A_1740 : vector<16xf32>
      %add3A_1742 = arith.addf %add3A_1737, %exp3A_1741 : vector<16xf32>
      %get3A_1743 = arith.constant 112 : index
      %get3A_1744 = tpu.vector_load %arg11[%get3A_1743] {strides = array<i32>} : memref<256xf32, #tpu.memory_space<vmem>>, vector<16xf32>,
      %sub3A_1745 = arith.subf %get3A_1744, %max3A_1705 : vector<16xf32>
      %exp3A_1746 = math.exp %sub3A_1745 : vector<16xf32>
      %add3A_1747 = arith.addf %add3A_1742, %exp3A_1746 : vector<16xf32>
      %get3A_1748 = arith.constant 128 : index
      %get3A_1749 = tpu.vector_load %arg11[%get3A_1748] {strides = array<i32>} : memref<256xf32, #tpu.memory_space<vmem>>, vector<16xf32>,
      %sub3A_1750 = arith.subf %get3A_1749, %max3A_1705 : vector<16xf32>
      %exp3A_1751 = math.exp %sub3A_1750 : vector<16xf32>
      %add3A_1752 = arith.addf %add3A_1747, %exp3A_1751 : vector<16xf32>
      %get3A_1753 = arith.constant 144 : index
      %get3A_1754 = tpu.vector_load %arg11[%get3A_1753] {strides = array<i32>} : memref<256xf32, #tpu.memory_space<vmem>>, vector<16xf32>,
      %sub3A_1755 = arith.subf %get3A_1754, %max3A_1705 : vector<16xf32>
      %exp3A_1756 = math.exp %sub3A_1755 : vector<16xf32>
      %add3A_1757 = arith.addf %add3A_1752, %exp3A_1756 : vector<16xf32>
      %get3A_1758 = arith.constant 160 : index
      %get3A_1759 = tpu.vector_load %arg11[%get3A_1758] {strides = array<i32>} : memref<256xf32, #tpu.memory_space<vmem>>, vector<16xf32>,
      %sub3A_1760 = arith.subf %get3A_1759, %max3A_1705 : vector<16xf32>
      %exp3A_1761 = math.exp %sub3A_1760 : vector<16xf32>
      %add3A_1762 = arith.addf %add3A_1757, %exp3A_1761 : vector<16xf32>
      %get3A_1763 = arith.constant 176 : index
      %get3A_1764 = tpu.vector_load %arg11[%get3A_1763] {strides = array<i32>} : memref<256xf32, #tpu.memory_space<vmem>>, vector<16xf32>,
      %sub3A_1765 = arith.subf %get3A_1764, %max3A_1705 : vector<16xf32>
      %exp3A_1766 = math.exp %sub3A_1765 : vector<16xf32>
      %add3A_1767 = arith.addf %add3A_1762, %exp3A_1766 : vector<16xf32>
      %get3A_1768 = arith.constant 192 : index
      %get3A_1769 = tpu.vector_load %arg11[%get3A_1768] {strides = array<i32>} : memref<256xf32, #tpu.memory_space<vmem>>, vector<16xf32>,
      %sub3A_1770 = arith.subf %get3A_1769, %max3A_1705 : vector<16xf32>
      %exp3A_1771 = math.exp %sub3A_1770 : vector<16xf32>
      %add3A_1772 = arith.addf %add3A_1767, %exp3A_1771 : vector<16xf32>
      %get3A_1773 = arith.constant 208 : index
      %get3A_1774 = tpu.vector_load %arg11[%get3A_1773] {strides = array<i32>} : memref<256xf32, #tpu.memory_space<vmem>>, vector<16xf32>,
      %sub3A_1775 = arith.subf %get3A_1774, %max3A_1705 : vector<16xf32>
      %exp3A_1776 = math.exp %sub3A_1775 : vector<16xf32>
      %add3A_1777 = arith.addf %add3A_1772, %exp3A_1776 : vector<16xf32>
      %get3A_1778 = arith.constant 224 : index
      %get3A_1779 = tpu.vector_load %arg11[%get3A_1778] {strides = array<i32>} : memref<256xf32, #tpu.memory_space<vmem>>, vector<16xf32>,
      %sub3A_1780 = arith.subf %get3A_1779, %max3A_1705 : vector<16xf32>
      %exp3A_1781 = math.exp %sub3A_1780 : vector<16xf32>
      %add3A_1782 = arith.addf %add3A_1777, %exp3A_1781 : vector<16xf32>
      %get3A_1783 = arith.constant 240 : index
      %get3A_1784 = tpu.vector_load %arg11[%get3A_1783] {strides = array<i32>} : memref<256xf32, #tpu.memory_space<vmem>>, vector<16xf32>,
      %sub3A_1785 = arith.subf %get3A_1784, %max3A_1705 : vector<16xf32>
      %exp3A_1786 = math.exp %sub3A_1785 : vector<16xf32>
      %add3A_1787 = arith.addf %add3A_1782, %exp3A_1786 : vector<16xf32>
      %mul3A_1788 = arith.constant 16 : i32
      %mul3A_1789 = arith.muli %scan3A_632, %mul3A_1788 : i32
      %get3A_1790 = arith.index_cast %mul3A_1789 : i32 to index
      %get3A_1791 = tpu.vector_load %arg12[%get3A_1790] {strides = array<i32>} : memref<512xi32, #tpu.memory_space<vmem>>, vector<16xi32>,
      %mul3A_1792 = arith.constant 16 : i32
      %mul3A_1793 = vector.broadcast %mul3A_1792 : i32 to vector<16xi32>
      %mul3A_1794 = arith.muli %get3A_1791, %mul3A_1793 : vector<16xi32>
      %add3A_1795 = arith.addi %mul3A_1794, %iota3A : vector<16xi32>
      %gather3A_1796 = tpu.vector_load_idx %arg11[%add3A_1795] : memref<256xf32, #tpu.memory_space<vmem>>[vector<16xi32>], vector<16xf32>,
      %sub3A_1797 = arith.subf %gather3A_1796, %max3A_1705 : vector<16xf32>
      %bitcast_convert_type3A = tpu.bitcast %add3A_1787 : vector<16xf32> -> vector<16xi32>
      %shift_right_arithmetic3A = arith.constant 23 : i32
      %shift_right_arithmetic3A_1798 = vector.broadcast %shift_right_arithmetic3A : i32 to vector<16xi32>
      %shift_right_arithmetic3A_1799 = arith.shrsi %bitcast_convert_type3A, %shift_right_arithmetic3A_1798 : vector<16xi32>
      %sub3A_1800 = arith.constant 127 : i32
      %sub3A_1801 = vector.broadcast %sub3A_1800 : i32 to vector<16xi32>
      %sub3A_1802 = arith.subi %shift_right_arithmetic3A_1799, %sub3A_1801 : vector<16xi32>
      %and3A_1803 = arith.constant 8388607 : i32
      %and3A_1804 = vector.broadcast %and3A_1803 : i32 to vector<16xi32>
      %and3A_1805 = arith.andi %bitcast_convert_type3A, %and3A_1804 : vector<16xi32>
      %or3A = arith.constant 1065353216 : i32
      %or3A_1806 = vector.broadcast %or3A : i32 to vector<16xi32>
      %or3A_1807 = arith.ori %and3A_1805, %or3A_1806 : vector<16xi32>
      %bitcast_convert_type3A_1808 = tpu.bitcast %or3A_1807 : vector<16xi32> -> vector<16xf32>
      %gt3A = arith.constant 1.41421354 : f32
      %gt3A_1809 = vector.broadcast %gt3A : f32 to vector<16xf32>
      %gt3A_1810 = arith.cmpf ogt, %bitcast_convert_type3A_1808, %gt3A_1809 : vector<16xf32>
      %mul3A_1811 = arith.constant 5.000000e-01 : f32
      %mul3A_1812 = vector.broadcast %mul3A_1811 : f32 to vector<16xf32>
      %mul3A_1813 = arith.mulf %bitcast_convert_type3A_1808, %mul3A_1812 : vector<16xf32>
      %select_n3A_1814 = arith.select %gt3A_1810, %mul3A_1813, %bitcast_convert_type3A_1808 : vector<16xi1>, vector<16xf32>
      %jit3A_1815 = arith.constant 1 : i32
      %jit3A_1816 = arith.constant 0 : i32
      %broadcast_in_dim3A_1817 = vector.broadcast %jit3A_1815 : i32 to vector<16xi32>
      %broadcast_in_dim3A_1818 = vector.broadcast %jit3A_1816 : i32 to vector<16xi32>
      %select_n3A_1819 = arith.select %gt3A_1810, %broadcast_in_dim3A_1817, %broadcast_in_dim3A_1818 : vector<16xi1>, vector<16xi32>
      %add3A_1820 = arith.addi %sub3A_1802, %select_n3A_1819 : vector<16xi32>
      %sub3A_1821 = arith.constant 1.000000e+00 : f32
      %sub3A_1822 = vector.broadcast %sub3A_1821 : f32 to vector<16xf32>
      %sub3A_1823 = arith.subf %select_n3A_1814, %sub3A_1822 : vector<16xf32>
      %add3A_1824 = arith.constant 1.000000e+00 : f32
      %add3A_1825 = vector.broadcast %add3A_1824 : f32 to vector<16xf32>
      %add3A_1826 = arith.addf %select_n3A_1814, %add3A_1825 : vector<16xf32>
      %div3A_1827 = arith.divf %sub3A_1823, %add3A_1826 : vector<16xf32>
      %mul3A_1828 = arith.mulf %div3A_1827, %div3A_1827 : vector<16xf32>
      %mul3A_1829 = arith.constant 2.000000e+00 : f32
      %mul3A_1830 = vector.broadcast %mul3A_1829 : f32 to vector<16xf32>
      %mul3A_1831 = arith.mulf %mul3A_1830, %div3A_1827 : vector<16xf32>
      %mul3A_1832 = arith.constant 0.142857149 : f32
      %mul3A_1833 = vector.broadcast %mul3A_1832 : f32 to vector<16xf32>
      %mul3A_1834 = arith.mulf %mul3A_1828, %mul3A_1833 : vector<16xf32>
      %add3A_1835 = arith.constant 2.000000e-01 : f32
      %add3A_1836 = vector.broadcast %add3A_1835 : f32 to vector<16xf32>
      %add3A_1837 = arith.addf %add3A_1836, %mul3A_1834 : vector<16xf32>
      %mul3A_1838 = arith.mulf %mul3A_1828, %add3A_1837 : vector<16xf32>
      %add3A_1839 = arith.constant 0.333333343 : f32
      %add3A_1840 = vector.broadcast %add3A_1839 : f32 to vector<16xf32>
      %add3A_1841 = arith.addf %add3A_1840, %mul3A_1838 : vector<16xf32>
      %mul3A_1842 = arith.mulf %mul3A_1828, %add3A_1841 : vector<16xf32>
      %add3A_1843 = arith.constant 1.000000e+00 : f32
      %add3A_1844 = vector.broadcast %add3A_1843 : f32 to vector<16xf32>
      %add3A_1845 = arith.addf %add3A_1844, %mul3A_1842 : vector<16xf32>
      %mul3A_1846 = arith.mulf %mul3A_1831, %add3A_1845 : vector<16xf32>
      %convert_element_type3A_1847 = arith.sitofp %add3A_1820 : vector<16xi32> to vector<16xf32>
      %mul3A_1848 = arith.constant 0.693147182 : f32
      %mul3A_1849 = vector.broadcast %mul3A_1848 : f32 to vector<16xf32>
      %mul3A_1850 = arith.mulf %convert_element_type3A_1847, %mul3A_1849 : vector<16xf32>
      %add3A_1851 = arith.addf %mul3A_1850, %mul3A_1846 : vector<16xf32>
      %sub3A_1852 = arith.subf %sub3A_1797, %add3A_1851 : vector<16xf32>
      %max3A_1853 = arith.constant -13.8155107 : f32
      %max3A_1854 = vector.broadcast %max3A_1853 : f32 to vector<16xf32>
      %max3A_1855 = arith.maximumf %sub3A_1852, %max3A_1854 : vector<16xf32>
      %mul3A_1856 = arith.constant 16 : i32
      %mul3A_1857 = arith.muli %scan3A_632, %mul3A_1856 : i32
      %get3A_1858 = arith.index_cast %mul3A_1857 : i32 to index
      %get3A_1859 = tpu.vector_load %arg13[%get3A_1858] {strides = array<i32>} : memref<512xf32, #tpu.memory_space<vmem>>, vector<16xf32>,
      %mul3A_1860 = arith.mulf %get3A_1859, %max3A_1855 : vector<16xf32>
      %mul3A_1861 = arith.constant 16 : i32
      %mul3A_1862 = arith.muli %scan3A_632, %mul3A_1861 : i32
      %swap3A_1863 = arith.index_cast %mul3A_1862 : i32 to index
      %swap3A_1864 = tpu.vector_load %arg14[%swap3A_1863] {strides = array<i32>} : memref<512xf32, #tpu.memory_space<vmem>>, vector<16xf32>,
      tpu.vector_store %arg14[%swap3A_1863], %mul3A_1860 {strides = array<i32>} : memref<512xf32, #tpu.memory_space<vmem>>, vector<16xf32>,
      %add3A_1865 = arith.addf %scan3A_634, %mul3A_1860 : vector<16xf32>
      scf.yield %get3A_640, %add3A_1865 : vector<16xi32>, vector<16xf32>
    }
    %scan3A_530 = arith.constant 32 : i32
    %dma_wait3A = arith.constant 0 : i32
    %dma_wait3A_531 = arith.constant 0 : i32
    %dma_wait3A_532 = tpu.memref_slice %arg6[%dma_wait3A, %dma_wait3A_531] : memref<16x1000000xf32, #tpu.memory_space<hbm>> -> memref<16x128xf32, #tpu.memory_space<hbm>>
    %dma_wait3A_533 = arith.constant 0 : i32
    %dma_wait3A_534 = arith.constant 0 : i32
    %dma_wait3A_535 = tpu.memref_slice %arg6[%dma_wait3A_533, %dma_wait3A_534] : memref<16x1000000xf32, #tpu.memory_space<hbm>> -> memref<16x128xf32, #tpu.memory_space<hbm>>
    tpu.wait_dma2 semaphore(%arg36 : memref<!tpu.dma_semaphore, #tpu.memory_space<semaphore_mem>>) src(%dma_wait3A_535 : memref<16x128xf32, #tpu.memory_space<hbm>>) dst(%arg20 : memref<16x128xf32, #tpu.memory_space<vmem>>)
    %dma_wait3A_536 = arith.constant 0 : i32
    %dma_wait3A_537 = arith.constant 0 : i32
    %dma_wait3A_538 = tpu.memref_slice %arg6[%dma_wait3A_536, %dma_wait3A_537] : memref<16x1000000xf32, #tpu.memory_space<hbm>> -> memref<16x128xf32, #tpu.memory_space<hbm>>
    %dma_wait3A_539 = arith.constant 0 : i32
    %dma_wait3A_540 = arith.constant 0 : i32
    %dma_wait3A_541 = tpu.memref_slice %arg6[%dma_wait3A_539, %dma_wait3A_540] : memref<16x1000000xf32, #tpu.memory_space<hbm>> -> memref<16x128xf32, #tpu.memory_space<hbm>>
    tpu.wait_dma2 semaphore(%arg37 : memref<!tpu.dma_semaphore, #tpu.memory_space<semaphore_mem>>) src(%dma_wait3A_541 : memref<16x128xf32, #tpu.memory_space<hbm>>) dst(%arg21 : memref<16x128xf32, #tpu.memory_space<vmem>>)
    %dma_wait3A_542 = arith.constant 0 : i32
    %dma_wait3A_543 = arith.constant 0 : i32
    %dma_wait3A_544 = tpu.memref_slice %arg6[%dma_wait3A_542, %dma_wait3A_543] : memref<16x1000000xf32, #tpu.memory_space<hbm>> -> memref<16x128xf32, #tpu.memory_space<hbm>>
    %dma_wait3A_545 = arith.constant 0 : i32
    %dma_wait3A_546 = arith.constant 0 : i32
    %dma_wait3A_547 = tpu.memref_slice %arg6[%dma_wait3A_545, %dma_wait3A_546] : memref<16x1000000xf32, #tpu.memory_space<hbm>> -> memref<16x128xf32, #tpu.memory_space<hbm>>
    tpu.wait_dma2 semaphore(%arg38 : memref<!tpu.dma_semaphore, #tpu.memory_space<semaphore_mem>>) src(%dma_wait3A_547 : memref<16x128xf32, #tpu.memory_space<hbm>>) dst(%arg22 : memref<16x128xf32, #tpu.memory_space<vmem>>)
    %dma_wait3A_548 = arith.constant 0 : i32
    %dma_wait3A_549 = arith.constant 0 : i32
    %dma_wait3A_550 = tpu.memref_slice %arg6[%dma_wait3A_548, %dma_wait3A_549] : memref<16x1000000xf32, #tpu.memory_space<hbm>> -> memref<16x128xf32, #tpu.memory_space<hbm>>
    %dma_wait3A_551 = arith.constant 0 : i32
    %dma_wait3A_552 = arith.constant 0 : i32
    %dma_wait3A_553 = tpu.memref_slice %arg6[%dma_wait3A_551, %dma_wait3A_552] : memref<16x1000000xf32, #tpu.memory_space<hbm>> -> memref<16x128xf32, #tpu.memory_space<hbm>>
    tpu.wait_dma2 semaphore(%arg39 : memref<!tpu.dma_semaphore, #tpu.memory_space<semaphore_mem>>) src(%dma_wait3A_553 : memref<16x128xf32, #tpu.memory_space<hbm>>) dst(%arg23 : memref<16x128xf32, #tpu.memory_space<vmem>>)
    %dma_wait3A_554 = arith.constant 0 : i32
    %dma_wait3A_555 = arith.constant 0 : i32
    %dma_wait3A_556 = tpu.memref_slice %arg6[%dma_wait3A_554, %dma_wait3A_555] : memref<16x1000000xf32, #tpu.memory_space<hbm>> -> memref<16x128xf32, #tpu.memory_space<hbm>>
    %dma_wait3A_557 = arith.constant 0 : i32
    %dma_wait3A_558 = arith.constant 0 : i32
    %dma_wait3A_559 = tpu.memref_slice %arg6[%dma_wait3A_557, %dma_wait3A_558] : memref<16x1000000xf32, #tpu.memory_space<hbm>> -> memref<16x128xf32, #tpu.memory_space<hbm>>
    tpu.wait_dma2 semaphore(%arg40 : memref<!tpu.dma_semaphore, #tpu.memory_space<semaphore_mem>>) src(%dma_wait3A_559 : memref<16x128xf32, #tpu.memory_space<hbm>>) dst(%arg24 : memref<16x128xf32, #tpu.memory_space<vmem>>)
    %dma_wait3A_560 = arith.constant 0 : i32
    %dma_wait3A_561 = arith.constant 0 : i32
    %dma_wait3A_562 = tpu.memref_slice %arg6[%dma_wait3A_560, %dma_wait3A_561] : memref<16x1000000xf32, #tpu.memory_space<hbm>> -> memref<16x128xf32, #tpu.memory_space<hbm>>
    %dma_wait3A_563 = arith.constant 0 : i32
    %dma_wait3A_564 = arith.constant 0 : i32
    %dma_wait3A_565 = tpu.memref_slice %arg6[%dma_wait3A_563, %dma_wait3A_564] : memref<16x1000000xf32, #tpu.memory_space<hbm>> -> memref<16x128xf32, #tpu.memory_space<hbm>>
    tpu.wait_dma2 semaphore(%arg41 : memref<!tpu.dma_semaphore, #tpu.memory_space<semaphore_mem>>) src(%dma_wait3A_565 : memref<16x128xf32, #tpu.memory_space<hbm>>) dst(%arg25 : memref<16x128xf32, #tpu.memory_space<vmem>>)
    %dma_wait3A_566 = arith.constant 0 : i32
    %dma_wait3A_567 = arith.constant 0 : i32
    %dma_wait3A_568 = tpu.memref_slice %arg6[%dma_wait3A_566, %dma_wait3A_567] : memref<16x1000000xf32, #tpu.memory_space<hbm>> -> memref<16x128xf32, #tpu.memory_space<hbm>>
    %dma_wait3A_569 = arith.constant 0 : i32
    %dma_wait3A_570 = arith.constant 0 : i32
    %dma_wait3A_571 = tpu.memref_slice %arg6[%dma_wait3A_569, %dma_wait3A_570] : memref<16x1000000xf32, #tpu.memory_space<hbm>> -> memref<16x128xf32, #tpu.memory_space<hbm>>
    tpu.wait_dma2 semaphore(%arg42 : memref<!tpu.dma_semaphore, #tpu.memory_space<semaphore_mem>>) src(%dma_wait3A_571 : memref<16x128xf32, #tpu.memory_space<hbm>>) dst(%arg26 : memref<16x128xf32, #tpu.memory_space<vmem>>)
    %dma_wait3A_572 = arith.constant 0 : i32
    %dma_wait3A_573 = arith.constant 0 : i32
    %dma_wait3A_574 = tpu.memref_slice %arg6[%dma_wait3A_572, %dma_wait3A_573] : memref<16x1000000xf32, #tpu.memory_space<hbm>> -> memref<16x128xf32, #tpu.memory_space<hbm>>
    %dma_wait3A_575 = arith.constant 0 : i32
    %dma_wait3A_576 = arith.constant 0 : i32
    %dma_wait3A_577 = tpu.memref_slice %arg6[%dma_wait3A_575, %dma_wait3A_576] : memref<16x1000000xf32, #tpu.memory_space<hbm>> -> memref<16x128xf32, #tpu.memory_space<hbm>>
    tpu.wait_dma2 semaphore(%arg43 : memref<!tpu.dma_semaphore, #tpu.memory_space<semaphore_mem>>) src(%dma_wait3A_577 : memref<16x128xf32, #tpu.memory_space<hbm>>) dst(%arg27 : memref<16x128xf32, #tpu.memory_space<vmem>>)
    %dma_wait3A_578 = arith.constant 0 : i32
    %dma_wait3A_579 = arith.constant 0 : i32
    %dma_wait3A_580 = tpu.memref_slice %arg6[%dma_wait3A_578, %dma_wait3A_579] : memref<16x1000000xf32, #tpu.memory_space<hbm>> -> memref<16x128xf32, #tpu.memory_space<hbm>>
    %dma_wait3A_581 = arith.constant 0 : i32
    %dma_wait3A_582 = arith.constant 0 : i32
    %dma_wait3A_583 = tpu.memref_slice %arg6[%dma_wait3A_581, %dma_wait3A_582] : memref<16x1000000xf32, #tpu.memory_space<hbm>> -> memref<16x128xf32, #tpu.memory_space<hbm>>
    tpu.wait_dma2 semaphore(%arg44 : memref<!tpu.dma_semaphore, #tpu.memory_space<semaphore_mem>>) src(%dma_wait3A_583 : memref<16x128xf32, #tpu.memory_space<hbm>>) dst(%arg28 : memref<16x128xf32, #tpu.memory_space<vmem>>)
    %dma_wait3A_584 = arith.constant 0 : i32
    %dma_wait3A_585 = arith.constant 0 : i32
    %dma_wait3A_586 = tpu.memref_slice %arg6[%dma_wait3A_584, %dma_wait3A_585] : memref<16x1000000xf32, #tpu.memory_space<hbm>> -> memref<16x128xf32, #tpu.memory_space<hbm>>
    %dma_wait3A_587 = arith.constant 0 : i32
    %dma_wait3A_588 = arith.constant 0 : i32
    %dma_wait3A_589 = tpu.memref_slice %arg6[%dma_wait3A_587, %dma_wait3A_588] : memref<16x1000000xf32, #tpu.memory_space<hbm>> -> memref<16x128xf32, #tpu.memory_space<hbm>>
    tpu.wait_dma2 semaphore(%arg45 : memref<!tpu.dma_semaphore, #tpu.memory_space<semaphore_mem>>) src(%dma_wait3A_589 : memref<16x128xf32, #tpu.memory_space<hbm>>) dst(%arg29 : memref<16x128xf32, #tpu.memory_space<vmem>>)
    %dma_wait3A_590 = arith.constant 0 : i32
    %dma_wait3A_591 = arith.constant 0 : i32
    %dma_wait3A_592 = tpu.memref_slice %arg6[%dma_wait3A_590, %dma_wait3A_591] : memref<16x1000000xf32, #tpu.memory_space<hbm>> -> memref<16x128xf32, #tpu.memory_space<hbm>>
    %dma_wait3A_593 = arith.constant 0 : i32
    %dma_wait3A_594 = arith.constant 0 : i32
    %dma_wait3A_595 = tpu.memref_slice %arg6[%dma_wait3A_593, %dma_wait3A_594] : memref<16x1000000xf32, #tpu.memory_space<hbm>> -> memref<16x128xf32, #tpu.memory_space<hbm>>
    tpu.wait_dma2 semaphore(%arg46 : memref<!tpu.dma_semaphore, #tpu.memory_space<semaphore_mem>>) src(%dma_wait3A_595 : memref<16x128xf32, #tpu.memory_space<hbm>>) dst(%arg30 : memref<16x128xf32, #tpu.memory_space<vmem>>)
    %dma_wait3A_596 = arith.constant 0 : i32
    %dma_wait3A_597 = arith.constant 0 : i32
    %dma_wait3A_598 = tpu.memref_slice %arg6[%dma_wait3A_596, %dma_wait3A_597] : memref<16x1000000xf32, #tpu.memory_space<hbm>> -> memref<16x128xf32, #tpu.memory_space<hbm>>
    %dma_wait3A_599 = arith.constant 0 : i32
    %dma_wait3A_600 = arith.constant 0 : i32
    %dma_wait3A_601 = tpu.memref_slice %arg6[%dma_wait3A_599, %dma_wait3A_600] : memref<16x1000000xf32, #tpu.memory_space<hbm>> -> memref<16x128xf32, #tpu.memory_space<hbm>>
    tpu.wait_dma2 semaphore(%arg47 : memref<!tpu.dma_semaphore, #tpu.memory_space<semaphore_mem>>) src(%dma_wait3A_601 : memref<16x128xf32, #tpu.memory_space<hbm>>) dst(%arg31 : memref<16x128xf32, #tpu.memory_space<vmem>>)
    %dma_wait3A_602 = arith.constant 0 : i32
    %dma_wait3A_603 = arith.constant 0 : i32
    %dma_wait3A_604 = tpu.memref_slice %arg6[%dma_wait3A_602, %dma_wait3A_603] : memref<16x1000000xf32, #tpu.memory_space<hbm>> -> memref<16x128xf32, #tpu.memory_space<hbm>>
    %dma_wait3A_605 = arith.constant 0 : i32
    %dma_wait3A_606 = arith.constant 0 : i32
    %dma_wait3A_607 = tpu.memref_slice %arg6[%dma_wait3A_605, %dma_wait3A_606] : memref<16x1000000xf32, #tpu.memory_space<hbm>> -> memref<16x128xf32, #tpu.memory_space<hbm>>
    tpu.wait_dma2 semaphore(%arg48 : memref<!tpu.dma_semaphore, #tpu.memory_space<semaphore_mem>>) src(%dma_wait3A_607 : memref<16x128xf32, #tpu.memory_space<hbm>>) dst(%arg32 : memref<16x128xf32, #tpu.memory_space<vmem>>)
    %dma_wait3A_608 = arith.constant 0 : i32
    %dma_wait3A_609 = arith.constant 0 : i32
    %dma_wait3A_610 = tpu.memref_slice %arg6[%dma_wait3A_608, %dma_wait3A_609] : memref<16x1000000xf32, #tpu.memory_space<hbm>> -> memref<16x128xf32, #tpu.memory_space<hbm>>
    %dma_wait3A_611 = arith.constant 0 : i32
    %dma_wait3A_612 = arith.constant 0 : i32
    %dma_wait3A_613 = tpu.memref_slice %arg6[%dma_wait3A_611, %dma_wait3A_612] : memref<16x1000000xf32, #tpu.memory_space<hbm>> -> memref<16x128xf32, #tpu.memory_space<hbm>>
    tpu.wait_dma2 semaphore(%arg49 : memref<!tpu.dma_semaphore, #tpu.memory_space<semaphore_mem>>) src(%dma_wait3A_613 : memref<16x128xf32, #tpu.memory_space<hbm>>) dst(%arg33 : memref<16x128xf32, #tpu.memory_space<vmem>>)
    %dma_wait3A_614 = arith.constant 0 : i32
    %dma_wait3A_615 = arith.constant 0 : i32
    %dma_wait3A_616 = tpu.memref_slice %arg6[%dma_wait3A_614, %dma_wait3A_615] : memref<16x1000000xf32, #tpu.memory_space<hbm>> -> memref<16x128xf32, #tpu.memory_space<hbm>>
    %dma_wait3A_617 = arith.constant 0 : i32
    %dma_wait3A_618 = arith.constant 0 : i32
    %dma_wait3A_619 = tpu.memref_slice %arg6[%dma_wait3A_617, %dma_wait3A_618] : memref<16x1000000xf32, #tpu.memory_space<hbm>> -> memref<16x128xf32, #tpu.memory_space<hbm>>
    tpu.wait_dma2 semaphore(%arg50 : memref<!tpu.dma_semaphore, #tpu.memory_space<semaphore_mem>>) src(%dma_wait3A_619 : memref<16x128xf32, #tpu.memory_space<hbm>>) dst(%arg34 : memref<16x128xf32, #tpu.memory_space<vmem>>)
    %dma_wait3A_620 = arith.constant 0 : i32
    %dma_wait3A_621 = arith.constant 0 : i32
    %dma_wait3A_622 = tpu.memref_slice %arg6[%dma_wait3A_620, %dma_wait3A_621] : memref<16x1000000xf32, #tpu.memory_space<hbm>> -> memref<16x128xf32, #tpu.memory_space<hbm>>
    %dma_wait3A_623 = arith.constant 0 : i32
    %dma_wait3A_624 = arith.constant 0 : i32
    %dma_wait3A_625 = tpu.memref_slice %arg6[%dma_wait3A_623, %dma_wait3A_624] : memref<16x1000000xf32, #tpu.memory_space<hbm>> -> memref<16x128xf32, #tpu.memory_space<hbm>>
    tpu.wait_dma2 semaphore(%arg51 : memref<!tpu.dma_semaphore, #tpu.memory_space<semaphore_mem>>) src(%dma_wait3A_625 : memref<16x128xf32, #tpu.memory_space<hbm>>) dst(%arg35 : memref<16x128xf32, #tpu.memory_space<vmem>>)
    "tpu.region"() ({
      %run_scoped3A = tpu.sem_alloc : memref<!tpu.dma_semaphore, #tpu.memory_space<semaphore_mem>>
      %dma_start3A_632 = tpu.memref_slice %arg7[%mul3A_2] : memref<16384xf32, #tpu.memory_space<hbm>> -> memref<512xf32, #tpu.memory_space<hbm>>
      %dma_start3A_633 = tpu.memref_slice %arg7[%mul3A_2] : memref<16384xf32, #tpu.memory_space<hbm>> -> memref<512xf32, #tpu.memory_space<hbm>>
      tpu.enqueue_dma source(%arg14 : memref<512xf32, #tpu.memory_space<vmem>>) target(%dma_start3A_633 : memref<512xf32, #tpu.memory_space<hbm>>) target_semaphore(%run_scoped3A : memref<!tpu.dma_semaphore, #tpu.memory_space<semaphore_mem>>)
      %dma_wait3A_634 = tpu.memref_slice %arg7[%mul3A_2] : memref<16384xf32, #tpu.memory_space<hbm>> -> memref<512xf32, #tpu.memory_space<hbm>>
      %dma_wait3A_635 = tpu.memref_slice %arg7[%mul3A_2] : memref<16384xf32, #tpu.memory_space<hbm>> -> memref<512xf32, #tpu.memory_space<hbm>>
      tpu.wait_dma2 semaphore(%run_scoped3A : memref<!tpu.dma_semaphore, #tpu.memory_space<semaphore_mem>>) src(%arg14 : memref<512xf32, #tpu.memory_space<vmem>>) dst(%dma_wait3A_635 : memref<512xf32, #tpu.memory_space<hbm>>)
      tpu.yield
    }) : () -> ()
    %swap3A_626 = arith.constant 0 : index
    %swap3A_627 = tpu.vector_load %arg16[%swap3A_626] {strides = array<i32>} : memref<16xf32, #tpu.memory_space<vmem>>, vector<16xf32>,
    tpu.vector_store %arg16[%swap3A_626], %scan3A_529#1 {strides = array<i32>} : memref<16xf32, #tpu.memory_space<vmem>>, vector<16xf32>,
    %mul3A_628 = arith.constant 16 : i32
    %mul3A_629 = arith.muli %arg1, %mul3A_628 : i32
    "tpu.region"() ({
      %run_scoped3A = tpu.sem_alloc : memref<!tpu.dma_semaphore, #tpu.memory_space<semaphore_mem>>
      %dma_start3A_632 = tpu.memref_slice %arg19[%mul3A_629] : memref<256xf32, #tpu.memory_space<vmem_shared>> -> memref<16xf32, #tpu.memory_space<vmem_shared>>
      %dma_start3A_633 = tpu.memref_slice %arg19[%mul3A_629] : memref<256xf32, #tpu.memory_space<vmem_shared>> -> memref<16xf32, #tpu.memory_space<vmem_shared>>
      tpu.enqueue_dma source(%arg16 : memref<16xf32, #tpu.memory_space<vmem>>) target(%dma_start3A_633 : memref<16xf32, #tpu.memory_space<vmem_shared>>) target_semaphore(%run_scoped3A : memref<!tpu.dma_semaphore, #tpu.memory_space<semaphore_mem>>)
      %dma_wait3A_634 = tpu.memref_slice %arg19[%mul3A_629] : memref<256xf32, #tpu.memory_space<vmem_shared>> -> memref<16xf32, #tpu.memory_space<vmem_shared>>
      %dma_wait3A_635 = tpu.memref_slice %arg19[%mul3A_629] : memref<256xf32, #tpu.memory_space<vmem_shared>> -> memref<16xf32, #tpu.memory_space<vmem_shared>>
      tpu.wait_dma2 semaphore(%run_scoped3A : memref<!tpu.dma_semaphore, #tpu.memory_space<semaphore_mem>>) src(%arg16 : memref<16xf32, #tpu.memory_space<vmem>>) dst(%dma_wait3A_635 : memref<16xf32, #tpu.memory_space<vmem_shared>>)
      tpu.yield
    }) : () -> ()
    %barrier3A = arith.constant 0 : index
    tpu.barrier barrier_id(%barrier3A)
    %eq3A = arith.constant 0 : i32
    %eq3A_630 = arith.cmpi eq, %arg1, %eq3A : i32
    %convert_element_type3A = arith.extui %eq3A_630 : i1 to i32
    %cond3A = arith.constant 0 : i32
    %cond3A_631 = arith.cmpi ne, %convert_element_type3A, %cond3A : i32
    scf.if %cond3A_631 {
      "tpu.region"() ({
        %run_scoped3A = tpu.sem_alloc : memref<!tpu.dma_semaphore, #tpu.memory_space<semaphore_mem>>
        tpu.enqueue_dma source(%arg19 : memref<256xf32, #tpu.memory_space<vmem_shared>>) target(%arg18 : memref<256xf32, #tpu.memory_space<vmem>>) target_semaphore(%run_scoped3A : memref<!tpu.dma_semaphore, #tpu.memory_space<semaphore_mem>>)
        tpu.wait_dma2 semaphore(%run_scoped3A : memref<!tpu.dma_semaphore, #tpu.memory_space<semaphore_mem>>) src(%arg19 : memref<256xf32, #tpu.memory_space<vmem_shared>>) dst(%arg18 : memref<256xf32, #tpu.memory_space<vmem>>)
        tpu.yield
      }) : () -> ()
      %broadcast_in_dim3A_632 = arith.constant 0.000000e+00 : f32
      %broadcast_in_dim3A_633 = vector.broadcast %broadcast_in_dim3A_632 : f32 to vector<16xf32>
      %get3A_634 = arith.constant 0 : index
      %get3A_635 = tpu.vector_load %arg18[%get3A_634] {strides = array<i32>} : memref<256xf32, #tpu.memory_space<vmem>>, vector<16xf32>,
      %add3A_636 = arith.addf %broadcast_in_dim3A_633, %get3A_635 : vector<16xf32>
      %get3A_637 = arith.constant 16 : index
      %get3A_638 = tpu.vector_load %arg18[%get3A_637] {strides = array<i32>} : memref<256xf32, #tpu.memory_space<vmem>>, vector<16xf32>,
      %add3A_639 = arith.addf %add3A_636, %get3A_638 : vector<16xf32>
      %get3A_640 = arith.constant 32 : index
      %get3A_641 = tpu.vector_load %arg18[%get3A_640] {strides = array<i32>} : memref<256xf32, #tpu.memory_space<vmem>>, vector<16xf32>,
      %add3A_642 = arith.addf %add3A_639, %get3A_641 : vector<16xf32>
      %get3A_643 = arith.constant 48 : index
      %get3A_644 = tpu.vector_load %arg18[%get3A_643] {strides = array<i32>} : memref<256xf32, #tpu.memory_space<vmem>>, vector<16xf32>,
      %add3A_645 = arith.addf %add3A_642, %get3A_644 : vector<16xf32>
      %get3A_646 = arith.constant 64 : index
      %get3A_647 = tpu.vector_load %arg18[%get3A_646] {strides = array<i32>} : memref<256xf32, #tpu.memory_space<vmem>>, vector<16xf32>,
      %add3A_648 = arith.addf %add3A_645, %get3A_647 : vector<16xf32>
      %get3A_649 = arith.constant 80 : index
      %get3A_650 = tpu.vector_load %arg18[%get3A_649] {strides = array<i32>} : memref<256xf32, #tpu.memory_space<vmem>>, vector<16xf32>,
      %add3A_651 = arith.addf %add3A_648, %get3A_650 : vector<16xf32>
      %get3A_652 = arith.constant 96 : index
      %get3A_653 = tpu.vector_load %arg18[%get3A_652] {strides = array<i32>} : memref<256xf32, #tpu.memory_space<vmem>>, vector<16xf32>,
      %add3A_654 = arith.addf %add3A_651, %get3A_653 : vector<16xf32>
      %get3A_655 = arith.constant 112 : index
      %get3A_656 = tpu.vector_load %arg18[%get3A_655] {strides = array<i32>} : memref<256xf32, #tpu.memory_space<vmem>>, vector<16xf32>,
      %add3A_657 = arith.addf %add3A_654, %get3A_656 : vector<16xf32>
      %get3A_658 = arith.constant 128 : index
      %get3A_659 = tpu.vector_load %arg18[%get3A_658] {strides = array<i32>} : memref<256xf32, #tpu.memory_space<vmem>>, vector<16xf32>,
      %add3A_660 = arith.addf %add3A_657, %get3A_659 : vector<16xf32>
      %get3A_661 = arith.constant 144 : index
      %get3A_662 = tpu.vector_load %arg18[%get3A_661] {strides = array<i32>} : memref<256xf32, #tpu.memory_space<vmem>>, vector<16xf32>,
      %add3A_663 = arith.addf %add3A_660, %get3A_662 : vector<16xf32>
      %get3A_664 = arith.constant 160 : index
      %get3A_665 = tpu.vector_load %arg18[%get3A_664] {strides = array<i32>} : memref<256xf32, #tpu.memory_space<vmem>>, vector<16xf32>,
      %add3A_666 = arith.addf %add3A_663, %get3A_665 : vector<16xf32>
      %get3A_667 = arith.constant 176 : index
      %get3A_668 = tpu.vector_load %arg18[%get3A_667] {strides = array<i32>} : memref<256xf32, #tpu.memory_space<vmem>>, vector<16xf32>,
      %add3A_669 = arith.addf %add3A_666, %get3A_668 : vector<16xf32>
      %get3A_670 = arith.constant 192 : index
      %get3A_671 = tpu.vector_load %arg18[%get3A_670] {strides = array<i32>} : memref<256xf32, #tpu.memory_space<vmem>>, vector<16xf32>,
      %add3A_672 = arith.addf %add3A_669, %get3A_671 : vector<16xf32>
      %get3A_673 = arith.constant 208 : index
      %get3A_674 = tpu.vector_load %arg18[%get3A_673] {strides = array<i32>} : memref<256xf32, #tpu.memory_space<vmem>>, vector<16xf32>,
      %add3A_675 = arith.addf %add3A_672, %get3A_674 : vector<16xf32>
      %get3A_676 = arith.constant 224 : index
      %get3A_677 = tpu.vector_load %arg18[%get3A_676] {strides = array<i32>} : memref<256xf32, #tpu.memory_space<vmem>>, vector<16xf32>,
      %add3A_678 = arith.addf %add3A_675, %get3A_677 : vector<16xf32>
      %get3A_679 = arith.constant 240 : index
      %get3A_680 = tpu.vector_load %arg18[%get3A_679] {strides = array<i32>} : memref<256xf32, #tpu.memory_space<vmem>>, vector<16xf32>,
      %add3A_681 = arith.addf %add3A_678, %get3A_680 : vector<16xf32>
      %reduce_sum3A = arith.constant true
      %reduce_sum3A_682 = vector.broadcast %reduce_sum3A : i1 to vector<16xi1>
      %reduce_sum3A_683 = tpu.scan <sum>, %add3A_681 masked %reduce_sum3A_682 : vector<16xf32>, vector<16xi1> -> vector<16xf32>
      %reduce_sum3A_684 = vector.extract %reduce_sum3A_683[15] : f32 from vector<16xf32>
      %broadcast_in_dim3A_685 = vector.broadcast %reduce_sum3A_684 : f32 to vector<16xf32>
      %swap3A_686 = arith.constant 0 : i32
      %swap3A_687 = arith.index_cast %swap3A_686 : i32 to index
      %swap3A_688 = arith.constant 0 : index
      %swap3A_689 = tpu.vector_load %arg17[%swap3A_687, %swap3A_688] {strides = array<i32>} : memref<8x16xf32, #tpu.memory_space<vmem>>, vector<16xf32>,
      tpu.vector_store %arg17[%swap3A_687, %swap3A_688], %broadcast_in_dim3A_685 {strides = array<i32>} : memref<8x16xf32, #tpu.memory_space<vmem>>, vector<16xf32>,
      %swap3A_690 = arith.constant 1 : i32
      %swap3A_691 = arith.index_cast %swap3A_690 : i32 to index
      %swap3A_692 = arith.constant 0 : index
      %swap3A_693 = tpu.vector_load %arg17[%swap3A_691, %swap3A_692] {strides = array<i32>} : memref<8x16xf32, #tpu.memory_space<vmem>>, vector<16xf32>,
      tpu.vector_store %arg17[%swap3A_691, %swap3A_692], %broadcast_in_dim3A_685 {strides = array<i32>} : memref<8x16xf32, #tpu.memory_space<vmem>>, vector<16xf32>,
      %swap3A_694 = arith.constant 2 : i32
      %swap3A_695 = arith.index_cast %swap3A_694 : i32 to index
      %swap3A_696 = arith.constant 0 : index
      %swap3A_697 = tpu.vector_load %arg17[%swap3A_695, %swap3A_696] {strides = array<i32>} : memref<8x16xf32, #tpu.memory_space<vmem>>, vector<16xf32>,
      tpu.vector_store %arg17[%swap3A_695, %swap3A_696], %broadcast_in_dim3A_685 {strides = array<i32>} : memref<8x16xf32, #tpu.memory_space<vmem>>, vector<16xf32>,
      %swap3A_698 = arith.constant 3 : i32
      %swap3A_699 = arith.index_cast %swap3A_698 : i32 to index
      %swap3A_700 = arith.constant 0 : index
      %swap3A_701 = tpu.vector_load %arg17[%swap3A_699, %swap3A_700] {strides = array<i32>} : memref<8x16xf32, #tpu.memory_space<vmem>>, vector<16xf32>,
      tpu.vector_store %arg17[%swap3A_699, %swap3A_700], %broadcast_in_dim3A_685 {strides = array<i32>} : memref<8x16xf32, #tpu.memory_space<vmem>>, vector<16xf32>,
      %swap3A_702 = arith.constant 4 : i32
      %swap3A_703 = arith.index_cast %swap3A_702 : i32 to index
      %swap3A_704 = arith.constant 0 : index
      %swap3A_705 = tpu.vector_load %arg17[%swap3A_703, %swap3A_704] {strides = array<i32>} : memref<8x16xf32, #tpu.memory_space<vmem>>, vector<16xf32>,
      tpu.vector_store %arg17[%swap3A_703, %swap3A_704], %broadcast_in_dim3A_685 {strides = array<i32>} : memref<8x16xf32, #tpu.memory_space<vmem>>, vector<16xf32>,
      %swap3A_706 = arith.constant 5 : i32
      %swap3A_707 = arith.index_cast %swap3A_706 : i32 to index
      %swap3A_708 = arith.constant 0 : index
      %swap3A_709 = tpu.vector_load %arg17[%swap3A_707, %swap3A_708] {strides = array<i32>} : memref<8x16xf32, #tpu.memory_space<vmem>>, vector<16xf32>,
      tpu.vector_store %arg17[%swap3A_707, %swap3A_708], %broadcast_in_dim3A_685 {strides = array<i32>} : memref<8x16xf32, #tpu.memory_space<vmem>>, vector<16xf32>,
      %swap3A_710 = arith.constant 6 : i32
      %swap3A_711 = arith.index_cast %swap3A_710 : i32 to index
      %swap3A_712 = arith.constant 0 : index
      %swap3A_713 = tpu.vector_load %arg17[%swap3A_711, %swap3A_712] {strides = array<i32>} : memref<8x16xf32, #tpu.memory_space<vmem>>, vector<16xf32>,
      tpu.vector_store %arg17[%swap3A_711, %swap3A_712], %broadcast_in_dim3A_685 {strides = array<i32>} : memref<8x16xf32, #tpu.memory_space<vmem>>, vector<16xf32>,
      %swap3A_714 = arith.constant 7 : i32
      %swap3A_715 = arith.index_cast %swap3A_714 : i32 to index
      %swap3A_716 = arith.constant 0 : index
      %swap3A_717 = tpu.vector_load %arg17[%swap3A_715, %swap3A_716] {strides = array<i32>} : memref<8x16xf32, #tpu.memory_space<vmem>>, vector<16xf32>,
      tpu.vector_store %arg17[%swap3A_715, %swap3A_716], %broadcast_in_dim3A_685 {strides = array<i32>} : memref<8x16xf32, #tpu.memory_space<vmem>>, vector<16xf32>,
      "tpu.region"() ({
        %run_scoped3A = tpu.sem_alloc : memref<!tpu.dma_semaphore, #tpu.memory_space<semaphore_mem>>
        %dma_start3A_718 = arith.constant 0 : i32
        %dma_start3A_719 = arith.constant 0 : i32
        %dma_start3A_720 = tpu.memref_slice %arg8[%arg0, %dma_start3A_718, %dma_start3A_719] : memref<2x8x16xf32, #tpu.memory_space<hbm>> -> memref<1x8x16xf32, #tpu.memory_space<hbm>>
        %dma_start3A_721 = tpu.memref_squeeze %dma_start3A_720 : memref<1x8x16xf32, #tpu.memory_space<hbm>> -> memref<8x16xf32, #tpu.memory_space<hbm>>
        %dma_start3A_722 = arith.constant 0 : i32
        %dma_start3A_723 = arith.constant 0 : i32
        %dma_start3A_724 = tpu.memref_slice %arg8[%arg0, %dma_start3A_722, %dma_start3A_723] : memref<2x8x16xf32, #tpu.memory_space<hbm>> -> memref<1x8x16xf32, #tpu.memory_space<hbm>>
        %dma_start3A_725 = tpu.memref_squeeze %dma_start3A_724 : memref<1x8x16xf32, #tpu.memory_space<hbm>> -> memref<8x16xf32, #tpu.memory_space<hbm>>
        tpu.enqueue_dma source(%arg17 : memref<8x16xf32, #tpu.memory_space<vmem>>) target(%dma_start3A_725 : memref<8x16xf32, #tpu.memory_space<hbm>>) target_semaphore(%run_scoped3A : memref<!tpu.dma_semaphore, #tpu.memory_space<semaphore_mem>>)
        %dma_wait3A_726 = arith.constant 0 : i32
        %dma_wait3A_727 = arith.constant 0 : i32
        %dma_wait3A_728 = tpu.memref_slice %arg8[%arg0, %dma_wait3A_726, %dma_wait3A_727] : memref<2x8x16xf32, #tpu.memory_space<hbm>> -> memref<1x8x16xf32, #tpu.memory_space<hbm>>
        %dma_wait3A_729 = tpu.memref_squeeze %dma_wait3A_728 : memref<1x8x16xf32, #tpu.memory_space<hbm>> -> memref<8x16xf32, #tpu.memory_space<hbm>>
        %dma_wait3A_730 = arith.constant 0 : i32
        %dma_wait3A_731 = arith.constant 0 : i32
        %dma_wait3A_732 = tpu.memref_slice %arg8[%arg0, %dma_wait3A_730, %dma_wait3A_731] : memref<2x8x16xf32, #tpu.memory_space<hbm>> -> memref<1x8x16xf32, #tpu.memory_space<hbm>>
        %dma_wait3A_733 = tpu.memref_squeeze %dma_wait3A_732 : memref<1x8x16xf32, #tpu.memory_space<hbm>> -> memref<8x16xf32, #tpu.memory_space<hbm>>
        tpu.wait_dma2 semaphore(%run_scoped3A : memref<!tpu.dma_semaphore, #tpu.memory_space<semaphore_mem>>) src(%arg17 : memref<8x16xf32, #tpu.memory_space<vmem>>) dst(%dma_wait3A_733 : memref<8x16xf32, #tpu.memory_space<hbm>>)
        tpu.yield
      }) : () -> ()
    } else {
    }
    return
  }
}

</mosaic_0001>

<sc_bundles>
// kernel: _run.3.cloned.1.call-start
scs
__scs_entry_jumppad:
0x0: {  	(pc) =	sbr.rel $0x88, $3  }
0x1: {  	(tag) =	ssettag $0x0;
	lr =	simm.s32 $0x1  }
0x2: {  	[smem:$0x3F9C] =	sst lr;
	_ =	strace $0xD0000000  }
0x3: {  	_ = 	snop  }
0x4: {  	_ = 	snop  }
0x5: {  	_ = 	snop  }
0x6: {  	_ = 	snop  }
0x7: {  	_ = 	snop  }
__scs_overlays_trampoline_lowered:
0x8: {  	[smem:$0x3FAB] =	sst s0  }
0x9: {  	[smem:$0x3FAC] =	sst s1  }
0xa: {  	[smem:$0x3FAD] =	sst s2  }
0xb: {  	[smem:$0x3FAE] =	sst s3  }
0xc: {  	[smem:$0x3FAF] =	sst s4  }
0xd: {  	[smem:$0x3FB0] =	sst s5  }
0xe: {  	[smem:$0x3FB1] =	sst s6  }
0xf: {  	[smem:$0x3FB2] =	sst s7  }
0x10: {  	[smem:$0x3FB3] =	sst s8  }
0x11: {  	[smem:$0x3FB4] =	sst s9;
	s0 =	simm.s32 @!p0 $0x0  }
0x12: {  	s1 =	sld [smem:$0x3F9A];
	s0 =	simm.s32 @p0 $0x1  }
0x13: {  	[smem:$0x3FB5] =	sst s0;
	s0 =	simm.s32 @!p1 $0x0  }
0x14: {  	s2 =	sld [smem:$0x3F99];
	s0 =	simm.s32 @p1 $0x1  }
0x15: {  	[smem:$0x3FB6] =	sst s0;
	s0 =	simm.s32 @!p2 $0x0  }
0x16: {  	s3 =	sld [smem:$0x3FDB];
	s0 =	simm.s32 @p2 $0x1  }
0x17: {  	s4 =	simm.s32 $0x1BF5;
	[smem:$0x3FB8] =	sst s0  }
0x18: {  	s0 =	sld [smem:$0x3F9B];
	_ =	swait.ge [sflag:s4], $0x0  }
0x19: {  	s7 =	sld [smem:$0x3F9C]  }
0x1a: {  	s8 =	sadd.s32 $0xFFFFE003, lr  }
0x1b: {  	s9 =	sadd.s32 $0xFFFFFEF7, lr;
	s5 =	simm.s32 $0xFFFFFFFF;
	p2 =	slt.u32 s8, $0xFFFFF086  }
0x1c: {  	p1 =	slt.u32 s9, $0xF7A;
	s5 =	simm.s32 @!p2 $0x0  }
0x1d: {  	s5 =	simm.s32 @p1 $0x1;
	p0 =	seq.s32 s7, s2  }
0x1e: {  	s7 =	smul.u32 @!p0 $0xF7A, s2;
	p2 =	seq.s32 @!p0 s5, $0x0  }
0x1f: {  	s9 =	smul.u32 $0xF7A, s1;
	s8 =	simm.s32 @!p0 $0x1BF5;
	p2 =	por !p2, p0  }
0x20: {  	[sflag:s8] =	ssyncset.s32 @!p0 $0xFFFFF086;
	s6 =	sadd.s32 @!p0 s3, s7;
	s7 =	simm.s32 @!p0 $0x108  }
0x21: {  	s3 =	sadd.s32 s3, s9;
	s6 =	sadd.s32 @!p0 $0x88, s6;
	s7 =	simm.s32 @p2 $0x1082  }
0x22: {  	[simem:s7], [sflag:s8] =	dma.local @!p0 [hbm:s6], $0xF7A  }
0x23: {  	s9 =	sor.u32 $0xD0000000, s2;
	s6 =	simm.s32 $0x108;
	_ =	swait.ge @!p0 [sflag:s8], $0x0  }
0x24: {  	s3 =	sadd.s32 $0x88, s3;
	s6 =	simm.s32 @!p1 $0x1082;
	[sflag:s4] =	ssyncset.s32 $0xFFFFF086  }
0x25: {  	[simem:s6], [sflag:s4] =	dma.local [hbm:s3], $0xF7A  }
0x26: {  	[smem:$0x3F9C] =	sst s1;
	(tag) =	ssettag s2;
	_ =	strace s9  }
0x27: {  	s1 =	sld [smem:$0x3FAC]  }
0x28: {  	s2 =	sld [smem:$0x3FAD]  }
0x29: {  	s4 =	sld [smem:$0x3FAF]  }
0x2a: {  	p0 =	seq.s32 s5, $0x0;
	s5 =	sld [smem:$0x3FB0]  }
0x2b: {  	s6 =	sld [smem:$0x3FB1]  }
0x2c: {  	s7 =	sld [smem:$0x3FB2]  }
0x2d: {  	s3 =	simm.s32 $0x108;
	s8 =	sld [smem:$0x3FB3]  }
0x2e: {  	s3 =	simm.s32 @!p0 $0x1082;
	s9 =	sld [smem:$0x3FB4]  }
0x2f: {  	lr =	sadd.s32 s0, s3;
	s0 =	sld [smem:$0x3FAB]  }
0x30: {  	s3 =	sld [smem:$0x3FAE]  }
0x31: {  	[smem:$0x3FB7] =	sst s10  }
0x32: {  	s10 =	sld [smem:$0x3FB5];
	_ =	sdelay $0x3  }
0x33: {  	p0 =	seq.s32 s10, $0x1;
	s10 =	sld [smem:$0x3FB7];
	_ =	sdelay $0x3  }
0x34: {  	[smem:$0x3FB7] =	sst s10  }
0x35: {  	s10 =	sld [smem:$0x3FB6];
	_ =	sdelay $0x3  }
0x36: {  	p1 =	seq.s32 s10, $0x1;
	s10 =	sld [smem:$0x3FB7];
	_ =	sdelay $0x3  }
0x37: {  	[smem:$0x3FB7] =	sst s10  }
0x38: {  	s10 =	sld [smem:$0x3FB8]  }
0x39: {  	_ = 	snop;
	(pc) =	sbr.ind lr, $3  }
0x3a: {  	_ = 	snop  }
0x3b: {  	_ = 	snop  }
0x3c: {  	p2 =	seq.s32 s10, $0x1;
	s10 =	sld [smem:$0x3FB7]  }
0x3d: {  	_ =	shalt  }
0x3e: {  	_ =	shalt  }
0x3f: {  	_ =	shalt  }
0x40: {  	_ =	shalt  }
0x41: {  	_ =	shalt  }
0x42: {  	_ =	shalt  }
0x43: {  	_ =	shalt  }
0x44: {  	_ =	shalt  }
0x45: {  	_ =	shalt  }
0x46: {  	_ =	shalt  }
0x47: {  	_ =	shalt  }
0x48: {  	_ =	shalt  }
0x49: {  	_ =	shalt  }
0x4a: {  	_ =	shalt  }
0x4b: {  	_ =	shalt  }
0x4c: {  	_ =	shalt  }
0x4d: {  	_ =	shalt  }
0x4e: {  	_ =	shalt  }
0x4f: {  	_ =	shalt  }
0x50: {  	_ =	shalt  }
0x51: {  	_ =	shalt  }
0x52: {  	_ =	shalt  }
0x53: {  	_ =	shalt  }
0x54: {  	_ =	shalt  }
0x55: {  	_ =	shalt  }
0x56: {  	_ =	shalt  }
0x57: {  	_ =	shalt  }
0x58: {  	_ =	shalt  }
0x59: {  	_ =	shalt  }
0x5a: {  	_ =	shalt  }
0x5b: {  	_ =	shalt  }
0x5c: {  	_ =	shalt  }
0x5d: {  	_ =	shalt  }
0x5e: {  	_ =	shalt  }
0x5f: {  	_ =	shalt  }
0x60: {  	_ =	shalt  }
0x61: {  	_ =	shalt  }
0x62: {  	_ =	shalt  }
0x63: {  	_ =	shalt  }
0x64: {  	_ =	shalt  }
0x65: {  	_ =	shalt  }
0x66: {  	_ =	shalt  }
0x67: {  	_ =	shalt  }
0x68: {  	_ =	shalt  }
0x69: {  	_ =	shalt  }
0x6a: {  	_ =	shalt  }
0x6b: {  	_ =	shalt  }
0x6c: {  	_ =	shalt  }
0x6d: {  	_ =	shalt  }
0x6e: {  	_ =	shalt  }
0x6f: {  	_ =	shalt  }
0x70: {  	_ =	shalt  }
0x71: {  	_ =	shalt  }
0x72: {  	_ =	shalt  }
0x73: {  	_ =	shalt  }
0x74: {  	_ =	shalt  }
0x75: {  	_ =	shalt  }
0x76: {  	_ =	shalt  }
0x77: {  	_ =	shalt  }
0x78: {  	_ =	shalt  }
0x79: {  	_ =	shalt  }
0x7a: {  	_ =	shalt  }
0x7b: {  	_ =	shalt  }
0x7c: {  	_ =	shalt  }
0x7d: {  	_ =	shalt  }
0x7e: {  	_ =	shalt  }
0x7f: {  	_ =	shalt  }
0x80: {  	_ =	shalt  }
0x81: {  	_ =	shalt  }
0x82: {  	_ =	shalt  }
0x83: {  	_ =	shalt  }
0x84: {  	_ =	shalt  }
0x85: {  	_ =	shalt  }
0x86: {  	_ =	shalt  }
0x87: {  	_ =	shalt  }
.Lfunc_end0:
.L_simem_size_0:
called_computation_lowered:
.L_overlay_start_0:
0x88: {  	s2 =	sld [smem:$0x3FD9]  }
0x89: {  	s3 =	sld [smem:$0x3FFE];
	_ =	sdelay $0x1  }
0x8a: {  	s1 =	srdreg.scid  }
0x8b: {  	s0 =	sand.u32 $0x1, s1  }
0x8c: {  	s15 =	sshll.u32 s0, $0xA;
	s2 =	sadd.s32 s3, s2  }
0x8d: {  	s2 =	sadd.s32 s2, s15  }
0x8e: {  	[smem:$0x3FC3] =	sst s2  }
0x8f: {  	_ = 	snop  }
0x90: {  	s2 =	sld [smem:$0x3FC9]  }
0x91: {  	s16 =	sld [smem:$0x3FC8]  }
0x92: {  	s4 =	sld [smem:$0x3FD0]  }
0x93: {  	s5 =	sld [smem:$0x3FC7]  }
0x94: {  	s6 =	sld [smem:$0x3FC6]  }
0x95: {  	s8 =	simm.s32 $0xA;
	s9 =	simm.s32 $0x10;
	s7 =	sld [smem:$0x3FC5]  }
0x96: {  	[smem:s9], [sflag:s8] =	dma.local [hbm:s4], $0x1  }
0x97: {  	_ =	swait.eq [sflag:s8], $0x1  }
0x98: {  	[sflag:s8] =	ssyncset.done $0x0  }
0x99: {  	s17 =	sld [smem:$0x10];
	[sflag:s8] =	ssyncadd.s32 $0xFFFFFFFF  }
0x9a: {  	s18 =	sld [smem:$0x11];
	(tm) =	ssettm $0x1  }
0x9b: {  	s19 =	sld [smem:$0x3FFB];
	_ =	sdelay $0x3  }
0x9c: {  	_ =	strace s19  }
0x9d: {  	s9 =	sld [smem:$0x3FFC];
	_ =	sdelay $0x3  }
0x9e: {  	_ =	strace s9  }
0x9f: {  	s9 =	sld [smem:$0x3FFD];
	_ =	sdelay $0x3  }
0xa0: {  	_ =	strace s9  }
0xa1: {  	_ =	strace $0x8FFFFFFF  }
0xa2: {  	s20 =	sld [smem:$0x3FDB];
	_ =	sdelay $0x1  }
0xa3: {  	s10 =	simm.s32 $_scs_section_size  }
0xa4: {  	s11 =	simm.s32 $_size__tile_overlayer_lowered;
	s12 =	simm.s32 $_tile_overlayer_lowered  }
0xa5: {  	s23 =	simm.s32 $0x1BFF;
	s22 =	sshll.u32 s12, $0x1;
	s9 =	sadd.s32 s10, s20  }
0xa6: {  	s13 =	simm.s32 $0x0;
	s21 =	sshll.u32 s11, $0x1;
	s11 =	sadd.s32 s22, s9  }
0xa7: {  	[timem:s13], [sflag:s23] =	dma.local [hbm:s11], s21  }
0xa8: {  	_ =	swait.ge [sflag:s23], s21  }
0xa9: {  	s10 =	ssub.s32 $0x0, s21;
	[sflag:s23] =	ssyncset.done $0x0  }
0xaa: {  	[sflag:s23] =	ssyncadd.s32 s10;
	_ =	sdelay $0x1  }
0xab: {  	s24 =	simm.s32 $0x1B8B  }
0xac: {  	_ =	swait.ge [sflag:s24], $0x1  }
0xad: {  	[sflag:s24] =	ssyncset.done $0x0  }
0xae: {  	s25 =	simm.s32 $0x1B8E;
	[sflag:s24] =	ssyncadd.s32 $0xFFFFFFFF  }
0xaf: {  	s26 =	simm.s32 $execute0_lowered;
	[smem:$0x3FD2] =	sst s25  }
0xb0: {  	s10 =	sshll.u32 s26, $0x1;
	_ =	strace $0x80000046;
	[dreg:$0x1] =	wrdreg $0xFFFFFFFF  }
0xb1: {  	s28 =	simm.s32 $_size_execute0_lowered;
	s9 =	sadd.s32 s9, s10;
	[dreg:$0x0] =	wrdreg $0x0  }
0xb2: {  	s10 =	sshll.u32 s28, $0x1;
	[dreg:$0x2] =	wrdreg s9  }
0xb3: {  	[dreg:$0x3] =	wrdreg s10  }
0xb4: {  	[dreg:$0x4] =	wrdreg $0xC0  }
0xb5: {  	_ =	task [dreg:s13], $0x5FFFF  }
0xb6: {  	[dreg:$0x1] =	wrdreg $0xFFFFFFFF  }
0xb7: {  	[dreg:$0x0] =	wrdreg $0x60  }
0xb8: {  	[dreg:$0x2] =	wrdreg s2  }
0xb9: {  	[dreg:$0x3] =	wrdreg s5  }
0xba: {  	[dreg:$0x4] =	wrdreg s6  }
0xbb: {  	[dreg:$0x5] =	wrdreg s7  }
0xbc: {  	[dreg:$0x6] =	wrdreg s16  }
0xbd: {  	[dreg:$0x7] =	wrdreg s17  }
0xbe: {  	[dreg:$0x8] =	wrdreg s18  }
0xbf: {  	[dreg:$0x9] =	wrdreg $0x31800  }
0xc0: {  	[dreg:$0xa] =	wrdreg $0x9  }
0xc1: {  	_ =	task.clear_ibuf [dreg:s13], $0xBFFFF;
	_ =	strace $0x90000046  }
0xc2: {  	s29 =	simm.s32 $0x9;
	_ =	strace $0x80000048  }
0xc3: {  	_ =	swait.ge [sflag:s29], $0x1  }
0xc4: {  	[sflag:s29] =	ssyncadd.s32 $0xFFFFFFFF  }
0xc5: {  	_ =	strace $0x90000048  }
0xc6: {  	_ =	sfence  }
0xc7: {  	s30 =	sld [smem:$0x0];
	_ =	sdelay $0x2  }
0xc8: {  	s31 =	sshll.u32 s1, $0xD;
	s1 =	sshrl.u32 s1, $0x2  }
0xc9: {  	s3 =	sand.u32 $0x4000, s31;
	s1 =	sadd.s32 s1, s30  }
0xca: {  	s0 =	sor.u32 s3, s0;
	s1 =	sshll.u32 s1, $0x11  }
0xcb: {  	s0 =	sor.u32 s1, s0  }
0xcc: {  	s0 =	sadd.s32 $0x8F2B, s0  }
0xcd: {  	[sflag:s0] =	ssyncadd.remote.s32 $0x1  }
0xce: {  	_ =	sfence.sel $0xFFFF  }
0xcf: {  	[dreg:$0x0] =	wrdreg $0xFFFFFFFF;
	(pc) =	sbr.abs _section_cstart, $3  }
0xd0: {  	[dreg:$0x1] =	wrdreg $0xFFFFFFFF  }
0xd1: {  	_ =	task.clear_ibuf [dreg:s13], $0x2FFFF;
	_ =	strace $0x9FFFFFFF  }
0xd2: {  	(tm) =	ssettm $0x7FFFFFFF  }
0xd3: {  	_ =	shalt  }
tec
execute0_lowered:
.L_overlay_start_1:
0x0: {  	(tag) =	ssettag $0x1  }
0x1: {  	s0 =	rddreg [dreg:$0x1]  }
0x2: {  	s1 =	rddreg [dreg:$0x2]  }
0x3: {  	s3 =	rddreg [dreg:$0x3]  }
0x4: {  	s2 =	rddreg [dreg:$0x4]  }
0x5: {  	s4 =	rddreg [dreg:$0x5]  }
0x6: {  	s5 =	rddreg [dreg:$0x6]  }
0x7: {  	s11 =	rddreg [dreg:$0x7]  }
0x8: {  	s6 =	srdreg.scid;
	s25 =	simm.s32 $0x0;
	s10 =	stileid.u32  }
0x9: {  	s28 =	simm.s32 $0x11;
	s31 =	simm.s32 $0x1;
	s16 =	simm.s32 $0x400  }
0xa: {  	s17 =	simm.s32 $0x7A1400;
	s29 =	simm.s32 $0x3190;
	s14 =	simm.s32 $0x3990  }
0xb: {  	s15 =	simm.s32 $0x4190;
	s30 =	simm.s32 $0x2480;
	s12 =	simm.s32 $0x9190  }
0xc: {  	s13 =	simm.s32 $0x9990;
	s6 =	sand.u32 $0x1, s6;
	[smem:$0x7FF] =	sst s25  }
0xd: {  	s10 =	sshll.u32 s10, $0x6;
	s7 =	ssub.s32 $0x2, s6;
	s9 =	sshll.u32 s6, $0xA  }
0xe: {  	_ =	strace $0x80000047;
	s22 =	sshrl.u32 s10, $0x2;
	s23 =	sshll.u32 s6, $0x7  }
0xf: {  	s6 =	simm.s32 $0x5190;
	[dreg:$0x9] =	wrdreg s30;
	s8 =	sshrl.u32 s7, $0x1  }
0x10: {  	s18 =	sor.u32 s10, s9;
	s24 =	sadd.s32 s5, s23;
	s5 =	simm.s32 $0x4990  }
0x11: {  	s9 =	simm.s32 $0x7190;
	s10 =	simm.s32 $0x7990;
	s7 =	ssub.s32 s7, s8  }
0x12: {  	v0 =	vlaneseq.u32;
	s0 =	sadd.s32 s0, s18;
	s19 =	sadd.s32 s1, s18;
	[dreg:$0xf] =	wrdreg s24  }
0x13: {  	v1 =	vmul.u32 $0x11, v0;
	s20 =	sadd.s32 s3, s18;
	s21 =	sadd.s32 s4, s18;
	[dreg:$0xa] =	wrdreg s0  }
0x14: {  	v2 =	vimm.s32 $0x0;
	v3 =	vmul.u32 $0x80, v0;
	s8 =	simm.s32 $0x6190;
	s4 =	simm.s32 $0x8990;
	[dreg:$0xb] =	wrdreg s19  }
0x15: {  	v4 =	vadd.s32 $0x1, v1;
	v5 =	vadd.s32 $0x2, v1;
	v6 =	vadd.s32 $0x3, v1;
	s18 =	simm.s32 $0xA190;
	s3 =	simm.s32 $0x280;
	[dreg:$0xc] =	wrdreg s20  }
0x16: {  	v7 =	vadd.s32 $0x4, v1;
	v8 =	vadd.s32 $0x5, v1;
	v9 =	vadd.s32 $0x6, v1;
	[dreg:$0xd] =	wrdreg s21;
	s0 =	sadd.s32 s22, s11;
	s26 =	smax.u32 s7, $0x1  }
0x17: {  	v10 =	vadd.s32 $0x7, v1;
	v11 =	vadd.s32 $0x8, v1;
	v12 =	vadd.s32 $0x9, v1;
	s7 =	simm.s32 $0x5990;
	s11 =	simm.s32 $0x8190;
	s19 =	simm.s32 $0xA990  }
0x18: {  	v13 =	vadd.s32 $0xA, v1;
	v14 =	vadd.s32 $0xB, v1;
	v15 =	vadd.s32 $0xC, v1;
	s20 =	simm.s32 $0x0;
	s21 =	simm.s32 $0x2;
	[dreg:$0xe] =	wrdreg s0  }
0x19: {  	v16 =	vadd.s32 $0xD, v1;
	v17 =	vadd.s32 $0xE, v1;
	v18 =	vadd.s32 $0xF, v1;
	s22 =	simm.s32 $0x3;
	[dreg:$0x10] =	wrdreg s26;
	s0 =	simm.s32 $0x6990  }
.LBB2_1:
0x1a: {  	[dreg:$0x11] =	wrdreg s20  }
0x1b: {  	s1 =	rddreg [dreg:$0xa]  }
0x1c: {  	[tilespmem:s25], [sflag:$0x11] =	stream.linear.gather [hbm4b:s1+s25], $0x200, $0x38;
	[tilespmem:$0xB190] =	vst v63  }
0x1d: {  	_ =	swait.ge [sflag:s28], $0x200  }
0x1e: {  	[sflag:s28] =	ssyncset.done $0x0  }
0x1f: {  	s23 =	simm.s32 $0x2580;
	s24 =	rddreg [dreg:$0xb];
	[sflag:s28] =	ssyncadd.s32 $0xFFFFFE00  }
0x20: {  	[tilespmem:s23], [sflag:$0x11] =	stream.linear.gather [hbm4b:s24+s25], $0x200, $0x38;
	[tilespmem:$0xB190] =	vst v63  }
0x21: {  	_ =	swait.ge [sflag:s28], $0x200  }
0x22: {  	[sflag:s28] =	ssyncset.done $0x0  }
0x23: {  	s24 =	simm.s32 $0x2780;
	s26 =	rddreg [dreg:$0xc];
	[sflag:s28] =	ssyncadd.s32 $0xFFFFFE00  }
0x24: {  	[tilespmem:s24], [sflag:$0x11] =	stream.linear.gather [hbm4b:s26+s25], $0x200, $0x38;
	[tilespmem:$0xB190] =	vst v63  }
0x25: {  	_ =	swait.ge [sflag:s28], $0x200  }
0x26: {  	[sflag:s28] =	ssyncset.done $0x0  }
0x27: {  	[sflag:s28] =	ssyncadd.s32 $0xFFFFFE00  }
0x28: {  	s26 =	simm.s32 $0x2B80;
	s30 =	rddreg [dreg:$0x0]  }
0x29: {  	[tilespmem:s26], [sflag:$0x11] =	stream.linear.gather [hbm4b:s30+s25], $0x80, $0x38;
	[tilespmem:$0xB190] =	vst v63  }
0x2a: {  	_ =	swait.ge [sflag:s28], $0x80  }
0x2b: {  	[sflag:s28] =	ssyncset.done $0x0  }
0x2c: {  	[sflag:s28] =	ssyncadd.s32 $0xFFFFFF80  }
0x2d: {  	v37 =	vld [tilespmem:$0x0];
	_ =	sdelay $0x4  }
0x2e: {  	(v2sf) =	vpush v37, $0x0;
	_ =	sdelay $0x5  }
0x2f: {  	(v2sf) =	vpush v37, $0x1;
	_ =	sdelay $0x8  }
0x30: {  	s1 =	spop (v2sf)  }
0x31: {  	(v2sf) =	vpush v37, $0x2;
	s20 =	sand.u32 $0x7F, s1  }
0x32: {  	s28 =	sshra.s32 s1, $0x1F;
	p0 =	slt.s32 s1, $0x1;
	p1 =	sne.s32 s20, $0x0  }
0x33: {  	s30 =	sshrl.u32 s28, $0x19;
	p0 =	por !p0, !p1  }
0x34: {  	s26 =	simm.s32 $0x1;
	s25 =	sadd.s32 s30, s1;
	p0 =	por !p0, !p0  }
0x35: {  	s25 =	sshrl.u32 s25, $0x7;
	s26 =	simm.s32 @!p0 $0x0  }
0x36: {  	s1 =	spop (v2sf);
	s25 =	ssub.s32 s25, s26  }
0x37: {  	s20 =	sand.u32 $0x7F, s1;
	s28 =	sshra.s32 s1, $0x1F;
	s25 =	sshll.u32 s25, $0x7  }
0x38: {  	(v2sf) =	vpush v37, $0x3;
	p1 =	slt.s32 s1, $0x1;
	p2 =	sne.s32 s20, $0x0;
	s25 =	sand.u32 $0x1FFFFF80, s25  }
0x39: {  	[tilespmem:$0x200] =	vst v2;
	s30 =	sshrl.u32 s28, $0x19;
	p0 =	por !p1, !p2;
	s25 =	sadd.s32 s2, s25  }
0x3a: {  	v19 =	vld [tilespmem:$0x2B80];
	[tilespmem:s29], [sflag:$0x1] =	stream.strided.gather [hbm4b:s25+s16], $0x800, s17, s16, $0x38  }
0x3b: {  	s26 =	simm.s32 $0x1;
	p0 =	por !p0, !p0;
	s25 =	sadd.s32 s30, s1  }
0x3c: {  	s26 =	simm.s32 @!p0 $0x0;
	s25 =	sshrl.u32 s25, $0x7  }
0x3d: {  	s25 =	ssub.s32 s25, s26  }
0x3e: {  	s25 =	sshll.u32 s25, $0x7  }
0x3f: {  	s25 =	sand.u32 $0x1FFFFF80, s25  }
0x40: {  	s25 =	sadd.s32 s2, s25;
	s1 =	spop (v2sf)  }
0x41: {  	[tilespmem:s14], [sflag:$0x2] =	stream.strided.gather [hbm4b:s25+s16], $0x800, s17, s16, $0x38;
	[tilespmem:$0xB190] =	vst v63  }
0x42: {  	(v2sf) =	vpush v37, $0x4;
	s14 =	sand.u32 $0x7F, s1  }
0x43: {  	s28 =	sshra.s32 s1, $0x1F;
	p3 =	slt.s32 s1, $0x1;
	p4 =	sne.s32 s14, $0x0  }
0x44: {  	s20 =	sshrl.u32 s28, $0x19;
	p0 =	por !p3, !p4  }
0x45: {  	s26 =	simm.s32 $0x1;
	s25 =	sadd.s32 s20, s1;
	p0 =	por !p0, !p0  }
0x46: {  	s25 =	sshrl.u32 s25, $0x7;
	s26 =	simm.s32 @!p0 $0x0  }
0x47: {  	s30 =	spop (v2sf);
	s25 =	ssub.s32 s25, s26  }
0x48: {  	s1 =	sand.u32 $0x7F, s30;
	s28 =	sshra.s32 s30, $0x1F;
	s25 =	sshll.u32 s25, $0x7  }
0x49: {  	p5 =	slt.s32 s30, $0x1;
	p6 =	sne.s32 s1, $0x0;
	s25 =	sand.u32 $0x1FFFFF80, s25  }
0x4a: {  	(v2sf) =	vpush v37, $0x5;
	s14 =	sshrl.u32 s28, $0x19;
	p0 =	por !p5, !p6;
	s25 =	sadd.s32 s2, s25  }
0x4b: {  	[tilespmem:s15], [sflag:$0x3] =	stream.strided.gather [hbm4b:s25+s16], $0x800, s17, s16, $0x38;
	[tilespmem:$0xB190] =	vst v63  }
0x4c: {  	s26 =	simm.s32 $0x1;
	p0 =	por !p0, !p0;
	s25 =	sadd.s32 s14, s30  }
0x4d: {  	s26 =	simm.s32 @!p0 $0x0;
	s25 =	sshrl.u32 s25, $0x7  }
0x4e: {  	s25 =	ssub.s32 s25, s26  }
0x4f: {  	s25 =	sshll.u32 s25, $0x7  }
0x50: {  	s25 =	sand.u32 $0x1FFFFF80, s25  }
0x51: {  	s25 =	sadd.s32 s2, s25;
	s15 =	spop (v2sf)  }
0x52: {  	[tilespmem:s5], [sflag:$0x4] =	stream.strided.gather [hbm4b:s25+s16], $0x800, s17, s16, $0x38;
	[tilespmem:$0xB190] =	vst v63  }
0x53: {  	s20 =	sand.u32 $0x7F, s15  }
0x54: {  	s28 =	sshra.s32 s15, $0x1F;
	p1 =	slt.s32 s15, $0x1;
	p2 =	sne.s32 s20, $0x0  }
0x55: {  	s30 =	sshrl.u32 s28, $0x19;
	p0 =	por !p1, !p2  }
0x56: {  	s26 =	simm.s32 $0x1;
	(v2sf) =	vpush v37, $0x6;
	s25 =	sadd.s32 s30, s15;
	p0 =	por !p0, !p0  }
0x57: {  	s25 =	sshrl.u32 s25, $0x7;
	s26 =	simm.s32 @!p0 $0x0  }
0x58: {  	s25 =	ssub.s32 s25, s26  }
0x59: {  	s1 =	spop (v2sf);
	s25 =	sshll.u32 s25, $0x7  }
0x5a: {  	s5 =	sand.u32 $0x7F, s1;
	s28 =	sshra.s32 s1, $0x1F;
	s25 =	sand.u32 $0x1FFFFF80, s25  }
0x5b: {  	p3 =	slt.s32 s1, $0x1;
	p4 =	sne.s32 s5, $0x0;
	s25 =	sadd.s32 s2, s25  }
0x5c: {  	(v2sf) =	vpush v37, $0x7;
	[tilespmem:s6], [sflag:$0x5] =	stream.strided.gather [hbm4b:s25+s16], $0x800, s17, s16, $0x38;
	[tilespmem:$0xB190] =	vst v63  }
0x5d: {  	p0 =	por !p3, !p4;
	s6 =	sshrl.u32 s28, $0x19  }
0x5e: {  	s26 =	simm.s32 $0x1;
	p0 =	por !p0, !p0;
	s25 =	sadd.s32 s6, s1  }
0x5f: {  	s26 =	simm.s32 @!p0 $0x0;
	s25 =	sshrl.u32 s25, $0x7  }
0x60: {  	s25 =	ssub.s32 s25, s26  }
0x61: {  	s25 =	sshll.u32 s25, $0x7  }
0x62: {  	s25 =	sand.u32 $0x1FFFFF80, s25  }
0x63: {  	s25 =	sadd.s32 s2, s25  }
0x64: {  	[tilespmem:s7], [sflag:$0x6] =	stream.strided.gather [hbm4b:s25+s16], $0x800, s17, s16, $0x38;
	[tilespmem:$0xB190] =	vst v63  }
0x65: {  	s7 =	spop (v2sf)  }
0x66: {  	(v2sf) =	vpush v37, $0x8;
	s14 =	sand.u32 $0x7F, s7  }
0x67: {  	s28 =	sshra.s32 s7, $0x1F;
	p5 =	slt.s32 s7, $0x1;
	p6 =	sne.s32 s14, $0x0  }
0x68: {  	s15 =	sshrl.u32 s28, $0x19;
	p0 =	por !p5, !p6  }
0x69: {  	s26 =	simm.s32 $0x1;
	s25 =	sadd.s32 s15, s7;
	p0 =	por !p0, !p0  }
0x6a: {  	s25 =	sshrl.u32 s25, $0x7;
	s26 =	simm.s32 @!p0 $0x0  }
0x6b: {  	s20 =	spop (v2sf);
	s25 =	ssub.s32 s25, s26  }
0x6c: {  	s30 =	sand.u32 $0x7F, s20;
	s28 =	sshra.s32 s20, $0x1F;
	s25 =	sshll.u32 s25, $0x7  }
0x6d: {  	p1 =	slt.s32 s20, $0x1;
	p2 =	sne.s32 s30, $0x0;
	s25 =	sand.u32 $0x1FFFFF80, s25  }
0x6e: {  	s1 =	sshrl.u32 s28, $0x19;
	p0 =	por !p1, !p2;
	s25 =	sadd.s32 s2, s25  }
0x6f: {  	(v2sf) =	vpush v37, $0x9;
	[tilespmem:s8], [sflag:$0x7] =	stream.strided.gather [hbm4b:s25+s16], $0x800, s17, s16, $0x38;
	[tilespmem:$0xB190] =	vst v63  }
0x70: {  	p0 =	por !p0, !p0;
	s26 =	simm.s32 $0x1;
	s25 =	sadd.s32 s1, s20  }
0x71: {  	s26 =	simm.s32 @!p0 $0x0;
	s25 =	sshrl.u32 s25, $0x7  }
0x72: {  	s25 =	ssub.s32 s25, s26  }
0x73: {  	s25 =	sshll.u32 s25, $0x7  }
0x74: {  	s25 =	sand.u32 $0x1FFFFF80, s25  }
0x75: {  	s25 =	sadd.s32 s2, s25;
	s5 =	spop (v2sf)  }
0x76: {  	[tilespmem:s0], [sflag:$0x8] =	stream.strided.gather [hbm4b:s25+s16], $0x800, s17, s16, $0x38;
	[tilespmem:$0xB190] =	vst v63  }
0x77: {  	(v2sf) =	vpush v37, $0xA;
	s6 =	sand.u32 $0x7F, s5  }
0x78: {  	s28 =	sshra.s32 s5, $0x1F;
	p3 =	slt.s32 s5, $0x1;
	p4 =	sne.s32 s6, $0x0  }
0x79: {  	s7 =	sshrl.u32 s28, $0x19;
	p0 =	por !p3, !p4  }
0x7a: {  	s26 =	simm.s32 $0x1;
	s25 =	sadd.s32 s7, s5;
	p0 =	por !p0, !p0  }
0x7b: {  	s25 =	sshrl.u32 s25, $0x7;
	s26 =	simm.s32 @!p0 $0x0  }
0x7c: {  	s25 =	ssub.s32 s25, s26  }
0x7d: {  	s25 =	sshll.u32 s25, $0x7  }
0x7e: {  	s8 =	spop (v2sf);
	(v2sf) =	vpush v37, $0xB;
	s25 =	sand.u32 $0x1FFFFF80, s25  }
0x7f: {  	s25 =	sadd.s32 s2, s25  }
0x80: {  	[tilespmem:s9], [sflag:$0x9] =	stream.strided.gather [hbm4b:s25+s16], $0x800, s17, s16, $0x38;
	[tilespmem:$0xB190] =	vst v63  }
0x81: {  	s9 =	sand.u32 $0x7F, s8  }
0x82: {  	s28 =	sshra.s32 s8, $0x1F;
	p5 =	slt.s32 s8, $0x1;
	p6 =	sne.s32 s9, $0x0  }
0x83: {  	s14 =	sshrl.u32 s28, $0x19;
	p0 =	por !p5, !p6  }
0x84: {  	s26 =	simm.s32 $0x1;
	s25 =	sadd.s32 s14, s8;
	p0 =	por !p0, !p0  }
0x85: {  	s25 =	sshrl.u32 s25, $0x7;
	s26 =	simm.s32 @!p0 $0x0  }
0x86: {  	s25 =	ssub.s32 s25, s26;
	s15 =	spop (v2sf)  }
0x87: {  	s25 =	sshll.u32 s25, $0x7;
	s20 =	sand.u32 $0x7F, s15;
	s28 =	sshra.s32 s15, $0x1F  }
0x88: {  	(v2sf) =	vpush v37, $0xC;
	p1 =	slt.s32 s15, $0x1;
	s25 =	sand.u32 $0x1FFFFF80, s25;
	p2 =	sne.s32 s20, $0x0  }
0x89: {  	s30 =	sshrl.u32 s28, $0x19;
	s25 =	sadd.s32 s2, s25;
	p0 =	por !p1, !p2  }
0x8a: {  	[tilespmem:s10], [sflag:$0xA] =	stream.strided.gather [hbm4b:s25+s16], $0x800, s17, s16, $0x38;
	[tilespmem:$0xB190] =	vst v63  }
0x8b: {  	s26 =	simm.s32 $0x1;
	s25 =	sadd.s32 s30, s15;
	p0 =	por !p0, !p0  }
0x8c: {  	s25 =	sshrl.u32 s25, $0x7;
	s26 =	simm.s32 @!p0 $0x0  }
0x8d: {  	s0 =	spop (v2sf);
	s25 =	ssub.s32 s25, s26  }
0x8e: {  	s1 =	sand.u32 $0x7F, s0;
	s28 =	sshra.s32 s0, $0x1F;
	s25 =	sshll.u32 s25, $0x7  }
0x8f: {  	(v2sf) =	vpush v37, $0xD;
	p3 =	slt.s32 s0, $0x1;
	p4 =	sne.s32 s1, $0x0;
	s25 =	sand.u32 $0x1FFFFF80, s25  }
0x90: {  	s5 =	sshrl.u32 s28, $0x19;
	p0 =	por !p3, !p4;
	s25 =	sadd.s32 s2, s25  }
0x91: {  	[tilespmem:s11], [sflag:$0xB] =	stream.strided.gather [hbm4b:s25+s16], $0x800, s17, s16, $0x38;
	[tilespmem:$0xB190] =	vst v63  }
0x92: {  	p0 =	por !p0, !p0;
	s26 =	simm.s32 $0x1;
	s25 =	sadd.s32 s5, s0  }
0x93: {  	s26 =	simm.s32 @!p0 $0x0;
	s25 =	sshrl.u32 s25, $0x7  }
0x94: {  	s25 =	ssub.s32 s25, s26  }
0x95: {  	s25 =	sshll.u32 s25, $0x7  }
0x96: {  	s25 =	sand.u32 $0x1FFFFF80, s25  }
0x97: {  	s25 =	sadd.s32 s2, s25;
	s6 =	spop (v2sf)  }
0x98: {  	[tilespmem:s4], [sflag:$0xC] =	stream.strided.gather [hbm4b:s25+s16], $0x800, s17, s16, $0x38;
	[tilespmem:$0xB190] =	vst v63  }
0x99: {  	(v2sf) =	vpush v37, $0xE;
	s7 =	sand.u32 $0x7F, s6  }
0x9a: {  	s28 =	sshra.s32 s6, $0x1F;
	p5 =	slt.s32 s6, $0x1;
	p6 =	sne.s32 s7, $0x0  }
0x9b: {  	s8 =	sshrl.u32 s28, $0x19;
	p0 =	por !p5, !p6  }
0x9c: {  	s26 =	simm.s32 $0x1;
	s25 =	sadd.s32 s8, s6;
	p0 =	por !p0, !p0  }
0x9d: {  	s25 =	sshrl.u32 s25, $0x7;
	s26 =	simm.s32 @!p0 $0x0  }
0x9e: {  	s9 =	spop (v2sf);
	s25 =	ssub.s32 s25, s26  }
0x9f: {  	s10 =	sand.u32 $0x7F, s9;
	s28 =	sshra.s32 s9, $0x1F;
	s25 =	sshll.u32 s25, $0x7  }
0xa0: {  	p1 =	slt.s32 s9, $0x1;
	p2 =	sne.s32 s10, $0x0;
	s25 =	sand.u32 $0x1FFFFF80, s25  }
0xa1: {  	s11 =	sshrl.u32 s28, $0x19;
	p0 =	por !p1, !p2;
	s25 =	sadd.s32 s2, s25  }
0xa2: {  	[tilespmem:s12], [sflag:$0xD] =	stream.strided.gather [hbm4b:s25+s16], $0x800, s17, s16, $0x38;
	[tilespmem:$0xB190] =	vst v63  }
0xa3: {  	p0 =	por !p0, !p0;
	s26 =	simm.s32 $0x1;
	s25 =	sadd.s32 s11, s9  }
0xa4: {  	s26 =	simm.s32 @!p0 $0x0;
	s25 =	sshrl.u32 s25, $0x7  }
0xa5: {  	(v2sf) =	vpush v37, $0xF;
	s25 =	ssub.s32 s25, s26  }
0xa6: {  	s25 =	sshll.u32 s25, $0x7  }
0xa7: {  	s25 =	sand.u32 $0x1FFFFF80, s25  }
0xa8: {  	s12 =	spop (v2sf);
	s25 =	sadd.s32 s2, s25  }
0xa9: {  	[tilespmem:s13], [sflag:$0xE] =	stream.strided.gather [hbm4b:s25+s16], $0x800, s17, s16, $0x38;
	[tilespmem:$0xB190] =	vst v63  }
0xaa: {  	s14 =	sand.u32 $0x7F, s12  }
0xab: {  	s28 =	sshra.s32 s12, $0x1F;
	p3 =	slt.s32 s12, $0x1;
	p4 =	sne.s32 s14, $0x0  }
0xac: {  	v19 =	vmul.f32 $1.442695020e+00, v19;
	s15 =	sshrl.u32 s28, $0x19;
	p0 =	por !p3, !p4  }
0xad: {  	s26 =	simm.s32 $0x1;
	s25 =	sadd.s32 s15, s12;
	p0 =	por !p0, !p0  }
0xae: {  	(erf) = vpow2.f32 v19;
	s25 =	sshrl.u32 s25, $0x7;
	s26 =	simm.s32 @!p0 $0x0  }
0xaf: {  	s25 =	ssub.s32 s25, s26  }
0xb0: {  	s25 =	sshll.u32 s25, $0x7  }
0xb1: {  	s25 =	sand.u32 $0x1FFFFF80, s25  }
0xb2: {  	s29 =	simm.s32 $0x2980;
	s0 =	simm.s32 $0x7;
	s25 =	sadd.s32 s2, s25  }
0xb3: {  	[tilespmem:s18], [sflag:$0xF] =	stream.strided.gather [hbm4b:s25+s16], $0x800, s17, s16, $0x38;
	[tilespmem:$0xB190] =	vst v63  }
0xb4: {  	s5 =	simm.s32 $0x10;
	s4 =	simm.s32 $0x4;
	s18 =	spop (v2sf)  }
0xb5: {  	s7 =	simm.s32 $0x5990;
	s10 =	simm.s32 $0x8;
	s20 =	sand.u32 $0x7F, s18  }
0xb6: {  	s28 =	sshra.s32 s18, $0x1F;
	p5 =	slt.s32 s18, $0x1;
	p6 =	sne.s32 s20, $0x0  }
0xb7: {  	v19 =	vpop (erf);
	s8 =	simm.s32 $0x6190;
	s30 =	sshrl.u32 s28, $0x19;
	p0 =	por !p5, !p6  }
0xb8: {  	v20 =	vbroadcast v19, $0x0;
	v21 =	vbroadcast v19, $0x1;
	s26 =	simm.s32 $0x1;
	s25 =	sadd.s32 s30, s18;
	p0 =	por !p0, !p0  }
0xb9: {  	v22 =	vbroadcast v19, $0x2;
	v23 =	vbroadcast v19, $0x3;
	s9 =	simm.s32 $0x5;
	s25 =	sshrl.u32 s25, $0x7;
	s26 =	simm.s32 @!p0 $0x0  }
0xba: {  	v24 =	vbroadcast v19, $0x4;
	v25 =	vbroadcast v19, $0x5;
	s11 =	simm.s32 $0x6;
	s13 =	simm.s32 $0xC;
	s25 =	ssub.s32 s25, s26  }
0xbb: {  	v26 =	vbroadcast v19, $0x6;
	v27 =	vbroadcast v19, $0x7;
	s14 =	simm.s32 $0xE;
	s12 =	simm.s32 $0x9;
	s25 =	sshll.u32 s25, $0x7  }
0xbc: {  	v28 =	vbroadcast v19, $0x8;
	v29 =	vbroadcast v19, $0x9;
	s15 =	simm.s32 $0xF;
	s28 =	simm.s32 $0x0;
	s25 =	sand.u32 $0x1FFFFF80, s25  }
0xbd: {  	v30 =	vbroadcast v19, $0xA;
	v31 =	vbroadcast v19, $0xB;
	s20 =	simm.s32 $0xB;
	s18 =	simm.s32 $0xA;
	s25 =	sadd.s32 s2, s25  }
0xbe: {  	v32 =	vbroadcast v19, $0xC;
	v33 =	vbroadcast v19, $0xD;
	[tilespmem:s19], [sflag:$0x10] =	stream.strided.gather [hbm4b:s25+s16], $0x800, s17, s16, $0x38;
	[tilespmem:$0xB190] =	vst v63  }
0xbf: {  	v34 =	vbroadcast v19, $0xE;
	v35 =	vbroadcast v19, $0xF;
	v19 =	vimm.f32 $0.0e+00;
	s26 =	simm.s32 $0x10;
	s25 =	simm.s32 $0xFF;
	s19 =	simm.s32 $0xD  }
.LBB2_2:
0xc0: {  	v36 =	vld [tilespmem:s26+$0x0];
	_ =	sdelay $0x3  }
0xc1: {  	_ =	swait.ge [sflag:s31], $0x800  }
0xc2: {  	(v2sf) =	vpush v36, $0x0;
	_ =	sdelay $0xa  }
0xc3: {  	v37 =	vand.u32 $0x7F, v37  }
0xc4: {  	v38 =	vbroadcast v37, $0x0;
	_ =	sdelay $0x1  }
0xc5: {  	v38 =	vor.u32 v3, v38  }
0xc6: {  	[sflag:s31] =	ssyncset.done $0x0;
	s30 =	spop (v2sf)  }
0xc7: {  	s6 =	simm.s32 $0x3190;
	[sflag:s31] =	ssyncadd.s32 $0xFFFFF800;
	s31 =	sand.u32 $0x7F, s30  }
0xc8: {  	s1 =	sshra.s32 s30, $0x1F;
	p0 =	slt.s32 s30, $0x1;
	p1 =	sne.s32 s31, $0x0  }
0xc9: {  	s31 =	sadd.s32 $0xFFFFFF01, s25;
	s1 =	sshrl.u32 s1, $0x19;
	p0 =	por !p0, !p1  }
0xca: {  	v38 =	vld.idx.msk [tilespmem:v38+s6+$0x0], $0xffff;
	v39 =	vor.u32 s31, v0;
	s1 =	sadd.s32 s1, s30;
	s30 =	simm.s32 $0x1;
	p0 =	por !p0, !p0  }
0xcb: {  	s1 =	sshrl.u32 s1, $0x7;
	s30 =	simm.s32 @!p0 $0x0  }
0xcc: {  	s1 =	ssub.s32 s1, s30  }
0xcd: {  	s1 =	sshll.u32 s1, $0x7  }
0xce: {  	s1 =	sand.u32 $0x1FFFFF80, s1  }
0xcf: {  	[tilespmem:v39+s3+$0x0] =	vst.idx.msk $0xffff, v38;
	s1 =	sadd.s32 s2, s1  }
0xd0: {  	[tilespmem:s6], [sflag:$0x1] =	stream.strided.gather [hbm4b:s1+s16], $0x800, s17, s16, $0x38;
	[tilespmem:$0xB190] =	vst v63  }
0xd1: {  	_ =	swait.ge [sflag:s21], $0x800  }
0xd2: {  	(v2sf) =	vpush v36, $0x1;
	_ =	sdelay $0xb  }
0xd3: {  	v50 =	vbroadcast v37, $0x1;
	_ =	sdelay $0x1  }
0xd4: {  	v38 =	vor.u32 v3, v50  }
0xd5: {  	[sflag:s21] =	ssyncset.done $0x0;
	s1 =	spop (v2sf)  }
0xd6: {  	s30 =	sadd.s32 $0xFFFFFF12, s25;
	[sflag:s21] =	ssyncadd.s32 $0xFFFFF800;
	s6 =	sand.u32 $0x7F, s1  }
0xd7: {  	s31 =	sshra.s32 s1, $0x1F;
	p1 =	slt.s32 s1, $0x1;
	p2 =	sne.s32 s6, $0x0  }
0xd8: {  	s31 =	sshrl.u32 s31, $0x19;
	s6 =	simm.s32 $0x3990;
	p0 =	por !p1, !p2  }
0xd9: {  	v51 =	vadd.s32 s30, v0;
	s30 =	simm.s32 $0x1;
	v38 =	vld.idx.msk [tilespmem:v38+s6+$0x0], $0xffff;
	s1 =	sadd.s32 s31, s1;
	p0 =	por !p0, !p0  }
0xda: {  	s1 =	sshrl.u32 s1, $0x7;
	s30 =	simm.s32 @!p0 $0x0  }
0xdb: {  	s1 =	ssub.s32 s1, s30  }
0xdc: {  	s1 =	sshll.u32 s1, $0x7  }
0xdd: {  	s1 =	sand.u32 $0x1FFFFF80, s1  }
0xde: {  	[tilespmem:v51+s3+$0x0] =	vst.idx.msk $0xffff, v38;
	s1 =	sadd.s32 s2, s1  }
0xdf: {  	[tilespmem:s6], [sflag:$0x2] =	stream.strided.gather [hbm4b:s1+s16], $0x800, s17, s16, $0x38;
	[tilespmem:$0xB190] =	vst v63  }
0xe0: {  	_ =	swait.ge [sflag:s22], $0x800  }
0xe1: {  	(v2sf) =	vpush v36, $0x2;
	_ =	sdelay $0xb  }
0xe2: {  	v52 =	vbroadcast v37, $0x2;
	_ =	sdelay $0x1  }
0xe3: {  	v38 =	vor.u32 v3, v52  }
0xe4: {  	[sflag:s22] =	ssyncset.done $0x0;
	s1 =	spop (v2sf)  }
0xe5: {  	s30 =	sadd.s32 $0xFFFFFF23, s25;
	[sflag:s22] =	ssyncadd.s32 $0xFFFFF800;
	s6 =	sand.u32 $0x7F, s1  }
0xe6: {  	s31 =	sshra.s32 s1, $0x1F;
	p3 =	slt.s32 s1, $0x1;
	p4 =	sne.s32 s6, $0x0  }
0xe7: {  	s31 =	sshrl.u32 s31, $0x19;
	s6 =	simm.s32 $0x4190;
	p0 =	por !p3, !p4  }
0xe8: {  	v53 =	vadd.s32 s30, v0;
	s30 =	simm.s32 $0x1;
	v38 =	vld.idx.msk [tilespmem:v38+s6+$0x0], $0xffff;
	s1 =	sadd.s32 s31, s1;
	p0 =	por !p0, !p0  }
0xe9: {  	s1 =	sshrl.u32 s1, $0x7;
	s30 =	simm.s32 @!p0 $0x0  }
0xea: {  	s1 =	ssub.s32 s1, s30  }
0xeb: {  	s1 =	sshll.u32 s1, $0x7  }
0xec: {  	s1 =	sand.u32 $0x1FFFFF80, s1  }
0xed: {  	[tilespmem:v53+s3+$0x0] =	vst.idx.msk $0xffff, v38;
	s1 =	sadd.s32 s2, s1  }
0xee: {  	[tilespmem:s6], [sflag:$0x3] =	stream.strided.gather [hbm4b:s1+s16], $0x800, s17, s16, $0x38;
	[tilespmem:$0xB190] =	vst v63  }
0xef: {  	_ =	swait.ge [sflag:s4], $0x800  }
0xf0: {  	(v2sf) =	vpush v36, $0x3;
	_ =	sdelay $0xb  }
0xf1: {  	v54 =	vbroadcast v37, $0x3;
	_ =	sdelay $0x1  }
0xf2: {  	v38 =	vor.u32 v3, v54  }
0xf3: {  	[sflag:s4] =	ssyncset.done $0x0;
	s1 =	spop (v2sf)  }
0xf4: {  	s30 =	sadd.s32 $0xFFFFFF34, s25;
	[sflag:s4] =	ssyncadd.s32 $0xFFFFF800;
	s6 =	sand.u32 $0x7F, s1  }
0xf5: {  	s31 =	sshra.s32 s1, $0x1F;
	p5 =	slt.s32 s1, $0x1;
	p6 =	sne.s32 s6, $0x0  }
0xf6: {  	s31 =	sshrl.u32 s31, $0x19;
	s6 =	simm.s32 $0x4990;
	p0 =	por !p5, !p6  }
0xf7: {  	v55 =	vadd.s32 s30, v0;
	s30 =	simm.s32 $0x1;
	v38 =	vld.idx.msk [tilespmem:v38+s6+$0x0], $0xffff;
	s1 =	sadd.s32 s31, s1;
	p0 =	por !p0, !p0  }
0xf8: {  	s1 =	sshrl.u32 s1, $0x7;
	s30 =	simm.s32 @!p0 $0x0  }
0xf9: {  	s1 =	ssub.s32 s1, s30  }
0xfa: {  	s1 =	sshll.u32 s1, $0x7  }
0xfb: {  	s1 =	sand.u32 $0x1FFFFF80, s1  }
0xfc: {  	[tilespmem:v55+s3+$0x0] =	vst.idx.msk $0xffff, v38;
	s1 =	sadd.s32 s2, s1  }
0xfd: {  	[tilespmem:s6], [sflag:$0x4] =	stream.strided.gather [hbm4b:s1+s16], $0x800, s17, s16, $0x38;
	[tilespmem:$0xB190] =	vst v63  }
0xfe: {  	_ =	swait.ge [sflag:s9], $0x800  }
0xff: {  	(v2sf) =	vpush v36, $0x4;
	_ =	sdelay $0xb  }
0x100: {  	v56 =	vbroadcast v37, $0x4;
	_ =	sdelay $0x1  }
0x101: {  	v38 =	vor.u32 v3, v56  }
0x102: {  	[sflag:s9] =	ssyncset.done $0x0;
	s1 =	spop (v2sf)  }
0x103: {  	s30 =	sadd.s32 $0xFFFFFF45, s25;
	[sflag:s9] =	ssyncadd.s32 $0xFFFFF800;
	s6 =	sand.u32 $0x7F, s1  }
0x104: {  	s31 =	sshra.s32 s1, $0x1F;
	p1 =	slt.s32 s1, $0x1;
	p2 =	sne.s32 s6, $0x0  }
0x105: {  	s31 =	sshrl.u32 s31, $0x19;
	s6 =	simm.s32 $0x5190;
	p0 =	por !p1, !p2  }
0x106: {  	v57 =	vadd.s32 s30, v0;
	s30 =	simm.s32 $0x1;
	v38 =	vld.idx.msk [tilespmem:v38+s6+$0x0], $0xffff;
	s1 =	sadd.s32 s31, s1;
	p0 =	por !p0, !p0  }
0x107: {  	s1 =	sshrl.u32 s1, $0x7;
	s30 =	simm.s32 @!p0 $0x0  }
0x108: {  	s1 =	ssub.s32 s1, s30  }
0x109: {  	s1 =	sshll.u32 s1, $0x7  }
0x10a: {  	s1 =	sand.u32 $0x1FFFFF80, s1  }
0x10b: {  	[tilespmem:v57+s3+$0x0] =	vst.idx.msk $0xffff, v38;
	s1 =	sadd.s32 s2, s1  }
0x10c: {  	[tilespmem:s6], [sflag:$0x5] =	stream.strided.gather [hbm4b:s1+s16], $0x800, s17, s16, $0x38;
	[tilespmem:$0xB190] =	vst v63  }
0x10d: {  	_ =	swait.ge [sflag:s11], $0x800  }
0x10e: {  	(v2sf) =	vpush v36, $0x5;
	_ =	sdelay $0xb  }
0x10f: {  	v58 =	vbroadcast v37, $0x5;
	_ =	sdelay $0x1  }
0x110: {  	v38 =	vor.u32 v3, v58  }
0x111: {  	[sflag:s11] =	ssyncset.done $0x0;
	s1 =	spop (v2sf)  }
0x112: {  	[sflag:s11] =	ssyncadd.s32 $0xFFFFF800;
	s6 =	sand.u32 $0x7F, s1  }
0x113: {  	s31 =	sshra.s32 s1, $0x1F;
	p3 =	slt.s32 s1, $0x1;
	p4 =	sne.s32 s6, $0x0  }
0x114: {  	s6 =	sadd.s32 $0xFFFFFF56, s25;
	s31 =	sshrl.u32 s31, $0x19;
	p0 =	por !p3, !p4  }
0x115: {  	s30 =	simm.s32 $0x1;
	v38 =	vld.idx.msk [tilespmem:v38+s7+$0x0], $0xffff;
	v59 =	vadd.s32 s6, v0;
	s1 =	sadd.s32 s31, s1;
	p0 =	por !p0, !p0  }
0x116: {  	s1 =	sshrl.u32 s1, $0x7;
	s30 =	simm.s32 @!p0 $0x0  }
0x117: {  	s1 =	ssub.s32 s1, s30  }
0x118: {  	s1 =	sshll.u32 s1, $0x7  }
0x119: {  	s1 =	sand.u32 $0x1FFFFF80, s1  }
0x11a: {  	[tilespmem:v59+s3+$0x0] =	vst.idx.msk $0xffff, v38;
	s1 =	sadd.s32 s2, s1  }
0x11b: {  	[tilespmem:s7], [sflag:$0x6] =	stream.strided.gather [hbm4b:s1+s16], $0x800, s17, s16, $0x38;
	[tilespmem:$0xB190] =	vst v63  }
0x11c: {  	_ =	swait.ge [sflag:s0], $0x800  }
0x11d: {  	(v2sf) =	vpush v36, $0x6;
	_ =	sdelay $0xb  }
0x11e: {  	v60 =	vbroadcast v37, $0x6;
	_ =	sdelay $0x1  }
0x11f: {  	v38 =	vor.u32 v3, v60  }
0x120: {  	[sflag:s0] =	ssyncset.done $0x0;
	s1 =	spop (v2sf)  }
0x121: {  	[sflag:s0] =	ssyncadd.s32 $0xFFFFF800;
	s6 =	sand.u32 $0x7F, s1  }
0x122: {  	s31 =	sshra.s32 s1, $0x1F;
	p5 =	slt.s32 s1, $0x1;
	p6 =	sne.s32 s6, $0x0  }
0x123: {  	s6 =	sadd.s32 $0xFFFFFF67, s25;
	s31 =	sshrl.u32 s31, $0x19;
	p0 =	por !p5, !p6  }
0x124: {  	s30 =	simm.s32 $0x1;
	v38 =	vld.idx.msk [tilespmem:v38+s8+$0x0], $0xffff;
	v61 =	vadd.s32 s6, v0;
	s1 =	sadd.s32 s31, s1;
	p0 =	por !p0, !p0  }
0x125: {  	s1 =	sshrl.u32 s1, $0x7;
	s30 =	simm.s32 @!p0 $0x0  }
0x126: {  	s1 =	ssub.s32 s1, s30  }
0x127: {  	s1 =	sshll.u32 s1, $0x7  }
0x128: {  	s1 =	sand.u32 $0x1FFFFF80, s1  }
0x129: {  	[tilespmem:v61+s3+$0x0] =	vst.idx.msk $0xffff, v38;
	s1 =	sadd.s32 s2, s1  }
0x12a: {  	[tilespmem:s8], [sflag:$0x7] =	stream.strided.gather [hbm4b:s1+s16], $0x800, s17, s16, $0x38;
	[tilespmem:$0xB190] =	vst v63  }
0x12b: {  	_ =	swait.ge [sflag:s10], $0x800  }
0x12c: {  	(v2sf) =	vpush v36, $0x7;
	_ =	sdelay $0xb  }
0x12d: {  	v62 =	vbroadcast v37, $0x7;
	_ =	sdelay $0x1  }
0x12e: {  	v38 =	vor.u32 v3, v62  }
0x12f: {  	[sflag:s10] =	ssyncset.done $0x0;
	s1 =	spop (v2sf)  }
0x130: {  	s30 =	sadd.s32 $0xFFFFFF78, s25;
	[sflag:s10] =	ssyncadd.s32 $0xFFFFF800;
	s6 =	sand.u32 $0x7F, s1  }
0x131: {  	s31 =	sshra.s32 s1, $0x1F;
	p1 =	slt.s32 s1, $0x1;
	p2 =	sne.s32 s6, $0x0  }
0x132: {  	s31 =	sshrl.u32 s31, $0x19;
	s6 =	simm.s32 $0x6990;
	p0 =	por !p1, !p2  }
0x133: {  	v63 =	vadd.s32 s30, v0;
	s30 =	simm.s32 $0x1;
	v38 =	vld.idx.msk [tilespmem:v38+s6+$0x0], $0xffff;
	s1 =	sadd.s32 s31, s1;
	p0 =	por !p0, !p0  }
0x134: {  	s1 =	sshrl.u32 s1, $0x7;
	s30 =	simm.s32 @!p0 $0x0  }
0x135: {  	s1 =	ssub.s32 s1, s30  }
0x136: {  	s1 =	sshll.u32 s1, $0x7  }
0x137: {  	s1 =	sand.u32 $0x1FFFFF80, s1  }
0x138: {  	[tilespmem:v63+s3+$0x0] =	vst.idx.msk $0xffff, v38;
	s1 =	sadd.s32 s2, s1  }
0x139: {  	[tilespmem:s6], [sflag:$0x8] =	stream.strided.gather [hbm4b:s1+s16], $0x800, s17, s16, $0x38;
	[tilespmem:$0xB190] =	vst v63  }
0x13a: {  	_ =	swait.ge [sflag:s12], $0x800  }
0x13b: {  	(v2sf) =	vpush v36, $0x8;
	_ =	sdelay $0xb  }
0x13c: {  	v41 =	vbroadcast v37, $0x8;
	_ =	sdelay $0x1  }
0x13d: {  	v38 =	vor.u32 v3, v41  }
0x13e: {  	[sflag:s12] =	ssyncset.done $0x0;
	s1 =	spop (v2sf)  }
0x13f: {  	s30 =	sadd.s32 $0xFFFFFF89, s25;
	[sflag:s12] =	ssyncadd.s32 $0xFFFFF800;
	s6 =	sand.u32 $0x7F, s1  }
0x140: {  	s31 =	sshra.s32 s1, $0x1F;
	p3 =	slt.s32 s1, $0x1;
	p4 =	sne.s32 s6, $0x0  }
0x141: {  	s31 =	sshrl.u32 s31, $0x19;
	s6 =	simm.s32 $0x7190;
	p0 =	por !p3, !p4  }
0x142: {  	v42 =	vadd.s32 s30, v0;
	s30 =	simm.s32 $0x1;
	v38 =	vld.idx.msk [tilespmem:v38+s6+$0x0], $0xffff;
	s1 =	sadd.s32 s31, s1;
	p0 =	por !p0, !p0  }
0x143: {  	s1 =	sshrl.u32 s1, $0x7;
	s30 =	simm.s32 @!p0 $0x0  }
0x144: {  	s1 =	ssub.s32 s1, s30  }
0x145: {  	s1 =	sshll.u32 s1, $0x7  }
0x146: {  	s1 =	sand.u32 $0x1FFFFF80, s1  }
0x147: {  	[tilespmem:v42+s3+$0x0] =	vst.idx.msk $0xffff, v38;
	s1 =	sadd.s32 s2, s1  }
0x148: {  	[tilespmem:s6], [sflag:$0x9] =	stream.strided.gather [hbm4b:s1+s16], $0x800, s17, s16, $0x38;
	[tilespmem:$0xB190] =	vst v63  }
0x149: {  	_ =	swait.ge [sflag:s18], $0x800  }
0x14a: {  	(v2sf) =	vpush v36, $0x9;
	_ =	sdelay $0xb  }
0x14b: {  	v43 =	vbroadcast v37, $0x9;
	_ =	sdelay $0x1  }
0x14c: {  	v38 =	vor.u32 v3, v43  }
0x14d: {  	[sflag:s18] =	ssyncset.done $0x0;
	s1 =	spop (v2sf)  }
0x14e: {  	s30 =	sadd.s32 $0xFFFFFF9A, s25;
	[sflag:s18] =	ssyncadd.s32 $0xFFFFF800;
	s6 =	sand.u32 $0x7F, s1  }
0x14f: {  	s31 =	sshra.s32 s1, $0x1F;
	p5 =	slt.s32 s1, $0x1;
	p6 =	sne.s32 s6, $0x0  }
0x150: {  	s31 =	sshrl.u32 s31, $0x19;
	s6 =	simm.s32 $0x7990;
	p0 =	por !p5, !p6  }
0x151: {  	v44 =	vadd.s32 s30, v0;
	s30 =	simm.s32 $0x1;
	v38 =	vld.idx.msk [tilespmem:v38+s6+$0x0], $0xffff;
	s1 =	sadd.s32 s31, s1;
	p0 =	por !p0, !p0  }
0x152: {  	s1 =	sshrl.u32 s1, $0x7;
	s30 =	simm.s32 @!p0 $0x0  }
0x153: {  	s1 =	ssub.s32 s1, s30  }
0x154: {  	s1 =	sshll.u32 s1, $0x7  }
0x155: {  	s1 =	sand.u32 $0x1FFFFF80, s1  }
0x156: {  	[tilespmem:v44+s3+$0x0] =	vst.idx.msk $0xffff, v38;
	s1 =	sadd.s32 s2, s1  }
0x157: {  	[tilespmem:s6], [sflag:$0xA] =	stream.strided.gather [hbm4b:s1+s16], $0x800, s17, s16, $0x38;
	[tilespmem:$0xB190] =	vst v63  }
0x158: {  	_ =	swait.ge [sflag:s20], $0x800  }
0x159: {  	(v2sf) =	vpush v36, $0xA;
	_ =	sdelay $0xb  }
0x15a: {  	v45 =	vbroadcast v37, $0xA;
	_ =	sdelay $0x1  }
0x15b: {  	v38 =	vor.u32 v3, v45  }
0x15c: {  	[sflag:s20] =	ssyncset.done $0x0;
	s1 =	spop (v2sf)  }
0x15d: {  	s30 =	sadd.s32 $0xFFFFFFAB, s25;
	[sflag:s20] =	ssyncadd.s32 $0xFFFFF800;
	s6 =	sand.u32 $0x7F, s1  }
0x15e: {  	s31 =	sshra.s32 s1, $0x1F;
	p1 =	slt.s32 s1, $0x1;
	p2 =	sne.s32 s6, $0x0  }
0x15f: {  	s31 =	sshrl.u32 s31, $0x19;
	s6 =	simm.s32 $0x8190;
	p0 =	por !p1, !p2  }
0x160: {  	v46 =	vadd.s32 s30, v0;
	s30 =	simm.s32 $0x1;
	v38 =	vld.idx.msk [tilespmem:v38+s6+$0x0], $0xffff;
	s1 =	sadd.s32 s31, s1;
	p0 =	por !p0, !p0  }
0x161: {  	s1 =	sshrl.u32 s1, $0x7;
	s30 =	simm.s32 @!p0 $0x0  }
0x162: {  	s1 =	ssub.s32 s1, s30  }
0x163: {  	s1 =	sshll.u32 s1, $0x7  }
0x164: {  	s1 =	sand.u32 $0x1FFFFF80, s1  }
0x165: {  	[tilespmem:v46+s3+$0x0] =	vst.idx.msk $0xffff, v38;
	s1 =	sadd.s32 s2, s1  }
0x166: {  	[tilespmem:s6], [sflag:$0xB] =	stream.strided.gather [hbm4b:s1+s16], $0x800, s17, s16, $0x38;
	[tilespmem:$0xB190] =	vst v63  }
0x167: {  	_ =	swait.ge [sflag:s13], $0x800  }
0x168: {  	(v2sf) =	vpush v36, $0xB;
	_ =	sdelay $0xb  }
0x169: {  	v47 =	vbroadcast v37, $0xB;
	_ =	sdelay $0x1  }
0x16a: {  	v38 =	vor.u32 v3, v47  }
0x16b: {  	[sflag:s13] =	ssyncset.done $0x0;
	s1 =	spop (v2sf)  }
0x16c: {  	s30 =	sadd.s32 $0xFFFFFFBC, s25;
	[sflag:s13] =	ssyncadd.s32 $0xFFFFF800;
	s6 =	sand.u32 $0x7F, s1  }
0x16d: {  	s31 =	sshra.s32 s1, $0x1F;
	p3 =	slt.s32 s1, $0x1;
	p4 =	sne.s32 s6, $0x0  }
0x16e: {  	s31 =	sshrl.u32 s31, $0x19;
	s6 =	simm.s32 $0x8990;
	p0 =	por !p3, !p4  }
0x16f: {  	v48 =	vadd.s32 s30, v0;
	s30 =	simm.s32 $0x1;
	v38 =	vld.idx.msk [tilespmem:v38+s6+$0x0], $0xffff;
	s1 =	sadd.s32 s31, s1;
	p0 =	por !p0, !p0  }
0x170: {  	s1 =	sshrl.u32 s1, $0x7;
	s30 =	simm.s32 @!p0 $0x0  }
0x171: {  	s1 =	ssub.s32 s1, s30  }
0x172: {  	s1 =	sshll.u32 s1, $0x7  }
0x173: {  	s1 =	sand.u32 $0x1FFFFF80, s1  }
0x174: {  	[tilespmem:v48+s3+$0x0] =	vst.idx.msk $0xffff, v38;
	s1 =	sadd.s32 s2, s1  }
0x175: {  	[tilespmem:s6], [sflag:$0xC] =	stream.strided.gather [hbm4b:s1+s16], $0x800, s17, s16, $0x38;
	[tilespmem:$0xB190] =	vst v63  }
0x176: {  	_ =	swait.ge [sflag:s19], $0x800  }
0x177: {  	(v2sf) =	vpush v36, $0xC;
	_ =	sdelay $0xb  }
0x178: {  	v49 =	vbroadcast v37, $0xC;
	_ =	sdelay $0x1  }
0x179: {  	v38 =	vor.u32 v3, v49  }
0x17a: {  	[sflag:s19] =	ssyncset.done $0x0;
	s1 =	spop (v2sf)  }
0x17b: {  	s30 =	sadd.s32 $0xFFFFFFCD, s25;
	[sflag:s19] =	ssyncadd.s32 $0xFFFFF800;
	s6 =	sand.u32 $0x7F, s1  }
0x17c: {  	s31 =	sshra.s32 s1, $0x1F;
	p5 =	slt.s32 s1, $0x1;
	p6 =	sne.s32 s6, $0x0  }
0x17d: {  	s31 =	sshrl.u32 s31, $0x19;
	s6 =	simm.s32 $0x9190;
	p0 =	por !p5, !p6  }
0x17e: {  	v50 =	vadd.s32 s30, v0;
	s30 =	simm.s32 $0x1;
	v38 =	vld.idx.msk [tilespmem:v38+s6+$0x0], $0xffff;
	s1 =	sadd.s32 s31, s1;
	p0 =	por !p0, !p0  }
0x17f: {  	s1 =	sshrl.u32 s1, $0x7;
	s30 =	simm.s32 @!p0 $0x0  }
0x180: {  	s1 =	ssub.s32 s1, s30  }
0x181: {  	s1 =	sshll.u32 s1, $0x7  }
0x182: {  	s1 =	sand.u32 $0x1FFFFF80, s1  }
0x183: {  	[tilespmem:v50+s3+$0x0] =	vst.idx.msk $0xffff, v38;
	s1 =	sadd.s32 s2, s1  }
0x184: {  	[tilespmem:s6], [sflag:$0xD] =	stream.strided.gather [hbm4b:s1+s16], $0x800, s17, s16, $0x38;
	[tilespmem:$0xB190] =	vst v63  }
0x185: {  	_ =	swait.ge [sflag:s14], $0x800  }
0x186: {  	(v2sf) =	vpush v36, $0xD;
	_ =	sdelay $0xb  }
0x187: {  	v51 =	vbroadcast v37, $0xD;
	_ =	sdelay $0x1  }
0x188: {  	v38 =	vor.u32 v3, v51  }
0x189: {  	[sflag:s14] =	ssyncset.done $0x0;
	s1 =	spop (v2sf)  }
0x18a: {  	s30 =	sadd.s32 $0xFFFFFFDE, s25;
	[sflag:s14] =	ssyncadd.s32 $0xFFFFF800;
	s6 =	sand.u32 $0x7F, s1  }
0x18b: {  	s31 =	sshra.s32 s1, $0x1F;
	p1 =	slt.s32 s1, $0x1;
	p2 =	sne.s32 s6, $0x0  }
0x18c: {  	s31 =	sshrl.u32 s31, $0x19;
	s6 =	simm.s32 $0x9990;
	p0 =	por !p1, !p2  }
0x18d: {  	v52 =	vadd.s32 s30, v0;
	s30 =	simm.s32 $0x1;
	v38 =	vld.idx.msk [tilespmem:v38+s6+$0x0], $0xffff;
	s1 =	sadd.s32 s31, s1;
	p0 =	por !p0, !p0  }
0x18e: {  	s1 =	sshrl.u32 s1, $0x7;
	s30 =	simm.s32 @!p0 $0x0  }
0x18f: {  	s1 =	ssub.s32 s1, s30  }
0x190: {  	s1 =	sshll.u32 s1, $0x7  }
0x191: {  	s1 =	sand.u32 $0x1FFFFF80, s1  }
0x192: {  	[tilespmem:v52+s3+$0x0] =	vst.idx.msk $0xffff, v38;
	s1 =	sadd.s32 s2, s1  }
0x193: {  	[tilespmem:s6], [sflag:$0xE] =	stream.strided.gather [hbm4b:s1+s16], $0x800, s17, s16, $0x38;
	[tilespmem:$0xB190] =	vst v63  }
0x194: {  	_ =	swait.ge [sflag:s15], $0x800  }
0x195: {  	(v2sf) =	vpush v36, $0xE;
	_ =	sdelay $0xb  }
0x196: {  	v53 =	vbroadcast v37, $0xE;
	_ =	sdelay $0x1  }
0x197: {  	v38 =	vor.u32 v3, v53  }
0x198: {  	[sflag:s15] =	ssyncset.done $0x0;
	s1 =	spop (v2sf)  }
0x199: {  	[sflag:s15] =	ssyncadd.s32 $0xFFFFF800;
	s6 =	sand.u32 $0x7F, s1;
	s31 =	sshra.s32 s1, $0x1F  }
0x19a: {  	p3 =	slt.s32 s1, $0x1;
	p4 =	sne.s32 s6, $0x0;
	s6 =	sadd.s32 $0xFFFFFFEF, s25  }
0x19b: {  	s31 =	sshrl.u32 s31, $0x19;
	p0 =	por !p3, !p4;
	v54 =	vadd.s32 s6, v0;
	s6 =	simm.s32 $0xA190  }
0x19c: {  	s30 =	simm.s32 $0x1;
	s1 =	sadd.s32 s31, s1;
	v38 =	vld.idx.msk [tilespmem:v38+s6+$0x0], $0xffff;
	p0 =	por !p0, !p0  }
0x19d: {  	s1 =	sshrl.u32 s1, $0x7;
	s30 =	simm.s32 @!p0 $0x0  }
0x19e: {  	s1 =	ssub.s32 s1, s30  }
0x19f: {  	s1 =	sshll.u32 s1, $0x7  }
0x1a0: {  	s1 =	sand.u32 $0x1FFFFF80, s1  }
0x1a1: {  	[tilespmem:v54+s3+$0x0] =	vst.idx.msk $0xffff, v38;
	s1 =	sadd.s32 s2, s1  }
0x1a2: {  	[tilespmem:s6], [sflag:$0xF] =	stream.strided.gather [hbm4b:s1+s16], $0x800, s17, s16, $0x38;
	[tilespmem:$0xB190] =	vst v63  }
0x1a3: {  	_ =	swait.ge [sflag:s5], $0x800  }
0x1a4: {  	(v2sf) =	vpush v36, $0xF;
	_ =	sdelay $0xb  }
0x1a5: {  	v37 =	vbroadcast v37, $0xF;
	_ =	sdelay $0x1  }
0x1a6: {  	v37 =	vor.u32 v3, v37  }
0x1a7: {  	[sflag:s5] =	ssyncset.done $0x0;
	s1 =	spop (v2sf)  }
0x1a8: {  	v55 =	vmov s28;
	[sflag:s5] =	ssyncadd.s32 $0xFFFFF800;
	s6 =	sand.u32 $0x7F, s1  }
0x1a9: {  	v38 =	vmul.u32 $0x11, v55;
	p6 =	slt.s32 s1, $0x1;
	p5 =	sne.s32 s6, $0x0;
	s6 =	sshra.s32 s1, $0x1F  }
0x1aa: {  	s30 =	sshrl.u32 s6, $0x19;
	p0 =	por !p6, !p5;
	s6 =	simm.s32 $0xA990  }
0x1ab: {  	v56 =	vadd.s32 s25, v0;
	v38 =	vbroadcast v38, $0x0;
	v37 =	vld.idx.msk [tilespmem:v37+s6+$0x0], $0xffff;
	s1 =	sadd.s32 s30, s1;
	p0 =	por !p0, !p0;
	s30 =	simm.s32 $0x1  }
0x1ac: {  	s1 =	sshrl.u32 s1, $0x7;
	s30 =	simm.s32 @!p0 $0x0  }
0x1ad: {  	v40 =	vadd.s32 v1, v38;
	s1 =	ssub.s32 s1, s30  }
0x1ae: {  	s1 =	sshll.u32 s1, $0x7  }
0x1af: {  	s1 =	sand.u32 $0x1FFFFF80, s1  }
0x1b0: {  	[tilespmem:v56+s3+$0x0] =	vst.idx.msk $0xffff, v37;
	s1 =	sadd.s32 s2, s1  }
0x1b1: {  	[tilespmem:s6], [sflag:$0x10] =	stream.strided.gather [hbm4b:s1+s16], $0x800, s17, s16, $0x38;
	[tilespmem:$0xB190] =	vst v63  }
0x1b2: {  	v37 =	vld.idx.msk [tilespmem:v40+s3+$0x0], $0xffff;
	_ =	sdelay $0x2  }
0x1b3: {  	v57 =	vadd.s32 v4, v38;
	_ =	sdelay $0x1  }
0x1b4: {  	v37 =	vadd.f32 v37, v20;
	_ =	sdelay $0x1  }
0x1b5: {  	[tilespmem:$0x2480] =	vst v37  }
0x1b6: {  	v39 =	vld.idx.msk [tilespmem:v57+s3+$0x0], $0xffff;
	_ =	sdelay $0x2  }
0x1b7: {  	v58 =	vadd.s32 v5, v38;
	_ =	sdelay $0x1  }
0x1b8: {  	v39 =	vadd.f32 v39, v21;
	_ =	sdelay $0x1  }
0x1b9: {  	[tilespmem:$0x2490] =	vst v39  }
0x1ba: {  	v40 =	vld.idx.msk [tilespmem:v58+s3+$0x0], $0xffff;
	_ =	sdelay $0x2  }
0x1bb: {  	v41 =	vadd.s32 v6, v38;
	_ =	sdelay $0x1  }
0x1bc: {  	v40 =	vadd.f32 v40, v22;
	_ =	sdelay $0x1  }
0x1bd: {  	[tilespmem:$0x24A0] =	vst v40  }
0x1be: {  	v41 =	vld.idx.msk [tilespmem:v41+s3+$0x0], $0xffff;
	_ =	sdelay $0x2  }
0x1bf: {  	v42 =	vadd.s32 v7, v38;
	_ =	sdelay $0x1  }
0x1c0: {  	v41 =	vadd.f32 v41, v23;
	_ =	sdelay $0x1  }
0x1c1: {  	[tilespmem:$0x24B0] =	vst v41  }
0x1c2: {  	v42 =	vld.idx.msk [tilespmem:v42+s3+$0x0], $0xffff;
	_ =	sdelay $0x2  }
0x1c3: {  	v43 =	vadd.s32 v8, v38;
	_ =	sdelay $0x1  }
0x1c4: {  	v42 =	vadd.f32 v42, v24;
	_ =	sdelay $0x1  }
0x1c5: {  	[tilespmem:$0x24C0] =	vst v42  }
0x1c6: {  	v43 =	vld.idx.msk [tilespmem:v43+s3+$0x0], $0xffff;
	_ =	sdelay $0x2  }
0x1c7: {  	v44 =	vadd.s32 v9, v38;
	_ =	sdelay $0x1  }
0x1c8: {  	v43 =	vadd.f32 v43, v25;
	_ =	sdelay $0x1  }
0x1c9: {  	[tilespmem:$0x24D0] =	vst v43  }
0x1ca: {  	v44 =	vld.idx.msk [tilespmem:v44+s3+$0x0], $0xffff;
	_ =	sdelay $0x2  }
0x1cb: {  	v45 =	vadd.s32 v10, v38;
	_ =	sdelay $0x1  }
0x1cc: {  	v44 =	vadd.f32 v44, v26;
	_ =	sdelay $0x1  }
0x1cd: {  	[tilespmem:$0x24E0] =	vst v44  }
0x1ce: {  	v45 =	vld.idx.msk [tilespmem:v45+s3+$0x0], $0xffff;
	_ =	sdelay $0x2  }
0x1cf: {  	v46 =	vadd.s32 v11, v38;
	_ =	sdelay $0x1  }
0x1d0: {  	v45 =	vadd.f32 v45, v27;
	_ =	sdelay $0x1  }
0x1d1: {  	[tilespmem:$0x24F0] =	vst v45  }
0x1d2: {  	v46 =	vld.idx.msk [tilespmem:v46+s3+$0x0], $0xffff;
	_ =	sdelay $0x2  }
0x1d3: {  	v47 =	vadd.s32 v12, v38;
	_ =	sdelay $0x1  }
0x1d4: {  	v46 =	vadd.f32 v46, v28;
	_ =	sdelay $0x1  }
0x1d5: {  	[tilespmem:$0x2500] =	vst v46  }
0x1d6: {  	v47 =	vld.idx.msk [tilespmem:v47+s3+$0x0], $0xffff;
	_ =	sdelay $0x2  }
0x1d7: {  	v48 =	vadd.s32 v13, v38;
	_ =	sdelay $0x1  }
0x1d8: {  	v47 =	vadd.f32 v47, v29;
	_ =	sdelay $0x1  }
0x1d9: {  	[tilespmem:$0x2510] =	vst v47  }
0x1da: {  	v48 =	vld.idx.msk [tilespmem:v48+s3+$0x0], $0xffff;
	_ =	sdelay $0x2  }
0x1db: {  	v49 =	vadd.s32 v14, v38;
	_ =	sdelay $0x1  }
0x1dc: {  	v48 =	vadd.f32 v48, v30;
	_ =	sdelay $0x1  }
0x1dd: {  	[tilespmem:$0x2520] =	vst v48  }
0x1de: {  	v49 =	vld.idx.msk [tilespmem:v49+s3+$0x0], $0xffff;
	_ =	sdelay $0x2  }
0x1df: {  	v50 =	vadd.s32 v15, v38;
	_ =	sdelay $0x1  }
0x1e0: {  	v49 =	vadd.f32 v49, v31;
	_ =	sdelay $0x1  }
0x1e1: {  	[tilespmem:$0x2530] =	vst v49  }
0x1e2: {  	v50 =	vld.idx.msk [tilespmem:v50+s3+$0x0], $0xffff;
	_ =	sdelay $0x2  }
0x1e3: {  	v51 =	vadd.s32 v16, v38;
	_ =	sdelay $0x1  }
0x1e4: {  	v50 =	vadd.f32 v50, v32;
	_ =	sdelay $0x1  }
0x1e5: {  	[tilespmem:$0x2540] =	vst v50  }
0x1e6: {  	v51 =	vld.idx.msk [tilespmem:v51+s3+$0x0], $0xffff;
	_ =	sdelay $0x2  }
0x1e7: {  	v52 =	vadd.s32 v17, v38;
	_ =	sdelay $0x1  }
0x1e8: {  	v51 =	vadd.f32 v51, v33;
	_ =	sdelay $0x1  }
0x1e9: {  	[tilespmem:$0x2550] =	vst v51  }
0x1ea: {  	v53 =	vmax.f32 v37, $-1.000000020e+30;
	v52 =	vld.idx.msk [tilespmem:v52+s3+$0x0], $0xffff  }
0x1eb: {  	v53 =	vmax.f32 v53, v39  }
0x1ec: {  	v53 =	vmax.f32 v53, v40  }
0x1ed: {  	v38 =	vadd.s32 v18, v38;
	v53 =	vmax.f32 v53, v41  }
0x1ee: {  	v53 =	vmax.f32 v53, v42  }
0x1ef: {  	v53 =	vmax.f32 v53, v43;
	v52 =	vadd.f32 v52, v34  }
0x1f0: {  	v53 =	vmax.f32 v53, v44  }
0x1f1: {  	v53 =	vmax.f32 v53, v45;
	[tilespmem:$0x2560] =	vst v52  }
0x1f2: {  	v53 =	vmax.f32 v53, v46;
	v38 =	vld.idx.msk [tilespmem:v38+s3+$0x0], $0xffff  }
0x1f3: {  	v53 =	vmax.f32 v53, v47  }
0x1f4: {  	v53 =	vmax.f32 v53, v48  }
0x1f5: {  	v53 =	vmax.f32 v53, v49  }
0x1f6: {  	v53 =	vmax.f32 v53, v50  }
0x1f7: {  	v53 =	vmax.f32 v53, v51;
	v38 =	vadd.f32 v38, v35  }
0x1f8: {  	v53 =	vmax.f32 v53, v52  }
0x1f9: {  	v53 =	vmax.f32 v53, v38  }
0x1fa: {  	v37 =	vsub.f32 v37, v53;
	_ =	sdelay $0x1  }
0x1fb: {  	v39 =	vsub.f32 v39, v53;
	v37 =	vmul.f32 $1.442695020e+00, v37;
	_ =	sdelay $0x1  }
0x1fc: {  	v59 =	vmul.f32 $1.442695020e+00, v39;
	(erf) = vpow2.f32 v37  }
0x1fd: {  	v60 =	vsub.f32 v40, v53  }
0x1fe: {  	(erf) = vpow2.f32 v59  }
0x1ff: {  	v62 =	vsub.f32 v41, v53;
	v61 =	vmul.f32 $1.442695020e+00, v60;
	_ =	sdelay $0x1  }
0x200: {  	v42 =	vsub.f32 v42, v53;
	v63 =	vmul.f32 $1.442695020e+00, v62;
	(erf) = vpow2.f32 v61;
	_ =	sdelay $0x1  }
0x201: {  	v55 =	vsub.f32 v43, v53;
	v54 =	vmul.f32 $1.442695020e+00, v42;
	(erf) = vpow2.f32 v63;
	_ =	sdelay $0x1  }
0x202: {  	v58 =	vsub.f32 v44, v53;
	v57 =	vmul.f32 $1.442695020e+00, v55;
	v56 =	vpop (erf);
	(erf) = vpow2.f32 v54  }
0x203: {  	v61 =	vsub.f32 v45, v53  }
0x204: {  	v60 =	vmul.f32 $1.442695020e+00, v58;
	v40 =	vadd.f32 $0.0e+00, v56;
	v59 =	vpop (erf);
	(erf) = vpow2.f32 v57  }
0x205: {  	v63 =	vsub.f32 v46, v53;
	v62 =	vmul.f32 $1.442695020e+00, v61  }
0x206: {  	(erf) = vpow2.f32 v60;
	v40 =	vadd.f32 v40, v59  }
0x207: {  	v45 =	vmul.f32 $1.442695020e+00, v63;
	v44 =	vpop (erf);
	(erf) = vpow2.f32 v62  }
0x208: {  	v47 =	vsub.f32 v47, v53;
	v40 =	vadd.f32 v40, v44  }
0x209: {  	v56 =	vsub.f32 v48, v53;
	v46 =	vpop (erf);
	(erf) = vpow2.f32 v45  }
0x20a: {  	v55 =	vmul.f32 $1.442695020e+00, v47;
	v39 =	vadd.f32 v40, v46  }
0x20b: {  	v58 =	vmul.f32 $1.442695020e+00, v56;
	v54 =	vpop (erf)  }
0x20c: {  	v59 =	vsub.f32 v49, v53;
	(erf) = vpow2.f32 v55;
	v37 =	vadd.f32 v39, v54  }
0x20d: {  	v62 =	vsub.f32 v50, v53;
	v57 =	vpop (erf)  }
0x20e: {  	v61 =	vmul.f32 $1.442695020e+00, v59;
	(erf) = vpow2.f32 v58;
	v37 =	vadd.f32 v37, v57  }
0x20f: {  	v45 =	vsub.f32 v51, v53;
	v60 =	vpop (erf)  }
0x210: {  	v44 =	vmul.f32 $1.442695020e+00, v62;
	v63 =	vpop (erf);
	(erf) = vpow2.f32 v61;
	v37 =	vadd.f32 v37, v60  }
0x211: {  	v48 =	vsub.f32 v52, v53  }
0x212: {  	v47 =	vmul.f32 $1.442695020e+00, v45;
	v46 =	vpop (erf);
	(erf) = vpow2.f32 v44;
	v37 =	vadd.f32 v37, v63  }
0x213: {  	v49 =	vmul.f32 $1.442695020e+00, v48  }
0x214: {  	v50 =	vsub.f32 v38, v53;
	(erf) = vpow2.f32 v47;
	v37 =	vadd.f32 v37, v46  }
0x215: {  	v51 =	vpop (erf)  }
0x216: {  	v52 =	vmul.f32 $1.442695020e+00, v50;
	(erf) = vpow2.f32 v49;
	v37 =	vadd.f32 v37, v51  }
0x217: {  	v54 =	vpop (erf)  }
0x218: {  	(erf) = vpow2.f32 v52;
	v37 =	vadd.f32 v37, v54  }
0x219: {  	v55 =	vpop (erf)  }
0x21a: {  	v37 =	vadd.f32 v37, v55  }
0x21b: {  	v56 =	vpop (erf)  }
0x21c: {  	v37 =	vadd.f32 v37, v56  }
0x21d: {  	v57 =	vpop (erf)  }
0x21e: {  	v37 =	vadd.f32 v37, v57  }
0x21f: {  	v58 =	vpop (erf)  }
0x220: {  	v37 =	vadd.f32 v37, v58  }
0x221: {  	v59 =	vpop (erf)  }
0x222: {  	v37 =	vadd.f32 v37, v59;
	_ =	sdelay $0x1  }
0x223: {  	v39 =	vand.u32 $0x7FFFFF, v37  }
0x224: {  	v39 =	vor.u32 $0x3F800000, v39  }
0x225: {  	v60 =	vmul.f32 $5.000000000e-01, v39  }
0x226: {  	vm0 =	vgt.f32 v39, $1.414213540e+00  }
0x227: {  	v39 =	vsel vm0, v60, v39  }
0x228: {  	v40 =	vadd.f32 $1.000000000e+00, v39;
	_ =	sdelay $0x1  }
0x229: {  	(erf) = vrcp.f32 v40;
	_ =	sdelay $0x7  }
0x22a: {  	v39 =	vadd.f32 $-1.000000000e+00, v39  }
0x22b: {  	v40 =	vpop (erf)  }
0x22c: {  	v39 =	vmul.f32 v40, v39  }
0x22d: {  	[tilespmem:$0x2570] =	vst v38  }
0x22e: {  	v38 =	vld [tilespmem:s23+$0x0];
	v40 =	vmul.f32 v39, v39;
	_ =	sdelay $0x1  }
0x22f: {  	v61 =	vmul.f32 $1.428571490e-01, v40;
	_ =	sdelay $0x1  }
0x230: {  	v41 =	vadd.f32 $2.000000030e-01, v61  }
0x231: {  	v38 =	vshll.u32 v38, $0x4  }
0x232: {  	v38 =	vor.u32 v0, v38;
	v41 =	vmul.f32 v41, v40;
	_ =	sdelay $0x1  }
0x233: {  	v41 =	vadd.f32 $3.333333430e-01, v41  }
0x234: {  	v37 =	vshra.s32 v37, $0x17;
	v62 =	vsel vm0, $0x1, v2  }
0x235: {  	s30 =	rddreg [dreg:$0x9];
	v37 =	vadd.s32 v62, v37;
	v40 =	vmul.f32 v41, v40  }
0x236: {  	v38 =	vld.idx.msk [tilespmem:v38+s30+$0x0], $0xffff;
	v37 =	vadd.s32 $0xFFFFFF81, v37  }
0x237: {  	v37 =	vcvt.s32.f32 v37;
	v39 =	vadd.f32 v39, v39;
	v40 =	vadd.f32 $1.000000000e+00, v40;
	_ =	sdelay $0x1  }
0x238: {  	v37 =	vmul.f32 $6.931471820e-01, v37;
	v39 =	vmul.f32 v40, v39;
	_ =	sdelay $0x1  }
0x239: {  	v63 =	vld [tilespmem:s24+$0x0];
	v38 =	vsub.f32 v38, v53;
	v37 =	vadd.f32 v39, v37;
	_ =	sdelay $0x1  }
0x23a: {  	v37 =	vsub.f32 v38, v37;
	_ =	sdelay $0x1  }
0x23b: {  	p0 =	sne.s32 s25, $0x21EF;
	v37 =	vmax.f32 v37, $-1.381551070e+01  }
.Ltmp0:
0x23c: {  	v37 =	vmul.f32 v37, v63;
	(pc) =	sbr.rel @p0 .LBB2_2-.Ltmp0, $4  }
0x23d: {  	_ = 	snop  }
0x23e: {  	s26 =	sadd.s32 $0x10, s26  }
0x23f: {  	s28 =	sadd.s32 $0x10, s28;
	s31 =	simm.s32 $0x1;
	s25 =	sadd.s32 $0x110, s25  }
0x240: {  	s23 =	sadd.s32 $0x10, s23;
	s24 =	sadd.s32 $0x10, s24;
	[tilespmem:s29+$0x0] =	vst v37;
	s29 =	sadd.s32 $0x10, s29;
	v19 =	vadd.f32 v37, v19;
	v37 =	vmov v36  }
0x241: {  	_ =	swait.ge [sflag:s31], $0x800  }
0x242: {  	[sflag:s31] =	ssyncset.done $0x0  }
0x243: {  	[sflag:s31] =	ssyncadd.s32 $0xFFFFF800  }
0x244: {  	_ =	swait.ge [sflag:s21], $0x800  }
0x245: {  	[sflag:s21] =	ssyncset.done $0x0  }
0x246: {  	[sflag:s21] =	ssyncadd.s32 $0xFFFFF800  }
0x247: {  	_ =	swait.ge [sflag:s22], $0x800  }
0x248: {  	[sflag:s22] =	ssyncset.done $0x0  }
0x249: {  	[sflag:s22] =	ssyncadd.s32 $0xFFFFF800  }
0x24a: {  	_ =	swait.ge [sflag:s4], $0x800  }
0x24b: {  	[sflag:s4] =	ssyncset.done $0x0  }
0x24c: {  	[sflag:s4] =	ssyncadd.s32 $0xFFFFF800  }
0x24d: {  	_ =	swait.ge [sflag:s9], $0x800  }
0x24e: {  	[sflag:s9] =	ssyncset.done $0x0  }
0x24f: {  	[sflag:s9] =	ssyncadd.s32 $0xFFFFF800  }
0x250: {  	_ =	swait.ge [sflag:s11], $0x800  }
0x251: {  	[sflag:s11] =	ssyncset.done $0x0  }
0x252: {  	[sflag:s11] =	ssyncadd.s32 $0xFFFFF800  }
0x253: {  	_ =	swait.ge [sflag:s0], $0x800  }
0x254: {  	[sflag:s0] =	ssyncset.done $0x0  }
0x255: {  	[sflag:s0] =	ssyncadd.s32 $0xFFFFF800  }
0x256: {  	_ =	swait.ge [sflag:s10], $0x800  }
0x257: {  	[sflag:s10] =	ssyncset.done $0x0  }
0x258: {  	[sflag:s10] =	ssyncadd.s32 $0xFFFFF800  }
0x259: {  	_ =	swait.ge [sflag:s12], $0x800  }
0x25a: {  	[sflag:s12] =	ssyncset.done $0x0  }
0x25b: {  	[sflag:s12] =	ssyncadd.s32 $0xFFFFF800  }
0x25c: {  	_ =	swait.ge [sflag:s18], $0x800  }
0x25d: {  	[sflag:s18] =	ssyncset.done $0x0  }
0x25e: {  	[sflag:s18] =	ssyncadd.s32 $0xFFFFF800  }
0x25f: {  	_ =	swait.ge [sflag:s20], $0x800  }
0x260: {  	[sflag:s20] =	ssyncset.done $0x0  }
0x261: {  	[sflag:s20] =	ssyncadd.s32 $0xFFFFF800  }
0x262: {  	_ =	swait.ge [sflag:s13], $0x800  }
0x263: {  	[sflag:s13] =	ssyncset.done $0x0  }
0x264: {  	[sflag:s13] =	ssyncadd.s32 $0xFFFFF800  }
0x265: {  	_ =	swait.ge [sflag:s19], $0x800  }
0x266: {  	[sflag:s19] =	ssyncset.done $0x0  }
0x267: {  	[sflag:s19] =	ssyncadd.s32 $0xFFFFF800  }
0x268: {  	_ =	swait.ge [sflag:s14], $0x800  }
0x269: {  	[sflag:s14] =	ssyncset.done $0x0  }
0x26a: {  	[sflag:s14] =	ssyncadd.s32 $0xFFFFF800  }
0x26b: {  	_ =	swait.ge [sflag:s15], $0x800  }
0x26c: {  	[sflag:s15] =	ssyncset.done $0x0  }
0x26d: {  	[sflag:s15] =	ssyncadd.s32 $0xFFFFF800  }
0x26e: {  	_ =	swait.ge [sflag:s5], $0x800  }
0x26f: {  	s25 =	simm.s32 $0x0;
	s28 =	simm.s32 $0x11;
	[sflag:s5] =	ssyncset.done $0x0  }
0x270: {  	s19 =	simm.s32 $0x2980;
	s1 =	rddreg [dreg:$0xd];
	[sflag:s5] =	ssyncadd.s32 $0xFFFFF800  }
0x271: {  	[hbm4b:s1+s25] =	stream.linear.scatter [tilespmem:s19], [sflag:$0x11], $0x200, $0x38;
	[tilespmem:$0xB190] =	vst v63  }
0x272: {  	_ =	swait.ge [sflag:s28], $0x200  }
0x273: {  	[sflag:s28] =	ssyncset.done $0x0  }
0x274: {  	[sflag:s28] =	ssyncadd.s32 $0xFFFFFE00  }
0x275: {  	s23 =	simm.s32 $0x2C00;
	s20 =	rddreg [dreg:$0xe];
	[tilespmem:$0x2C00] =	vst v19  }
0x276: {  	[spmem:s20] =	stream.linear.scatter [tilespmem:s23], [sflag:$0x11], $0x10, $0x38;
	[tilespmem:$0xB190] =	vst v63  }
0x277: {  	_ =	swait.ge [sflag:s28], $0x10  }
0x278: {  	[sflag:s28] =	ssyncset.done $0x0  }
0x279: {  	s24 =	stileid.u32;
	[sflag:s28] =	ssyncadd.s32 $0xFFFFFFF0  }
0x27a: {  	p0 =	sne.s32 s24, $0x0;
	[bflag:$0x0] =	sbarrier.arrive $0xFFFF  }
0x27b: {  	s1 =	simm.s32 @!p0 $0x3080;
	s23 =	rddreg [dreg:$0x7]  }
0x27c: {  	[tilespmem:s1], [sflag:$0x11] =	stream.linear.gather @!p0 [spmem:s23], $0x100, $0x38;
	[tilespmem:$0xB190] =	vst v63  }
0x27d: {  	s1 =	simm.s32 @!p0 $0x11  }
0x27e: {  	_ =	swait.ge @!p0 [sflag:s1], $0x100  }
0x27f: {  	[sflag:s1] =	ssyncset.done @!p0 $0x0  }
0x280: {  	[sflag:s1] =	ssyncadd.s32 @!p0 $0xFFFFFF00  }
0x281: {  	v19 =	vld @!p0 [tilespmem:$0x3080];
	_ =	sdelay $0x1  }
0x282: {  	v20 =	vld @!p0 [tilespmem:$0x3090];
	_ =	sdelay $0x1  }
0x283: {  	v21 =	vld @!p0 [tilespmem:$0x30A0]  }
0x284: {  	v19 =	vadd.f32 @!p0 $0.0e+00, v19  }
0x285: {  	v22 =	vld @!p0 [tilespmem:$0x30B0]  }
0x286: {  	v19 =	vadd.f32 @!p0 v20, v19  }
0x287: {  	v20 =	vld @!p0 [tilespmem:$0x30C0]  }
0x288: {  	v19 =	vadd.f32 @!p0 v21, v19  }
0x289: {  	v21 =	vld @!p0 [tilespmem:$0x30D0]  }
0x28a: {  	v19 =	vadd.f32 @!p0 v22, v19  }
0x28b: {  	v22 =	vld @!p0 [tilespmem:$0x30E0]  }
0x28c: {  	v19 =	vadd.f32 @!p0 v20, v19  }
0x28d: {  	v20 =	vld @!p0 [tilespmem:$0x30F0]  }
0x28e: {  	v19 =	vadd.f32 @!p0 v21, v19  }
0x28f: {  	v21 =	vld @!p0 [tilespmem:$0x3100]  }
0x290: {  	v19 =	vadd.f32 @!p0 v22, v19  }
0x291: {  	v22 =	vld @!p0 [tilespmem:$0x3110]  }
0x292: {  	v19 =	vadd.f32 @!p0 v20, v19  }
0x293: {  	v20 =	vld @!p0 [tilespmem:$0x3120]  }
0x294: {  	v19 =	vadd.f32 @!p0 v21, v19  }
0x295: {  	v21 =	vld @!p0 [tilespmem:$0x3130]  }
0x296: {  	v19 =	vadd.f32 @!p0 v22, v19  }
0x297: {  	v22 =	vld @!p0 [tilespmem:$0x3140]  }
0x298: {  	v19 =	vadd.f32 @!p0 v20, v19  }
0x299: {  	v20 =	vld @!p0 [tilespmem:$0x3150]  }
0x29a: {  	v19 =	vadd.f32 @!p0 v21, v19  }
0x29b: {  	v21 =	vld @!p0 [tilespmem:$0x3160]  }
0x29c: {  	v19 =	vadd.f32 @!p0 v22, v19  }
0x29d: {  	v22 =	vld @!p0 [tilespmem:$0x3170]  }
0x29e: {  	v19 =	vadd.f32 @!p0 v20, v19;
	_ =	sdelay $0x1  }
0x29f: {  	v19 =	vadd.f32 @!p0 v21, v19;
	_ =	sdelay $0x1  }
0x2a0: {  	v19 =	vadd.f32 @!p0 v22, v19;
	_ =	sdelay $0x1  }
0x2a1: {  	(xrf2) =	vadd.scan.msk.f32 @!p0 $0xffff, v19;
	_ =	sdelay $0x9  }
0x2a2: {  	v19, _, _ =	vpop @!p0 (xrf2)  }
0x2a3: {  	v19 =	vbroadcast @!p0 v19, $0xF;
	_ =	sdelay $0x1  }
0x2a4: {  	[tilespmem:$0x2C80] =	vst @!p0 v19  }
0x2a5: {  	[tilespmem:$0x2D00] =	vst @!p0 v19  }
0x2a6: {  	[tilespmem:$0x2D80] =	vst @!p0 v19  }
0x2a7: {  	[tilespmem:$0x2E00] =	vst @!p0 v19  }
0x2a8: {  	[tilespmem:$0x2E80] =	vst @!p0 v19  }
0x2a9: {  	[tilespmem:$0x2F00] =	vst @!p0 v19  }
0x2aa: {  	[tilespmem:$0x2F80] =	vst @!p0 v19  }
0x2ab: {  	s24 =	simm.s32 @!p0 $0x2C80;
	s23 =	simm.s32 @!p0 $0x0;
	s26 =	rddreg [dreg:$0xf];
	[tilespmem:$0x3000] =	vst @!p0 v19  }
0x2ac: {  	[hbm4b:s26+s23] =	stream.linear.scatter @!p0 [tilespmem:s24], [sflag:$0x11], $0x400, $0x38;
	[tilespmem:$0xB190] =	vst v63  }
0x2ad: {  	_ =	swait.ge @!p0 [sflag:s1], $0x400  }
0x2ae: {  	s29 =	simm.s32 $0x3190;
	s26 =	rddreg [dreg:$0x11]  }
0x2af: {  	s6 =	simm.s32 $0x5190;
	s30 =	rddreg [dreg:$0x10];
	s20 =	sadd.s32 $0x1, s26  }
0x2b0: {  	s7 =	simm.s32 $0x5990;
	s8 =	simm.s32 $0x6190;
	p1 =	sne.s32 s20, s30  }
.Ltmp1:
0x2b1: {  	s4 =	simm.s32 $0x8990;
	s9 =	simm.s32 $0x7190;
	(pc) =	sbr.rel @p1 .LBB2_1-.Ltmp1, $4  }
0x2b2: {  	s11 =	simm.s32 $0x8190;
	s0 =	simm.s32 $0x6990;
	s10 =	simm.s32 $0x7990  }
0x2b3: {  	s12 =	simm.s32 $0x9190;
	s18 =	simm.s32 $0xA190;
	s13 =	simm.s32 $0x9990  }
0x2b4: {  	s14 =	simm.s32 $0x3990;
	s15 =	simm.s32 $0x4190;
	[sflag:s1] =	ssyncset.done @!p0 $0x0  }
0x2b5: {  	s5 =	simm.s32 $0x4990;
	s19 =	simm.s32 $0xA990;
	[sflag:s1] =	ssyncadd.s32 @!p0 $0xFFFFFC00  }
0x2b6: {  	_ =	sfence.sel $0x180000  }
0x2b7: {  	[bflag:$0x0] =	sbarrier.arrive $0xFFFF  }
0x2b8: {  	_ =	strace $0x90000047  }
0x2b9: {  	[bflag:$0x2] =	sbarrier.arrive $0xFFFF  }
0x2ba: {  	s0 =	rddreg [dreg:$0x8]  }
0x2bb: {  	s0 =	sadd.s32 @!p0 $0x100000, s0  }
0x2bc: {  	[sflag:s0] =	ssyncadd.tile.s32 @!p0 $0x1;
	_ =	shalt  }
.Lfunc_end2:
_tile_overlayer_lowered:
.L_overlay_start_2:
0x2bd: {  	(tag) =	ssettag $0x2  }
0x2be: {  	s0 =	rddreg [dreg:$0x0];
	s2 =	stileid.u32  }
0x2bf: {  	s1 =	rddreg [dreg:$0x1];
	p0 =	sne.s32 s2, $0x0  }
0x2c0: {  	s3 =	rddreg [dreg:$0x2];
	[bflag:$0x3] =	sbarrier.arrive $0xFFFF;
	s2 =	simm.s32 @!p0 $0x1C11  }
0x2c1: {  	[timem:s3], [sflag:s2] =	dma.local @!p0 [hbm:s0], s1  }
0x2c2: {  	s0 =	simm.s32 @!p0 $0x11  }
0x2c3: {  	_ =	swait.ge @!p0 [sflag:s0], s1  }
0x2c4: {  	s1 =	ssub.s32 @!p0 $0x0, s1;
	[sflag:s0] =	ssyncset.done @!p0 $0x0  }
0x2c5: {  	[sflag:s0] =	ssyncadd.s32 @!p0 s1  }
0x2c6: {  	[bflag:$0x3] =	sbarrier.arrive $0xFFFF  }
0x2c7: {  	_ =	shalt  }

</sc_bundles>
